<compile_context>
chip_gen: v7x
topology: tpu7x:2x2x1
jax: 0.10.2.dev20260603
libtpu: 0.0.44.dev20260713+nightly
codegen_flags: <defaults>
</compile_context>

<pallas_src>
import functools

import jax
import jax.numpy as jnp
import numpy as np
from jax import lax
from jax.experimental import pallas as pl
from jax.experimental.pallas import tpu as pltpu
from jax.experimental.pallas import tpu_sc as plsc

_B, _C, _N, _K = 8, 96, 1024, 9
_CP = 128
_M = 512
_R = 512
_BH = _B // 2


def _prep_body(xf_ref, xc_ref, a_ref, bm_ref, b1_ref, idx_ref, p_ref, q_ref):
    b = pl.program_id(0)
    xf = xf_ref[0]
    xc = xc_ref[0]
    sq = jnp.sum(xf * xf, axis=0, keepdims=True)
    g = lax.dot_general(xc, xf, (((0,), (0,)), ((), ())),
                        preferred_element_type=jnp.float32)
    score = sq - 2.0 * g
    iota_f = lax.broadcasted_iota(jnp.int32, (_M, _N), 1).astype(jnp.float32)
    cols = []
    m = jnp.min(score, axis=1, keepdims=True)
    for j in range(_K):
        cmp = score == m
        cols.append(jnp.min(jnp.where(cmp, iota_f, 65536.0), axis=1,
                            keepdims=True).astype(jnp.int32))
        if j + 1 < _K:
            score = jnp.where(cmp, jnp.inf, score)
            m = jnp.min(score, axis=1, keepdims=True)
    idx_ref[0] = jnp.concatenate(cols, axis=1) + b * _N
    wc = a_ref[...] - bm_ref[...]
    pad = jnp.zeros((_M, _CP - _C), jnp.float32)
    pv = lax.dot_general(xc, wc, (((0,), (1,)), ((), ())),
                         preferred_element_type=jnp.float32) + b1_ref[...]
    p_ref[0] = jnp.concatenate([pv, pad], axis=1)
    qv = lax.dot_general(xc, bm_ref[...], (((0,), (1,)), ((), ())),
                         preferred_element_type=jnp.float32)
    q_ref[0] = jnp.concatenate([qv, pad], axis=1)


def _prep_call(xr, w1a, w1b, b1row, off, interpret=False):
    return pl.pallas_call(
        _prep_body,
        grid=(_BH, _N // _M),
        in_specs=[
            pl.BlockSpec((1, _C, _N), lambda b, t: (b + off, 0, 0)),
            pl.BlockSpec((1, _C, _M), lambda b, t: (b + off, 0, t)),
            pl.BlockSpec((_C, _C), lambda b, t: (0, 0)),
            pl.BlockSpec((_C, _C), lambda b, t: (0, 0)),
            pl.BlockSpec((1, _C), lambda b, t: (0, 0)),
        ],
        out_specs=[
            pl.BlockSpec((1, _M, _K), lambda b, t: (b, t, 0)),
            pl.BlockSpec((1, _M, _CP), lambda b, t: (b, t, 0)),
            pl.BlockSpec((1, _M, _CP), lambda b, t: (b, t, 0)),
        ],
        out_shape=[
            jax.ShapeDtypeStruct((_BH, _N, _K), jnp.int32),
            jax.ShapeDtypeStruct((_BH, _N, _CP), jnp.float32),
            jax.ShapeDtypeStruct((_BH, _N, _CP), jnp.float32),
        ],
        interpret=interpret,
    )(xr, xr, w1a, w1b, b1row)


_TOTH = _BH * _N * _K
_NW = 32
_PWH = _TOTH // _NW
_CH = 128
_NCHH = _PWH // _CH
_NB = 3
_NGH = _NCHH // _NB


def _gather_body(q_hbm, idx_hbm, pos_hbm, out_hbm, idx_v, pos_v, rows_v,
                 gsem, ssem0, ssem1):
    wid = lax.axis_index("s") * 2 + lax.axis_index("c")
    pltpu.sync_copy(idx_hbm.at[pl.ds(wid * _NCHH, _NCHH)], idx_v)
    pltpu.sync_copy(pos_hbm.at[pl.ds(wid * _NCHH, _NCHH)], pos_v)
    ssems = (ssem0, ssem1)
    pending = [[], []]
    for g in range(_NGH):
        buf = g % 2
        for d in pending[buf]:
            d.wait()
        pending[buf] = []
        gds = []
        for i in range(_NB):
            c = g * _NB + i
            gds.append(pltpu.async_copy(q_hbm.at[idx_v.at[c, 0]],
                                        rows_v.at[buf, i], gsem))
        for d in gds:
            d.wait()
        for i in range(_NB):
            c = g * _NB + i
            pending[buf].append(
                pltpu.async_copy(rows_v.at[buf, i],
                                 out_hbm.at[pos_v.at[c, 0]], ssems[buf]))
    for par in (0, 1):
        for d in pending[par]:
            d.wait()


@functools.cache
def _gather_call():
    return pl.kernel(
        _gather_body,
        out_type=jax.ShapeDtypeStruct((_TOTH, _CP), jnp.float32),
        mesh=plsc.VectorSubcoreMesh(core_axis_name="c", subcore_axis_name="s"),
        scratch_types=[
            pltpu.VMEM((_NCHH, 1, _CH), jnp.int32),
            pltpu.VMEM((_NCHH, 1, _CH), jnp.int32),
            pltpu.VMEM((2, _NB, _CH, _CP), jnp.float32),
            pltpu.SemaphoreType.DMA,
            pltpu.SemaphoreType.DMA,
            pltpu.SemaphoreType.DMA,
        ],
    )


def _mlp_body(qg_ref, p_ref, w2_ref, b2_ref, msg_ref):
    p = p_ref[0]
    w2p = jnp.concatenate(
        [w2_ref[...], jnp.zeros((_C, _CP - _C), jnp.float32)], axis=1)
    acc = None
    for j in range(_K):
        v = p + qg_ref[0, j]
        v = jnp.where(v >= 0, v, 0.2 * v)
        hj = lax.dot_general(w2p, v, (((1,), (1,)), ((), ())),
                             preferred_element_type=jnp.float32)
        acc = hj if acc is None else jnp.maximum(acc, hj)
    msg_ref[0] = acc + b2_ref[...]


def _mlp_call(qg, p, w2, b2col, interpret=False):
    return pl.pallas_call(
        _mlp_body,
        grid=(_BH, _N // _R),
        in_specs=[
            pl.BlockSpec((1, _K, _R, _CP), lambda b, t: (b, 0, t, 0)),
            pl.BlockSpec((1, _R, _CP), lambda b, t: (b, t, 0)),
            pl.BlockSpec((_C, _C), lambda b, t: (0, 0)),
            pl.BlockSpec((_C, 1), lambda b, t: (0, 0)),
        ],
        out_specs=pl.BlockSpec((1, _C, _R), lambda b, t: (b, 0, t)),
        out_shape=jax.ShapeDtypeStruct((_BH, _C, _N), jnp.float32),
        interpret=interpret,
    )(qg, p, w2, b2col)


def _bn_body(msg0_ref, msg1_ref, x_ref, gamma_ref, beta_ref, out_ref):
    halves = (msg0_ref, msg1_ref)
    s = None
    for h in range(2):
        for b in range(_BH):
            sb = jnp.sum(halves[h][b], axis=1, keepdims=True)
            s = sb if s is None else s + sb
    mean = s * (1.0 / (_B * _N))
    v = None
    for h in range(2):
        for b in range(_BH):
            c = halves[h][b] - mean
            vb = jnp.sum(c * c, axis=1, keepdims=True)
            v = vb if v is None else v + vb
    var = v * (1.0 / (_B * _N))
    scale = lax.rsqrt(var + 1e-5) * gamma_ref[...]
    shift = beta_ref[...] - mean * scale
    for h in range(2):
        for b in range(_BH):
            out_ref[h * _BH + b] = jnp.maximum(
                halves[h][b] * scale + shift + x_ref[h * _BH + b], 0.0)


def _bn_call(msg0, msg1, xr, gammacol, betacol, interpret=False):
    return pl.pallas_call(
        _bn_body,
        out_shape=jax.ShapeDtypeStruct((_B, _C, _N), jnp.float32),
        interpret=interpret,
    )(msg0, msg1, xr, gammacol, betacol)


def _half(xr, w1a, w1b, b1row, W2, b2col, pos, off):
    idx, p, q = _prep_call(xr, w1a, w1b, b1row, off)
    qg = _gather_call()(q.reshape(_BH * _N, _CP), idx.reshape(-1, 1, _CH),
                        pos)
    return _mlp_call(qg.reshape(_BH, _K, _N, _CP), p, W2, b2col)


def kernel(x, W1, b1, W2, b2, gamma, beta):
    B, C, H, W = x.shape
    xr = x.reshape(B, C, H * W)
    w1a = W1[:, :C]
    w1b = W1[:, C:]
    b1row = b1.reshape(1, C)
    b2col = b2.reshape(C, 1)
    i = np.arange(_TOTH, dtype=np.int32)
    pos = ((i // (_N * _K)) * (_K * _N) + (i % _K) * _N + (i // _K) % _N)
    pos = jnp.asarray(pos.reshape(-1, 1, _CH))
    msg0 = _half(xr, w1a, w1b, b1row, W2, b2col, pos, 0)
    msg1 = _half(xr, w1a, w1b, b1row, W2, b2col, pos, _BH)
    out = _bn_call(msg0, msg1, xr, gamma.reshape(C, 1), beta.reshape(C, 1))
    return out.reshape(B, C, H, W)

# --- scband reference (transcript-rebuilt; emitter-appended) ---
"""Pipeline reference for scband-dynamic-graph-block-1365799600614 (READ-ONLY COPY).

The authoritative reference and input builder live on the scoring server;
editing this copy changes nothing except your own understanding.
"""

import jax, jax.numpy as jnp
import numpy as np


def setup_inputs(seed: int = 0) -> dict:
    key = jax.random.key(seed)
    ks = jax.random.split(key, 4)
    B, C, H, W = 8, 96, 32, 32
    x = jax.random.normal(ks[0], (B, C, H, W), dtype=jnp.float32)
    W1 = jax.random.normal(ks[1], (C, 2 * C), dtype=jnp.float32) * 0.05
    b1 = jnp.zeros((C,), dtype=jnp.float32)
    W2 = jax.random.normal(ks[2], (C, C), dtype=jnp.float32) * 0.05
    b2 = jnp.zeros((C,), dtype=jnp.float32)
    gamma = jnp.ones((C,), dtype=jnp.float32)
    beta = jnp.zeros((C,), dtype=jnp.float32)
    return {"x": x, "W1": W1, "b1": b1, "W2": W2, "b2": b2, "gamma": gamma, "beta": beta}


def reference(x, W1, b1, W2, b2, gamma, beta):
    k = 9
    B, C, H, W = x.shape
    r = x
    feats = x.reshape(B, C, H * W).transpose(0, 2, 1)  # [B, N, C]
    sq = jnp.sum(feats * feats, axis=-1)  # [B, N]
    d2 = sq[:, :, None] + sq[:, None, :] - 2.0 * jnp.einsum('bnc,bmc->bnm', feats, feats)
    dist = jnp.sqrt(jnp.maximum(d2, 0.0))  # torch.cdist p=2
    # torch.topk(dist, k, largest=False) -> k smallest distances; indices only
    _, idx = jax.lax.top_k(-jax.lax.stop_gradient(dist), k)  # [B, N, k]
    neighbors = jax.vmap(lambda f, i: f[i])(feats, idx)  # [B, N, k, C]
    center = jnp.broadcast_to(feats[:, :, None, :], neighbors.shape)
    edge = jnp.concatenate([center, neighbors - center], axis=-1)  # [B, N, k, 2C]
    h = edge @ W1.T + b1
    h = jnp.where(h >= 0, h, 0.2 * h)  # LeakyReLU(0.2)
    h = h @ W2.T + b2
    msg = jnp.max(h, axis=2)  # [B, N, C]
    out = msg.transpose(0, 2, 1).reshape(B, C, H, W)
    # BatchNorm2d in training mode: batch statistics, biased variance, eps=1e-5
    mean = jnp.mean(out, axis=(0, 2, 3), keepdims=True)
    var = jnp.var(out, axis=(0, 2, 3), keepdims=True)
    outn = (out - mean) / jnp.sqrt(var + 1e-5)
    outn = outn * gamma.reshape(1, C, 1, 1) + beta.reshape(1, C, 1, 1)
    return jax.nn.relu(outn + r)

if __name__ == "__main__":
    import jax
    _d = setup_inputs()
    print(jax.jit(kernel)(*tuple(_d.values())))

</pallas_src>

<mosaic_0001>
#map = affine_map<(d0, d1) -> (0, 0)>
#map1 = affine_map<(d0, d1) -> (0, 0, 0)>
module attributes {stable_mosaic.version = 14 : i64} {
  func.func @_gather_body(%arg0: i32, %arg1: i32, %arg2: memref<4096x128xf32, #tpu.memory_space<hbm>>, %arg3: memref<288x1x128xi32, #tpu.memory_space<hbm>>, %arg4: memref<288x1x128xi32, #tpu.memory_space<hbm>>, %arg5: memref<36864x128xf32, #tpu.memory_space<hbm>>, %arg6: memref<9x1x128xi32, #tpu.memory_space<vmem>>, %arg7: memref<9x1x128xi32, #tpu.memory_space<vmem>>, %arg8: memref<2x3x128x128xf32, #tpu.memory_space<vmem>>, %arg9: memref<!tpu.dma_semaphore, #tpu.memory_space<semaphore_mem>>, %arg10: memref<!tpu.dma_semaphore, #tpu.memory_space<semaphore_mem>>, %arg11: memref<!tpu.dma_semaphore, #tpu.memory_space<semaphore_mem>>) attributes {dimension_semantics = [#tpu.dimension_semantics<core_parallel>, #tpu.dimension_semantics<subcore_parallel>], iteration_bounds = array<i64: 2, 16>, scalar_prefetch = 0 : i64, scratch_operands = 6 : i64, tpu.core_type = #tpu.core_type<sc_vector_subcore>, window_params = [{transform_indices = #map}, {transform_indices = #map1}, {transform_indices = #map1}, {transform_indices = #map}]} {
    %mul3A = arith.constant 2 : i32
    %mul3A_0 = arith.muli %arg1, %mul3A : i32
    %add3A = arith.addi %mul3A_0, %arg0 : i32
    %mul3A_1 = arith.constant 9 : i32
    %mul3A_2 = arith.muli %add3A, %mul3A_1 : i32
    "tpu.region"() ({
      %run_scoped3A = tpu.sem_alloc : memref<!tpu.dma_semaphore, #tpu.memory_space<semaphore_mem>>
      %dma_start3A_507 = arith.constant 0 : i32
      %dma_start3A_508 = arith.constant 0 : i32
      %dma_start3A_509 = tpu.memref_slice %arg3[%mul3A_2, %dma_start3A_507, %dma_start3A_508] : memref<288x1x128xi32, #tpu.memory_space<hbm>> -> memref<9x1x128xi32, #tpu.memory_space<hbm>>
      %dma_start3A_510 = arith.constant 0 : i32
      %dma_start3A_511 = arith.constant 0 : i32
      %dma_start3A_512 = tpu.memref_slice %arg3[%mul3A_2, %dma_start3A_510, %dma_start3A_511] : memref<288x1x128xi32, #tpu.memory_space<hbm>> -> memref<9x1x128xi32, #tpu.memory_space<hbm>>
      tpu.enqueue_dma source(%dma_start3A_512 : memref<9x1x128xi32, #tpu.memory_space<hbm>>) target(%arg6 : memref<9x1x128xi32, #tpu.memory_space<vmem>>) target_semaphore(%run_scoped3A : memref<!tpu.dma_semaphore, #tpu.memory_space<semaphore_mem>>)
      %dma_wait3A_513 = arith.constant 0 : i32
      %dma_wait3A_514 = arith.constant 0 : i32
      %dma_wait3A_515 = tpu.memref_slice %arg3[%mul3A_2, %dma_wait3A_513, %dma_wait3A_514] : memref<288x1x128xi32, #tpu.memory_space<hbm>> -> memref<9x1x128xi32, #tpu.memory_space<hbm>>
      %dma_wait3A_516 = arith.constant 0 : i32
      %dma_wait3A_517 = arith.constant 0 : i32
      %dma_wait3A_518 = tpu.memref_slice %arg3[%mul3A_2, %dma_wait3A_516, %dma_wait3A_517] : memref<288x1x128xi32, #tpu.memory_space<hbm>> -> memref<9x1x128xi32, #tpu.memory_space<hbm>>
      tpu.wait_dma2 semaphore(%run_scoped3A : memref<!tpu.dma_semaphore, #tpu.memory_space<semaphore_mem>>) src(%dma_wait3A_518 : memref<9x1x128xi32, #tpu.memory_space<hbm>>) dst(%arg6 : memref<9x1x128xi32, #tpu.memory_space<vmem>>)
      tpu.yield
    }) : () -> ()
    %mul3A_3 = arith.constant 9 : i32
    %mul3A_4 = arith.muli %add3A, %mul3A_3 : i32
    "tpu.region"() ({
      %run_scoped3A = tpu.sem_alloc : memref<!tpu.dma_semaphore, #tpu.memory_space<semaphore_mem>>
      %dma_start3A_507 = arith.constant 0 : i32
      %dma_start3A_508 = arith.constant 0 : i32
      %dma_start3A_509 = tpu.memref_slice %arg4[%mul3A_4, %dma_start3A_507, %dma_start3A_508] : memref<288x1x128xi32, #tpu.memory_space<hbm>> -> memref<9x1x128xi32, #tpu.memory_space<hbm>>
      %dma_start3A_510 = arith.constant 0 : i32
      %dma_start3A_511 = arith.constant 0 : i32
      %dma_start3A_512 = tpu.memref_slice %arg4[%mul3A_4, %dma_start3A_510, %dma_start3A_511] : memref<288x1x128xi32, #tpu.memory_space<hbm>> -> memref<9x1x128xi32, #tpu.memory_space<hbm>>
      tpu.enqueue_dma source(%dma_start3A_512 : memref<9x1x128xi32, #tpu.memory_space<hbm>>) target(%arg7 : memref<9x1x128xi32, #tpu.memory_space<vmem>>) target_semaphore(%run_scoped3A : memref<!tpu.dma_semaphore, #tpu.memory_space<semaphore_mem>>)
      %dma_wait3A_513 = arith.constant 0 : i32
      %dma_wait3A_514 = arith.constant 0 : i32
      %dma_wait3A_515 = tpu.memref_slice %arg4[%mul3A_4, %dma_wait3A_513, %dma_wait3A_514] : memref<288x1x128xi32, #tpu.memory_space<hbm>> -> memref<9x1x128xi32, #tpu.memory_space<hbm>>
      %dma_wait3A_516 = arith.constant 0 : i32
      %dma_wait3A_517 = arith.constant 0 : i32
      %dma_wait3A_518 = tpu.memref_slice %arg4[%mul3A_4, %dma_wait3A_516, %dma_wait3A_517] : memref<288x1x128xi32, #tpu.memory_space<hbm>> -> memref<9x1x128xi32, #tpu.memory_space<hbm>>
      tpu.wait_dma2 semaphore(%run_scoped3A : memref<!tpu.dma_semaphore, #tpu.memory_space<semaphore_mem>>) src(%dma_wait3A_518 : memref<9x1x128xi32, #tpu.memory_space<hbm>>) dst(%arg7 : memref<9x1x128xi32, #tpu.memory_space<vmem>>)
      tpu.yield
    }) : () -> ()
    %dma_start3A = arith.constant 0 : i32
    %dma_start3A_5 = arith.constant 0 : i32
    %dma_start3A_6 = arith.constant 0 : i32
    %dma_start3A_7 = arith.constant 0 : i32
    %dma_start3A_8 = arith.constant 0 : i32
    %dma_start3A_9 = arith.constant 0 : i32
    %dma_start3A_10 = tpu.memref_slice %arg8[%dma_start3A_6, %dma_start3A_7, %dma_start3A_8, %dma_start3A_9] : memref<2x3x128x128xf32, #tpu.memory_space<vmem>> -> memref<1x1x128x128xf32, #tpu.memory_space<vmem>>
    %dma_start3A_11 = tpu.memref_squeeze %dma_start3A_10 : memref<1x1x128x128xf32, #tpu.memory_space<vmem>> -> memref<128x128xf32, #tpu.memory_space<vmem>>
    %dma_start3A_12 = arith.constant 0 : i32
    %dma_start3A_13 = tpu.memref_slice %arg6[%dma_start3A, %dma_start3A_5, %dma_start3A_12] : memref<9x1x128xi32, #tpu.memory_space<vmem>> -> memref<1x1x128xi32, #tpu.memory_space<vmem>>
    %dma_start3A_14 = tpu.memref_squeeze %dma_start3A_13 : memref<1x1x128xi32, #tpu.memory_space<vmem>> -> memref<128xi32, #tpu.memory_space<vmem>>
    %dma_start3A_15 = arith.constant 0 : i32
    %dma_start3A_16 = arith.constant 0 : i32
    %dma_start3A_17 = tpu.memref_slice %arg2[%dma_start3A_15, %dma_start3A_16] : memref<4096x128xf32, #tpu.memory_space<hbm>> -> memref<4096x128xf32, #tpu.memory_space<hbm>>
    tpu.enqueue_indirect_dma source(%dma_start3A_17 : memref<4096x128xf32, #tpu.memory_space<hbm>>) target(%dma_start3A_11 : memref<128x128xf32, #tpu.memory_space<vmem>>) offsets(%dma_start3A_14 : memref<128xi32, #tpu.memory_space<vmem>>) semaphore(%arg9 : memref<!tpu.dma_semaphore, #tpu.memory_space<semaphore_mem>>)
    %dma_start3A_18 = arith.constant 1 : i32
    %dma_start3A_19 = arith.constant 0 : i32
    %dma_start3A_20 = arith.constant 0 : i32
    %dma_start3A_21 = arith.constant 1 : i32
    %dma_start3A_22 = arith.constant 0 : i32
    %dma_start3A_23 = arith.constant 0 : i32
    %dma_start3A_24 = tpu.memref_slice %arg8[%dma_start3A_20, %dma_start3A_21, %dma_start3A_22, %dma_start3A_23] : memref<2x3x128x128xf32, #tpu.memory_space<vmem>> -> memref<1x1x128x128xf32, #tpu.memory_space<vmem>>
    %dma_start3A_25 = tpu.memref_squeeze %dma_start3A_24 : memref<1x1x128x128xf32, #tpu.memory_space<vmem>> -> memref<128x128xf32, #tpu.memory_space<vmem>>
    %dma_start3A_26 = arith.constant 0 : i32
    %dma_start3A_27 = tpu.memref_slice %arg6[%dma_start3A_18, %dma_start3A_19, %dma_start3A_26] : memref<9x1x128xi32, #tpu.memory_space<vmem>> -> memref<1x1x128xi32, #tpu.memory_space<vmem>>
    %dma_start3A_28 = tpu.memref_squeeze %dma_start3A_27 : memref<1x1x128xi32, #tpu.memory_space<vmem>> -> memref<128xi32, #tpu.memory_space<vmem>>
    %dma_start3A_29 = arith.constant 0 : i32
    %dma_start3A_30 = arith.constant 0 : i32
    %dma_start3A_31 = tpu.memref_slice %arg2[%dma_start3A_29, %dma_start3A_30] : memref<4096x128xf32, #tpu.memory_space<hbm>> -> memref<4096x128xf32, #tpu.memory_space<hbm>>
    tpu.enqueue_indirect_dma source(%dma_start3A_31 : memref<4096x128xf32, #tpu.memory_space<hbm>>) target(%dma_start3A_25 : memref<128x128xf32, #tpu.memory_space<vmem>>) offsets(%dma_start3A_28 : memref<128xi32, #tpu.memory_space<vmem>>) semaphore(%arg9 : memref<!tpu.dma_semaphore, #tpu.memory_space<semaphore_mem>>)
    %dma_start3A_32 = arith.constant 2 : i32
    %dma_start3A_33 = arith.constant 0 : i32
    %dma_start3A_34 = arith.constant 0 : i32
    %dma_start3A_35 = arith.constant 2 : i32
    %dma_start3A_36 = arith.constant 0 : i32
    %dma_start3A_37 = arith.constant 0 : i32
    %dma_start3A_38 = tpu.memref_slice %arg8[%dma_start3A_34, %dma_start3A_35, %dma_start3A_36, %dma_start3A_37] : memref<2x3x128x128xf32, #tpu.memory_space<vmem>> -> memref<1x1x128x128xf32, #tpu.memory_space<vmem>>
    %dma_start3A_39 = tpu.memref_squeeze %dma_start3A_38 : memref<1x1x128x128xf32, #tpu.memory_space<vmem>> -> memref<128x128xf32, #tpu.memory_space<vmem>>
    %dma_start3A_40 = arith.constant 0 : i32
    %dma_start3A_41 = tpu.memref_slice %arg6[%dma_start3A_32, %dma_start3A_33, %dma_start3A_40] : memref<9x1x128xi32, #tpu.memory_space<vmem>> -> memref<1x1x128xi32, #tpu.memory_space<vmem>>
    %dma_start3A_42 = tpu.memref_squeeze %dma_start3A_41 : memref<1x1x128xi32, #tpu.memory_space<vmem>> -> memref<128xi32, #tpu.memory_space<vmem>>
    %dma_start3A_43 = arith.constant 0 : i32
    %dma_start3A_44 = arith.constant 0 : i32
    %dma_start3A_45 = tpu.memref_slice %arg2[%dma_start3A_43, %dma_start3A_44] : memref<4096x128xf32, #tpu.memory_space<hbm>> -> memref<4096x128xf32, #tpu.memory_space<hbm>>
    tpu.enqueue_indirect_dma source(%dma_start3A_45 : memref<4096x128xf32, #tpu.memory_space<hbm>>) target(%dma_start3A_39 : memref<128x128xf32, #tpu.memory_space<vmem>>) offsets(%dma_start3A_42 : memref<128xi32, #tpu.memory_space<vmem>>) semaphore(%arg9 : memref<!tpu.dma_semaphore, #tpu.memory_space<semaphore_mem>>)
    %dma_wait3A = arith.constant 0 : i32
    %dma_wait3A_46 = arith.constant 0 : i32
    %dma_wait3A_47 = arith.constant 0 : i32
    %dma_wait3A_48 = arith.constant 0 : i32
    %dma_wait3A_49 = arith.constant 0 : i32
    %dma_wait3A_50 = arith.constant 0 : i32
    %dma_wait3A_51 = tpu.memref_slice %arg8[%dma_wait3A_47, %dma_wait3A_48, %dma_wait3A_49, %dma_wait3A_50] : memref<2x3x128x128xf32, #tpu.memory_space<vmem>> -> memref<1x1x128x128xf32, #tpu.memory_space<vmem>>
    %dma_wait3A_52 = tpu.memref_squeeze %dma_wait3A_51 : memref<1x1x128x128xf32, #tpu.memory_space<vmem>> -> memref<128x128xf32, #tpu.memory_space<vmem>>
    %dma_wait3A_53 = arith.constant 0 : i32
    %dma_wait3A_54 = tpu.memref_slice %arg6[%dma_wait3A, %dma_wait3A_46, %dma_wait3A_53] : memref<9x1x128xi32, #tpu.memory_space<vmem>> -> memref<1x1x128xi32, #tpu.memory_space<vmem>>
    %dma_wait3A_55 = tpu.memref_squeeze %dma_wait3A_54 : memref<1x1x128xi32, #tpu.memory_space<vmem>> -> memref<128xi32, #tpu.memory_space<vmem>>
    %dma_wait3A_56 = arith.constant 0 : i32
    %dma_wait3A_57 = arith.constant 0 : i32
    %dma_wait3A_58 = tpu.memref_slice %arg2[%dma_wait3A_56, %dma_wait3A_57] : memref<4096x128xf32, #tpu.memory_space<hbm>> -> memref<4096x128xf32, #tpu.memory_space<hbm>>
    tpu.wait_indirect_dma semaphore(%arg9 : memref<!tpu.dma_semaphore, #tpu.memory_space<semaphore_mem>>) src(%dma_wait3A_58 : memref<4096x128xf32, #tpu.memory_space<hbm>>) dst(%dma_wait3A_52 : memref<128x128xf32, #tpu.memory_space<vmem>>)
    %dma_wait3A_59 = arith.constant 1 : i32
    %dma_wait3A_60 = arith.constant 0 : i32
    %dma_wait3A_61 = arith.constant 0 : i32
    %dma_wait3A_62 = arith.constant 1 : i32
    %dma_wait3A_63 = arith.constant 0 : i32
    %dma_wait3A_64 = arith.constant 0 : i32
    %dma_wait3A_65 = tpu.memref_slice %arg8[%dma_wait3A_61, %dma_wait3A_62, %dma_wait3A_63, %dma_wait3A_64] : memref<2x3x128x128xf32, #tpu.memory_space<vmem>> -> memref<1x1x128x128xf32, #tpu.memory_space<vmem>>
    %dma_wait3A_66 = tpu.memref_squeeze %dma_wait3A_65 : memref<1x1x128x128xf32, #tpu.memory_space<vmem>> -> memref<128x128xf32, #tpu.memory_space<vmem>>
    %dma_wait3A_67 = arith.constant 0 : i32
    %dma_wait3A_68 = tpu.memref_slice %arg6[%dma_wait3A_59, %dma_wait3A_60, %dma_wait3A_67] : memref<9x1x128xi32, #tpu.memory_space<vmem>> -> memref<1x1x128xi32, #tpu.memory_space<vmem>>
    %dma_wait3A_69 = tpu.memref_squeeze %dma_wait3A_68 : memref<1x1x128xi32, #tpu.memory_space<vmem>> -> memref<128xi32, #tpu.memory_space<vmem>>
    %dma_wait3A_70 = arith.constant 0 : i32
    %dma_wait3A_71 = arith.constant 0 : i32
    %dma_wait3A_72 = tpu.memref_slice %arg2[%dma_wait3A_70, %dma_wait3A_71] : memref<4096x128xf32, #tpu.memory_space<hbm>> -> memref<4096x128xf32, #tpu.memory_space<hbm>>
    tpu.wait_indirect_dma semaphore(%arg9 : memref<!tpu.dma_semaphore, #tpu.memory_space<semaphore_mem>>) src(%dma_wait3A_72 : memref<4096x128xf32, #tpu.memory_space<hbm>>) dst(%dma_wait3A_66 : memref<128x128xf32, #tpu.memory_space<vmem>>)
    %dma_wait3A_73 = arith.constant 2 : i32
    %dma_wait3A_74 = arith.constant 0 : i32
    %dma_wait3A_75 = arith.constant 0 : i32
    %dma_wait3A_76 = arith.constant 2 : i32
    %dma_wait3A_77 = arith.constant 0 : i32
    %dma_wait3A_78 = arith.constant 0 : i32
    %dma_wait3A_79 = tpu.memref_slice %arg8[%dma_wait3A_75, %dma_wait3A_76, %dma_wait3A_77, %dma_wait3A_78] : memref<2x3x128x128xf32, #tpu.memory_space<vmem>> -> memref<1x1x128x128xf32, #tpu.memory_space<vmem>>
    %dma_wait3A_80 = tpu.memref_squeeze %dma_wait3A_79 : memref<1x1x128x128xf32, #tpu.memory_space<vmem>> -> memref<128x128xf32, #tpu.memory_space<vmem>>
    %dma_wait3A_81 = arith.constant 0 : i32
    %dma_wait3A_82 = tpu.memref_slice %arg6[%dma_wait3A_73, %dma_wait3A_74, %dma_wait3A_81] : memref<9x1x128xi32, #tpu.memory_space<vmem>> -> memref<1x1x128xi32, #tpu.memory_space<vmem>>
    %dma_wait3A_83 = tpu.memref_squeeze %dma_wait3A_82 : memref<1x1x128xi32, #tpu.memory_space<vmem>> -> memref<128xi32, #tpu.memory_space<vmem>>
    %dma_wait3A_84 = arith.constant 0 : i32
    %dma_wait3A_85 = arith.constant 0 : i32
    %dma_wait3A_86 = tpu.memref_slice %arg2[%dma_wait3A_84, %dma_wait3A_85] : memref<4096x128xf32, #tpu.memory_space<hbm>> -> memref<4096x128xf32, #tpu.memory_space<hbm>>
    tpu.wait_indirect_dma semaphore(%arg9 : memref<!tpu.dma_semaphore, #tpu.memory_space<semaphore_mem>>) src(%dma_wait3A_86 : memref<4096x128xf32, #tpu.memory_space<hbm>>) dst(%dma_wait3A_80 : memref<128x128xf32, #tpu.memory_space<vmem>>)
    %dma_start3A_87 = arith.constant 0 : i32
    %dma_start3A_88 = arith.constant 0 : i32
    %dma_start3A_89 = arith.constant 0 : i32
    %dma_start3A_90 = arith.constant 0 : i32
    %dma_start3A_91 = arith.constant 0 : i32
    %dma_start3A_92 = arith.constant 0 : i32
    %dma_start3A_93 = tpu.memref_slice %arg8[%dma_start3A_87, %dma_start3A_88, %dma_start3A_91, %dma_start3A_92] : memref<2x3x128x128xf32, #tpu.memory_space<vmem>> -> memref<1x1x128x128xf32, #tpu.memory_space<vmem>>
    %dma_start3A_94 = tpu.memref_squeeze %dma_start3A_93 : memref<1x1x128x128xf32, #tpu.memory_space<vmem>> -> memref<128x128xf32, #tpu.memory_space<vmem>>
    %dma_start3A_95 = arith.constant 0 : i32
    %dma_start3A_96 = tpu.memref_slice %arg7[%dma_start3A_89, %dma_start3A_90, %dma_start3A_95] : memref<9x1x128xi32, #tpu.memory_space<vmem>> -> memref<1x1x128xi32, #tpu.memory_space<vmem>>
    %dma_start3A_97 = tpu.memref_squeeze %dma_start3A_96 : memref<1x1x128xi32, #tpu.memory_space<vmem>> -> memref<128xi32, #tpu.memory_space<vmem>>
    %dma_start3A_98 = arith.constant 0 : i32
    %dma_start3A_99 = arith.constant 0 : i32
    %dma_start3A_100 = tpu.memref_slice %arg5[%dma_start3A_98, %dma_start3A_99] : memref<36864x128xf32, #tpu.memory_space<hbm>> -> memref<36864x128xf32, #tpu.memory_space<hbm>>
    tpu.enqueue_indirect_dma source(%dma_start3A_94 : memref<128x128xf32, #tpu.memory_space<vmem>>) target(%dma_start3A_100 : memref<36864x128xf32, #tpu.memory_space<hbm>>) offsets(%dma_start3A_97 : memref<128xi32, #tpu.memory_space<vmem>>) semaphore(%arg10 : memref<!tpu.dma_semaphore, #tpu.memory_space<semaphore_mem>>)
    %dma_start3A_101 = arith.constant 0 : i32
    %dma_start3A_102 = arith.constant 1 : i32
    %dma_start3A_103 = arith.constant 1 : i32
    %dma_start3A_104 = arith.constant 0 : i32
    %dma_start3A_105 = arith.constant 0 : i32
    %dma_start3A_106 = arith.constant 0 : i32
    %dma_start3A_107 = tpu.memref_slice %arg8[%dma_start3A_101, %dma_start3A_102, %dma_start3A_105, %dma_start3A_106] : memref<2x3x128x128xf32, #tpu.memory_space<vmem>> -> memref<1x1x128x128xf32, #tpu.memory_space<vmem>>
    %dma_start3A_108 = tpu.memref_squeeze %dma_start3A_107 : memref<1x1x128x128xf32, #tpu.memory_space<vmem>> -> memref<128x128xf32, #tpu.memory_space<vmem>>
    %dma_start3A_109 = arith.constant 0 : i32
    %dma_start3A_110 = tpu.memref_slice %arg7[%dma_start3A_103, %dma_start3A_104, %dma_start3A_109] : memref<9x1x128xi32, #tpu.memory_space<vmem>> -> memref<1x1x128xi32, #tpu.memory_space<vmem>>
    %dma_start3A_111 = tpu.memref_squeeze %dma_start3A_110 : memref<1x1x128xi32, #tpu.memory_space<vmem>> -> memref<128xi32, #tpu.memory_space<vmem>>
    %dma_start3A_112 = arith.constant 0 : i32
    %dma_start3A_113 = arith.constant 0 : i32
    %dma_start3A_114 = tpu.memref_slice %arg5[%dma_start3A_112, %dma_start3A_113] : memref<36864x128xf32, #tpu.memory_space<hbm>> -> memref<36864x128xf32, #tpu.memory_space<hbm>>
    tpu.enqueue_indirect_dma source(%dma_start3A_108 : memref<128x128xf32, #tpu.memory_space<vmem>>) target(%dma_start3A_114 : memref<36864x128xf32, #tpu.memory_space<hbm>>) offsets(%dma_start3A_111 : memref<128xi32, #tpu.memory_space<vmem>>) semaphore(%arg10 : memref<!tpu.dma_semaphore, #tpu.memory_space<semaphore_mem>>)
    %dma_start3A_115 = arith.constant 0 : i32
    %dma_start3A_116 = arith.constant 2 : i32
    %dma_start3A_117 = arith.constant 2 : i32
    %dma_start3A_118 = arith.constant 0 : i32
    %dma_start3A_119 = arith.constant 0 : i32
    %dma_start3A_120 = arith.constant 0 : i32
    %dma_start3A_121 = tpu.memref_slice %arg8[%dma_start3A_115, %dma_start3A_116, %dma_start3A_119, %dma_start3A_120] : memref<2x3x128x128xf32, #tpu.memory_space<vmem>> -> memref<1x1x128x128xf32, #tpu.memory_space<vmem>>
    %dma_start3A_122 = tpu.memref_squeeze %dma_start3A_121 : memref<1x1x128x128xf32, #tpu.memory_space<vmem>> -> memref<128x128xf32, #tpu.memory_space<vmem>>
    %dma_start3A_123 = arith.constant 0 : i32
    %dma_start3A_124 = tpu.memref_slice %arg7[%dma_start3A_117, %dma_start3A_118, %dma_start3A_123] : memref<9x1x128xi32, #tpu.memory_space<vmem>> -> memref<1x1x128xi32, #tpu.memory_space<vmem>>
    %dma_start3A_125 = tpu.memref_squeeze %dma_start3A_124 : memref<1x1x128xi32, #tpu.memory_space<vmem>> -> memref<128xi32, #tpu.memory_space<vmem>>
    %dma_start3A_126 = arith.constant 0 : i32
    %dma_start3A_127 = arith.constant 0 : i32
    %dma_start3A_128 = tpu.memref_slice %arg5[%dma_start3A_126, %dma_start3A_127] : memref<36864x128xf32, #tpu.memory_space<hbm>> -> memref<36864x128xf32, #tpu.memory_space<hbm>>
    tpu.enqueue_indirect_dma source(%dma_start3A_122 : memref<128x128xf32, #tpu.memory_space<vmem>>) target(%dma_start3A_128 : memref<36864x128xf32, #tpu.memory_space<hbm>>) offsets(%dma_start3A_125 : memref<128xi32, #tpu.memory_space<vmem>>) semaphore(%arg10 : memref<!tpu.dma_semaphore, #tpu.memory_space<semaphore_mem>>)
    %dma_start3A_129 = arith.constant 3 : i32
    %dma_start3A_130 = arith.constant 0 : i32
    %dma_start3A_131 = arith.constant 1 : i32
    %dma_start3A_132 = arith.constant 0 : i32
    %dma_start3A_133 = arith.constant 0 : i32
    %dma_start3A_134 = arith.constant 0 : i32
    %dma_start3A_135 = tpu.memref_slice %arg8[%dma_start3A_131, %dma_start3A_132, %dma_start3A_133, %dma_start3A_134] : memref<2x3x128x128xf32, #tpu.memory_space<vmem>> -> memref<1x1x128x128xf32, #tpu.memory_space<vmem>>
    %dma_start3A_136 = tpu.memref_squeeze %dma_start3A_135 : memref<1x1x128x128xf32, #tpu.memory_space<vmem>> -> memref<128x128xf32, #tpu.memory_space<vmem>>
    %dma_start3A_137 = arith.constant 0 : i32
    %dma_start3A_138 = tpu.memref_slice %arg6[%dma_start3A_129, %dma_start3A_130, %dma_start3A_137] : memref<9x1x128xi32, #tpu.memory_space<vmem>> -> memref<1x1x128xi32, #tpu.memory_space<vmem>>
    %dma_start3A_139 = tpu.memref_squeeze %dma_start3A_138 : memref<1x1x128xi32, #tpu.memory_space<vmem>> -> memref<128xi32, #tpu.memory_space<vmem>>
    %dma_start3A_140 = arith.constant 0 : i32
    %dma_start3A_141 = arith.constant 0 : i32
    %dma_start3A_142 = tpu.memref_slice %arg2[%dma_start3A_140, %dma_start3A_141] : memref<4096x128xf32, #tpu.memory_space<hbm>> -> memref<4096x128xf32, #tpu.memory_space<hbm>>
    tpu.enqueue_indirect_dma source(%dma_start3A_142 : memref<4096x128xf32, #tpu.memory_space<hbm>>) target(%dma_start3A_136 : memref<128x128xf32, #tpu.memory_space<vmem>>) offsets(%dma_start3A_139 : memref<128xi32, #tpu.memory_space<vmem>>) semaphore(%arg9 : memref<!tpu.dma_semaphore, #tpu.memory_space<semaphore_mem>>)
    %dma_start3A_143 = arith.constant 4 : i32
    %dma_start3A_144 = arith.constant 0 : i32
    %dma_start3A_145 = arith.constant 1 : i32
    %dma_start3A_146 = arith.constant 1 : i32
    %dma_start3A_147 = arith.constant 0 : i32
    %dma_start3A_148 = arith.constant 0 : i32
    %dma_start3A_149 = tpu.memref_slice %arg8[%dma_start3A_145, %dma_start3A_146, %dma_start3A_147, %dma_start3A_148] : memref<2x3x128x128xf32, #tpu.memory_space<vmem>> -> memref<1x1x128x128xf32, #tpu.memory_space<vmem>>
    %dma_start3A_150 = tpu.memref_squeeze %dma_start3A_149 : memref<1x1x128x128xf32, #tpu.memory_space<vmem>> -> memref<128x128xf32, #tpu.memory_space<vmem>>
    %dma_start3A_151 = arith.constant 0 : i32
    %dma_start3A_152 = tpu.memref_slice %arg6[%dma_start3A_143, %dma_start3A_144, %dma_start3A_151] : memref<9x1x128xi32, #tpu.memory_space<vmem>> -> memref<1x1x128xi32, #tpu.memory_space<vmem>>
    %dma_start3A_153 = tpu.memref_squeeze %dma_start3A_152 : memref<1x1x128xi32, #tpu.memory_space<vmem>> -> memref<128xi32, #tpu.memory_space<vmem>>
    %dma_start3A_154 = arith.constant 0 : i32
    %dma_start3A_155 = arith.constant 0 : i32
    %dma_start3A_156 = tpu.memref_slice %arg2[%dma_start3A_154, %dma_start3A_155] : memref<4096x128xf32, #tpu.memory_space<hbm>> -> memref<4096x128xf32, #tpu.memory_space<hbm>>
    tpu.enqueue_indirect_dma source(%dma_start3A_156 : memref<4096x128xf32, #tpu.memory_space<hbm>>) target(%dma_start3A_150 : memref<128x128xf32, #tpu.memory_space<vmem>>) offsets(%dma_start3A_153 : memref<128xi32, #tpu.memory_space<vmem>>) semaphore(%arg9 : memref<!tpu.dma_semaphore, #tpu.memory_space<semaphore_mem>>)
    %dma_start3A_157 = arith.constant 5 : i32
    %dma_start3A_158 = arith.constant 0 : i32
    %dma_start3A_159 = arith.constant 1 : i32
    %dma_start3A_160 = arith.constant 2 : i32
    %dma_start3A_161 = arith.constant 0 : i32
    %dma_start3A_162 = arith.constant 0 : i32
    %dma_start3A_163 = tpu.memref_slice %arg8[%dma_start3A_159, %dma_start3A_160, %dma_start3A_161, %dma_start3A_162] : memref<2x3x128x128xf32, #tpu.memory_space<vmem>> -> memref<1x1x128x128xf32, #tpu.memory_space<vmem>>
    %dma_start3A_164 = tpu.memref_squeeze %dma_start3A_163 : memref<1x1x128x128xf32, #tpu.memory_space<vmem>> -> memref<128x128xf32, #tpu.memory_space<vmem>>
    %dma_start3A_165 = arith.constant 0 : i32
    %dma_start3A_166 = tpu.memref_slice %arg6[%dma_start3A_157, %dma_start3A_158, %dma_start3A_165] : memref<9x1x128xi32, #tpu.memory_space<vmem>> -> memref<1x1x128xi32, #tpu.memory_space<vmem>>
    %dma_start3A_167 = tpu.memref_squeeze %dma_start3A_166 : memref<1x1x128xi32, #tpu.memory_space<vmem>> -> memref<128xi32, #tpu.memory_space<vmem>>
    %dma_start3A_168 = arith.constant 0 : i32
    %dma_start3A_169 = arith.constant 0 : i32
    %dma_start3A_170 = tpu.memref_slice %arg2[%dma_start3A_168, %dma_start3A_169] : memref<4096x128xf32, #tpu.memory_space<hbm>> -> memref<4096x128xf32, #tpu.memory_space<hbm>>
    tpu.enqueue_indirect_dma source(%dma_start3A_170 : memref<4096x128xf32, #tpu.memory_space<hbm>>) target(%dma_start3A_164 : memref<128x128xf32, #tpu.memory_space<vmem>>) offsets(%dma_start3A_167 : memref<128xi32, #tpu.memory_space<vmem>>) semaphore(%arg9 : memref<!tpu.dma_semaphore, #tpu.memory_space<semaphore_mem>>)
    %dma_wait3A_171 = arith.constant 3 : i32
    %dma_wait3A_172 = arith.constant 0 : i32
    %dma_wait3A_173 = arith.constant 1 : i32
    %dma_wait3A_174 = arith.constant 0 : i32
    %dma_wait3A_175 = arith.constant 0 : i32
    %dma_wait3A_176 = arith.constant 0 : i32
    %dma_wait3A_177 = tpu.memref_slice %arg8[%dma_wait3A_173, %dma_wait3A_174, %dma_wait3A_175, %dma_wait3A_176] : memref<2x3x128x128xf32, #tpu.memory_space<vmem>> -> memref<1x1x128x128xf32, #tpu.memory_space<vmem>>
    %dma_wait3A_178 = tpu.memref_squeeze %dma_wait3A_177 : memref<1x1x128x128xf32, #tpu.memory_space<vmem>> -> memref<128x128xf32, #tpu.memory_space<vmem>>
    %dma_wait3A_179 = arith.constant 0 : i32
    %dma_wait3A_180 = tpu.memref_slice %arg6[%dma_wait3A_171, %dma_wait3A_172, %dma_wait3A_179] : memref<9x1x128xi32, #tpu.memory_space<vmem>> -> memref<1x1x128xi32, #tpu.memory_space<vmem>>
    %dma_wait3A_181 = tpu.memref_squeeze %dma_wait3A_180 : memref<1x1x128xi32, #tpu.memory_space<vmem>> -> memref<128xi32, #tpu.memory_space<vmem>>
    %dma_wait3A_182 = arith.constant 0 : i32
    %dma_wait3A_183 = arith.constant 0 : i32
    %dma_wait3A_184 = tpu.memref_slice %arg2[%dma_wait3A_182, %dma_wait3A_183] : memref<4096x128xf32, #tpu.memory_space<hbm>> -> memref<4096x128xf32, #tpu.memory_space<hbm>>
    tpu.wait_indirect_dma semaphore(%arg9 : memref<!tpu.dma_semaphore, #tpu.memory_space<semaphore_mem>>) src(%dma_wait3A_184 : memref<4096x128xf32, #tpu.memory_space<hbm>>) dst(%dma_wait3A_178 : memref<128x128xf32, #tpu.memory_space<vmem>>)
    %dma_wait3A_185 = arith.constant 4 : i32
    %dma_wait3A_186 = arith.constant 0 : i32
    %dma_wait3A_187 = arith.constant 1 : i32
    %dma_wait3A_188 = arith.constant 1 : i32
    %dma_wait3A_189 = arith.constant 0 : i32
    %dma_wait3A_190 = arith.constant 0 : i32
    %dma_wait3A_191 = tpu.memref_slice %arg8[%dma_wait3A_187, %dma_wait3A_188, %dma_wait3A_189, %dma_wait3A_190] : memref<2x3x128x128xf32, #tpu.memory_space<vmem>> -> memref<1x1x128x128xf32, #tpu.memory_space<vmem>>
    %dma_wait3A_192 = tpu.memref_squeeze %dma_wait3A_191 : memref<1x1x128x128xf32, #tpu.memory_space<vmem>> -> memref<128x128xf32, #tpu.memory_space<vmem>>
    %dma_wait3A_193 = arith.constant 0 : i32
    %dma_wait3A_194 = tpu.memref_slice %arg6[%dma_wait3A_185, %dma_wait3A_186, %dma_wait3A_193] : memref<9x1x128xi32, #tpu.memory_space<vmem>> -> memref<1x1x128xi32, #tpu.memory_space<vmem>>
    %dma_wait3A_195 = tpu.memref_squeeze %dma_wait3A_194 : memref<1x1x128xi32, #tpu.memory_space<vmem>> -> memref<128xi32, #tpu.memory_space<vmem>>
    %dma_wait3A_196 = arith.constant 0 : i32
    %dma_wait3A_197 = arith.constant 0 : i32
    %dma_wait3A_198 = tpu.memref_slice %arg2[%dma_wait3A_196, %dma_wait3A_197] : memref<4096x128xf32, #tpu.memory_space<hbm>> -> memref<4096x128xf32, #tpu.memory_space<hbm>>
    tpu.wait_indirect_dma semaphore(%arg9 : memref<!tpu.dma_semaphore, #tpu.memory_space<semaphore_mem>>) src(%dma_wait3A_198 : memref<4096x128xf32, #tpu.memory_space<hbm>>) dst(%dma_wait3A_192 : memref<128x128xf32, #tpu.memory_space<vmem>>)
    %dma_wait3A_199 = arith.constant 5 : i32
    %dma_wait3A_200 = arith.constant 0 : i32
    %dma_wait3A_201 = arith.constant 1 : i32
    %dma_wait3A_202 = arith.constant 2 : i32
    %dma_wait3A_203 = arith.constant 0 : i32
    %dma_wait3A_204 = arith.constant 0 : i32
    %dma_wait3A_205 = tpu.memref_slice %arg8[%dma_wait3A_201, %dma_wait3A_202, %dma_wait3A_203, %dma_wait3A_204] : memref<2x3x128x128xf32, #tpu.memory_space<vmem>> -> memref<1x1x128x128xf32, #tpu.memory_space<vmem>>
    %dma_wait3A_206 = tpu.memref_squeeze %dma_wait3A_205 : memref<1x1x128x128xf32, #tpu.memory_space<vmem>> -> memref<128x128xf32, #tpu.memory_space<vmem>>
    %dma_wait3A_207 = arith.constant 0 : i32
    %dma_wait3A_208 = tpu.memref_slice %arg6[%dma_wait3A_199, %dma_wait3A_200, %dma_wait3A_207] : memref<9x1x128xi32, #tpu.memory_space<vmem>> -> memref<1x1x128xi32, #tpu.memory_space<vmem>>
    %dma_wait3A_209 = tpu.memref_squeeze %dma_wait3A_208 : memref<1x1x128xi32, #tpu.memory_space<vmem>> -> memref<128xi32, #tpu.memory_space<vmem>>
    %dma_wait3A_210 = arith.constant 0 : i32
    %dma_wait3A_211 = arith.constant 0 : i32
    %dma_wait3A_212 = tpu.memref_slice %arg2[%dma_wait3A_210, %dma_wait3A_211] : memref<4096x128xf32, #tpu.memory_space<hbm>> -> memref<4096x128xf32, #tpu.memory_space<hbm>>
    tpu.wait_indirect_dma semaphore(%arg9 : memref<!tpu.dma_semaphore, #tpu.memory_space<semaphore_mem>>) src(%dma_wait3A_212 : memref<4096x128xf32, #tpu.memory_space<hbm>>) dst(%dma_wait3A_206 : memref<128x128xf32, #tpu.memory_space<vmem>>)
    %dma_start3A_213 = arith.constant 1 : i32
    %dma_start3A_214 = arith.constant 0 : i32
    %dma_start3A_215 = arith.constant 3 : i32
    %dma_start3A_216 = arith.constant 0 : i32
    %dma_start3A_217 = arith.constant 0 : i32
    %dma_start3A_218 = arith.constant 0 : i32
    %dma_start3A_219 = tpu.memref_slice %arg8[%dma_start3A_213, %dma_start3A_214, %dma_start3A_217, %dma_start3A_218] : memref<2x3x128x128xf32, #tpu.memory_space<vmem>> -> memref<1x1x128x128xf32, #tpu.memory_space<vmem>>
    %dma_start3A_220 = tpu.memref_squeeze %dma_start3A_219 : memref<1x1x128x128xf32, #tpu.memory_space<vmem>> -> memref<128x128xf32, #tpu.memory_space<vmem>>
    %dma_start3A_221 = arith.constant 0 : i32
    %dma_start3A_222 = tpu.memref_slice %arg7[%dma_start3A_215, %dma_start3A_216, %dma_start3A_221] : memref<9x1x128xi32, #tpu.memory_space<vmem>> -> memref<1x1x128xi32, #tpu.memory_space<vmem>>
    %dma_start3A_223 = tpu.memref_squeeze %dma_start3A_222 : memref<1x1x128xi32, #tpu.memory_space<vmem>> -> memref<128xi32, #tpu.memory_space<vmem>>
    %dma_start3A_224 = arith.constant 0 : i32
    %dma_start3A_225 = arith.constant 0 : i32
    %dma_start3A_226 = tpu.memref_slice %arg5[%dma_start3A_224, %dma_start3A_225] : memref<36864x128xf32, #tpu.memory_space<hbm>> -> memref<36864x128xf32, #tpu.memory_space<hbm>>
    tpu.enqueue_indirect_dma source(%dma_start3A_220 : memref<128x128xf32, #tpu.memory_space<vmem>>) target(%dma_start3A_226 : memref<36864x128xf32, #tpu.memory_space<hbm>>) offsets(%dma_start3A_223 : memref<128xi32, #tpu.memory_space<vmem>>) semaphore(%arg11 : memref<!tpu.dma_semaphore, #tpu.memory_space<semaphore_mem>>)
    %dma_start3A_227 = arith.constant 1 : i32
    %dma_start3A_228 = arith.constant 1 : i32
    %dma_start3A_229 = arith.constant 4 : i32
    %dma_start3A_230 = arith.constant 0 : i32
    %dma_start3A_231 = arith.constant 0 : i32
    %dma_start3A_232 = arith.constant 0 : i32
    %dma_start3A_233 = tpu.memref_slice %arg8[%dma_start3A_227, %dma_start3A_228, %dma_start3A_231, %dma_start3A_232] : memref<2x3x128x128xf32, #tpu.memory_space<vmem>> -> memref<1x1x128x128xf32, #tpu.memory_space<vmem>>
    %dma_start3A_234 = tpu.memref_squeeze %dma_start3A_233 : memref<1x1x128x128xf32, #tpu.memory_space<vmem>> -> memref<128x128xf32, #tpu.memory_space<vmem>>
    %dma_start3A_235 = arith.constant 0 : i32
    %dma_start3A_236 = tpu.memref_slice %arg7[%dma_start3A_229, %dma_start3A_230, %dma_start3A_235] : memref<9x1x128xi32, #tpu.memory_space<vmem>> -> memref<1x1x128xi32, #tpu.memory_space<vmem>>
    %dma_start3A_237 = tpu.memref_squeeze %dma_start3A_236 : memref<1x1x128xi32, #tpu.memory_space<vmem>> -> memref<128xi32, #tpu.memory_space<vmem>>
    %dma_start3A_238 = arith.constant 0 : i32
    %dma_start3A_239 = arith.constant 0 : i32
    %dma_start3A_240 = tpu.memref_slice %arg5[%dma_start3A_238, %dma_start3A_239] : memref<36864x128xf32, #tpu.memory_space<hbm>> -> memref<36864x128xf32, #tpu.memory_space<hbm>>
    tpu.enqueue_indirect_dma source(%dma_start3A_234 : memref<128x128xf32, #tpu.memory_space<vmem>>) target(%dma_start3A_240 : memref<36864x128xf32, #tpu.memory_space<hbm>>) offsets(%dma_start3A_237 : memref<128xi32, #tpu.memory_space<vmem>>) semaphore(%arg11 : memref<!tpu.dma_semaphore, #tpu.memory_space<semaphore_mem>>)
    %dma_start3A_241 = arith.constant 1 : i32
    %dma_start3A_242 = arith.constant 2 : i32
    %dma_start3A_243 = arith.constant 5 : i32
    %dma_start3A_244 = arith.constant 0 : i32
    %dma_start3A_245 = arith.constant 0 : i32
    %dma_start3A_246 = arith.constant 0 : i32
    %dma_start3A_247 = tpu.memref_slice %arg8[%dma_start3A_241, %dma_start3A_242, %dma_start3A_245, %dma_start3A_246] : memref<2x3x128x128xf32, #tpu.memory_space<vmem>> -> memref<1x1x128x128xf32, #tpu.memory_space<vmem>>
    %dma_start3A_248 = tpu.memref_squeeze %dma_start3A_247 : memref<1x1x128x128xf32, #tpu.memory_space<vmem>> -> memref<128x128xf32, #tpu.memory_space<vmem>>
    %dma_start3A_249 = arith.constant 0 : i32
    %dma_start3A_250 = tpu.memref_slice %arg7[%dma_start3A_243, %dma_start3A_244, %dma_start3A_249] : memref<9x1x128xi32, #tpu.memory_space<vmem>> -> memref<1x1x128xi32, #tpu.memory_space<vmem>>
    %dma_start3A_251 = tpu.memref_squeeze %dma_start3A_250 : memref<1x1x128xi32, #tpu.memory_space<vmem>> -> memref<128xi32, #tpu.memory_space<vmem>>
    %dma_start3A_252 = arith.constant 0 : i32
    %dma_start3A_253 = arith.constant 0 : i32
    %dma_start3A_254 = tpu.memref_slice %arg5[%dma_start3A_252, %dma_start3A_253] : memref<36864x128xf32, #tpu.memory_space<hbm>> -> memref<36864x128xf32, #tpu.memory_space<hbm>>
    tpu.enqueue_indirect_dma source(%dma_start3A_248 : memref<128x128xf32, #tpu.memory_space<vmem>>) target(%dma_start3A_254 : memref<36864x128xf32, #tpu.memory_space<hbm>>) offsets(%dma_start3A_251 : memref<128xi32, #tpu.memory_space<vmem>>) semaphore(%arg11 : memref<!tpu.dma_semaphore, #tpu.memory_space<semaphore_mem>>)
    %dma_wait3A_255 = arith.constant 0 : i32
    %dma_wait3A_256 = arith.constant 0 : i32
    %dma_wait3A_257 = arith.constant 0 : i32
    %dma_wait3A_258 = arith.constant 0 : i32
    %dma_wait3A_259 = arith.constant 0 : i32
    %dma_wait3A_260 = arith.constant 0 : i32
    %dma_wait3A_261 = tpu.memref_slice %arg8[%dma_wait3A_255, %dma_wait3A_256, %dma_wait3A_259, %dma_wait3A_260] : memref<2x3x128x128xf32, #tpu.memory_space<vmem>> -> memref<1x1x128x128xf32, #tpu.memory_space<vmem>>
    %dma_wait3A_262 = tpu.memref_squeeze %dma_wait3A_261 : memref<1x1x128x128xf32, #tpu.memory_space<vmem>> -> memref<128x128xf32, #tpu.memory_space<vmem>>
    %dma_wait3A_263 = arith.constant 0 : i32
    %dma_wait3A_264 = tpu.memref_slice %arg7[%dma_wait3A_257, %dma_wait3A_258, %dma_wait3A_263] : memref<9x1x128xi32, #tpu.memory_space<vmem>> -> memref<1x1x128xi32, #tpu.memory_space<vmem>>
    %dma_wait3A_265 = tpu.memref_squeeze %dma_wait3A_264 : memref<1x1x128xi32, #tpu.memory_space<vmem>> -> memref<128xi32, #tpu.memory_space<vmem>>
    %dma_wait3A_266 = arith.constant 0 : i32
    %dma_wait3A_267 = arith.constant 0 : i32
    %dma_wait3A_268 = tpu.memref_slice %arg5[%dma_wait3A_266, %dma_wait3A_267] : memref<36864x128xf32, #tpu.memory_space<hbm>> -> memref<36864x128xf32, #tpu.memory_space<hbm>>
    tpu.wait_indirect_dma semaphore(%arg10 : memref<!tpu.dma_semaphore, #tpu.memory_space<semaphore_mem>>) src(%dma_wait3A_262 : memref<128x128xf32, #tpu.memory_space<vmem>>) dst(%dma_wait3A_268 : memref<36864x128xf32, #tpu.memory_space<hbm>>)
    %dma_wait3A_269 = arith.constant 0 : i32
    %dma_wait3A_270 = arith.constant 1 : i32
    %dma_wait3A_271 = arith.constant 1 : i32
    %dma_wait3A_272 = arith.constant 0 : i32
    %dma_wait3A_273 = arith.constant 0 : i32
    %dma_wait3A_274 = arith.constant 0 : i32
    %dma_wait3A_275 = tpu.memref_slice %arg8[%dma_wait3A_269, %dma_wait3A_270, %dma_wait3A_273, %dma_wait3A_274] : memref<2x3x128x128xf32, #tpu.memory_space<vmem>> -> memref<1x1x128x128xf32, #tpu.memory_space<vmem>>
    %dma_wait3A_276 = tpu.memref_squeeze %dma_wait3A_275 : memref<1x1x128x128xf32, #tpu.memory_space<vmem>> -> memref<128x128xf32, #tpu.memory_space<vmem>>
    %dma_wait3A_277 = arith.constant 0 : i32
    %dma_wait3A_278 = tpu.memref_slice %arg7[%dma_wait3A_271, %dma_wait3A_272, %dma_wait3A_277] : memref<9x1x128xi32, #tpu.memory_space<vmem>> -> memref<1x1x128xi32, #tpu.memory_space<vmem>>
    %dma_wait3A_279 = tpu.memref_squeeze %dma_wait3A_278 : memref<1x1x128xi32, #tpu.memory_space<vmem>> -> memref<128xi32, #tpu.memory_space<vmem>>
    %dma_wait3A_280 = arith.constant 0 : i32
    %dma_wait3A_281 = arith.constant 0 : i32
    %dma_wait3A_282 = tpu.memref_slice %arg5[%dma_wait3A_280, %dma_wait3A_281] : memref<36864x128xf32, #tpu.memory_space<hbm>> -> memref<36864x128xf32, #tpu.memory_space<hbm>>
    tpu.wait_indirect_dma semaphore(%arg10 : memref<!tpu.dma_semaphore, #tpu.memory_space<semaphore_mem>>) src(%dma_wait3A_276 : memref<128x128xf32, #tpu.memory_space<vmem>>) dst(%dma_wait3A_282 : memref<36864x128xf32, #tpu.memory_space<hbm>>)
    %dma_wait3A_283 = arith.constant 0 : i32
    %dma_wait3A_284 = arith.constant 2 : i32
    %dma_wait3A_285 = arith.constant 2 : i32
    %dma_wait3A_286 = arith.constant 0 : i32
    %dma_wait3A_287 = arith.constant 0 : i32
    %dma_wait3A_288 = arith.constant 0 : i32
    %dma_wait3A_289 = tpu.memref_slice %arg8[%dma_wait3A_283, %dma_wait3A_284, %dma_wait3A_287, %dma_wait3A_288] : memref<2x3x128x128xf32, #tpu.memory_space<vmem>> -> memref<1x1x128x128xf32, #tpu.memory_space<vmem>>
    %dma_wait3A_290 = tpu.memref_squeeze %dma_wait3A_289 : memref<1x1x128x128xf32, #tpu.memory_space<vmem>> -> memref<128x128xf32, #tpu.memory_space<vmem>>
    %dma_wait3A_291 = arith.constant 0 : i32
    %dma_wait3A_292 = tpu.memref_slice %arg7[%dma_wait3A_285, %dma_wait3A_286, %dma_wait3A_291] : memref<9x1x128xi32, #tpu.memory_space<vmem>> -> memref<1x1x128xi32, #tpu.memory_space<vmem>>
    %dma_wait3A_293 = tpu.memref_squeeze %dma_wait3A_292 : memref<1x1x128xi32, #tpu.memory_space<vmem>> -> memref<128xi32, #tpu.memory_space<vmem>>
    %dma_wait3A_294 = arith.constant 0 : i32
    %dma_wait3A_295 = arith.constant 0 : i32
    %dma_wait3A_296 = tpu.memref_slice %arg5[%dma_wait3A_294, %dma_wait3A_295] : memref<36864x128xf32, #tpu.memory_space<hbm>> -> memref<36864x128xf32, #tpu.memory_space<hbm>>
    tpu.wait_indirect_dma semaphore(%arg10 : memref<!tpu.dma_semaphore, #tpu.memory_space<semaphore_mem>>) src(%dma_wait3A_290 : memref<128x128xf32, #tpu.memory_space<vmem>>) dst(%dma_wait3A_296 : memref<36864x128xf32, #tpu.memory_space<hbm>>)
    %dma_start3A_297 = arith.constant 6 : i32
    %dma_start3A_298 = arith.constant 0 : i32
    %dma_start3A_299 = arith.constant 0 : i32
    %dma_start3A_300 = arith.constant 0 : i32
    %dma_start3A_301 = arith.constant 0 : i32
    %dma_start3A_302 = arith.constant 0 : i32
    %dma_start3A_303 = tpu.memref_slice %arg8[%dma_start3A_299, %dma_start3A_300, %dma_start3A_301, %dma_start3A_302] : memref<2x3x128x128xf32, #tpu.memory_space<vmem>> -> memref<1x1x128x128xf32, #tpu.memory_space<vmem>>
    %dma_start3A_304 = tpu.memref_squeeze %dma_start3A_303 : memref<1x1x128x128xf32, #tpu.memory_space<vmem>> -> memref<128x128xf32, #tpu.memory_space<vmem>>
    %dma_start3A_305 = arith.constant 0 : i32
    %dma_start3A_306 = tpu.memref_slice %arg6[%dma_start3A_297, %dma_start3A_298, %dma_start3A_305] : memref<9x1x128xi32, #tpu.memory_space<vmem>> -> memref<1x1x128xi32, #tpu.memory_space<vmem>>
    %dma_start3A_307 = tpu.memref_squeeze %dma_start3A_306 : memref<1x1x128xi32, #tpu.memory_space<vmem>> -> memref<128xi32, #tpu.memory_space<vmem>>
    %dma_start3A_308 = arith.constant 0 : i32
    %dma_start3A_309 = arith.constant 0 : i32
    %dma_start3A_310 = tpu.memref_slice %arg2[%dma_start3A_308, %dma_start3A_309] : memref<4096x128xf32, #tpu.memory_space<hbm>> -> memref<4096x128xf32, #tpu.memory_space<hbm>>
    tpu.enqueue_indirect_dma source(%dma_start3A_310 : memref<4096x128xf32, #tpu.memory_space<hbm>>) target(%dma_start3A_304 : memref<128x128xf32, #tpu.memory_space<vmem>>) offsets(%dma_start3A_307 : memref<128xi32, #tpu.memory_space<vmem>>) semaphore(%arg9 : memref<!tpu.dma_semaphore, #tpu.memory_space<semaphore_mem>>)
    %dma_start3A_311 = arith.constant 7 : i32
    %dma_start3A_312 = arith.constant 0 : i32
    %dma_start3A_313 = arith.constant 0 : i32
    %dma_start3A_314 = arith.constant 1 : i32
    %dma_start3A_315 = arith.constant 0 : i32
    %dma_start3A_316 = arith.constant 0 : i32
    %dma_start3A_317 = tpu.memref_slice %arg8[%dma_start3A_313, %dma_start3A_314, %dma_start3A_315, %dma_start3A_316] : memref<2x3x128x128xf32, #tpu.memory_space<vmem>> -> memref<1x1x128x128xf32, #tpu.memory_space<vmem>>
    %dma_start3A_318 = tpu.memref_squeeze %dma_start3A_317 : memref<1x1x128x128xf32, #tpu.memory_space<vmem>> -> memref<128x128xf32, #tpu.memory_space<vmem>>
    %dma_start3A_319 = arith.constant 0 : i32
    %dma_start3A_320 = tpu.memref_slice %arg6[%dma_start3A_311, %dma_start3A_312, %dma_start3A_319] : memref<9x1x128xi32, #tpu.memory_space<vmem>> -> memref<1x1x128xi32, #tpu.memory_space<vmem>>
    %dma_start3A_321 = tpu.memref_squeeze %dma_start3A_320 : memref<1x1x128xi32, #tpu.memory_space<vmem>> -> memref<128xi32, #tpu.memory_space<vmem>>
    %dma_start3A_322 = arith.constant 0 : i32
    %dma_start3A_323 = arith.constant 0 : i32
    %dma_start3A_324 = tpu.memref_slice %arg2[%dma_start3A_322, %dma_start3A_323] : memref<4096x128xf32, #tpu.memory_space<hbm>> -> memref<4096x128xf32, #tpu.memory_space<hbm>>
    tpu.enqueue_indirect_dma source(%dma_start3A_324 : memref<4096x128xf32, #tpu.memory_space<hbm>>) target(%dma_start3A_318 : memref<128x128xf32, #tpu.memory_space<vmem>>) offsets(%dma_start3A_321 : memref<128xi32, #tpu.memory_space<vmem>>) semaphore(%arg9 : memref<!tpu.dma_semaphore, #tpu.memory_space<semaphore_mem>>)
    %dma_start3A_325 = arith.constant 8 : i32
    %dma_start3A_326 = arith.constant 0 : i32
    %dma_start3A_327 = arith.constant 0 : i32
    %dma_start3A_328 = arith.constant 2 : i32
    %dma_start3A_329 = arith.constant 0 : i32
    %dma_start3A_330 = arith.constant 0 : i32
    %dma_start3A_331 = tpu.memref_slice %arg8[%dma_start3A_327, %dma_start3A_328, %dma_start3A_329, %dma_start3A_330] : memref<2x3x128x128xf32, #tpu.memory_space<vmem>> -> memref<1x1x128x128xf32, #tpu.memory_space<vmem>>
    %dma_start3A_332 = tpu.memref_squeeze %dma_start3A_331 : memref<1x1x128x128xf32, #tpu.memory_space<vmem>> -> memref<128x128xf32, #tpu.memory_space<vmem>>
    %dma_start3A_333 = arith.constant 0 : i32
    %dma_start3A_334 = tpu.memref_slice %arg6[%dma_start3A_325, %dma_start3A_326, %dma_start3A_333] : memref<9x1x128xi32, #tpu.memory_space<vmem>> -> memref<1x1x128xi32, #tpu.memory_space<vmem>>
    %dma_start3A_335 = tpu.memref_squeeze %dma_start3A_334 : memref<1x1x128xi32, #tpu.memory_space<vmem>> -> memref<128xi32, #tpu.memory_space<vmem>>
    %dma_start3A_336 = arith.constant 0 : i32
    %dma_start3A_337 = arith.constant 0 : i32
    %dma_start3A_338 = tpu.memref_slice %arg2[%dma_start3A_336, %dma_start3A_337] : memref<4096x128xf32, #tpu.memory_space<hbm>> -> memref<4096x128xf32, #tpu.memory_space<hbm>>
    tpu.enqueue_indirect_dma source(%dma_start3A_338 : memref<4096x128xf32, #tpu.memory_space<hbm>>) target(%dma_start3A_332 : memref<128x128xf32, #tpu.memory_space<vmem>>) offsets(%dma_start3A_335 : memref<128xi32, #tpu.memory_space<vmem>>) semaphore(%arg9 : memref<!tpu.dma_semaphore, #tpu.memory_space<semaphore_mem>>)
    %dma_wait3A_339 = arith.constant 6 : i32
    %dma_wait3A_340 = arith.constant 0 : i32
    %dma_wait3A_341 = arith.constant 0 : i32
    %dma_wait3A_342 = arith.constant 0 : i32
    %dma_wait3A_343 = arith.constant 0 : i32
    %dma_wait3A_344 = arith.constant 0 : i32
    %dma_wait3A_345 = tpu.memref_slice %arg8[%dma_wait3A_341, %dma_wait3A_342, %dma_wait3A_343, %dma_wait3A_344] : memref<2x3x128x128xf32, #tpu.memory_space<vmem>> -> memref<1x1x128x128xf32, #tpu.memory_space<vmem>>
    %dma_wait3A_346 = tpu.memref_squeeze %dma_wait3A_345 : memref<1x1x128x128xf32, #tpu.memory_space<vmem>> -> memref<128x128xf32, #tpu.memory_space<vmem>>
    %dma_wait3A_347 = arith.constant 0 : i32
    %dma_wait3A_348 = tpu.memref_slice %arg6[%dma_wait3A_339, %dma_wait3A_340, %dma_wait3A_347] : memref<9x1x128xi32, #tpu.memory_space<vmem>> -> memref<1x1x128xi32, #tpu.memory_space<vmem>>
    %dma_wait3A_349 = tpu.memref_squeeze %dma_wait3A_348 : memref<1x1x128xi32, #tpu.memory_space<vmem>> -> memref<128xi32, #tpu.memory_space<vmem>>
    %dma_wait3A_350 = arith.constant 0 : i32
    %dma_wait3A_351 = arith.constant 0 : i32
    %dma_wait3A_352 = tpu.memref_slice %arg2[%dma_wait3A_350, %dma_wait3A_351] : memref<4096x128xf32, #tpu.memory_space<hbm>> -> memref<4096x128xf32, #tpu.memory_space<hbm>>
    tpu.wait_indirect_dma semaphore(%arg9 : memref<!tpu.dma_semaphore, #tpu.memory_space<semaphore_mem>>) src(%dma_wait3A_352 : memref<4096x128xf32, #tpu.memory_space<hbm>>) dst(%dma_wait3A_346 : memref<128x128xf32, #tpu.memory_space<vmem>>)
    %dma_wait3A_353 = arith.constant 7 : i32
    %dma_wait3A_354 = arith.constant 0 : i32
    %dma_wait3A_355 = arith.constant 0 : i32
    %dma_wait3A_356 = arith.constant 1 : i32
    %dma_wait3A_357 = arith.constant 0 : i32
    %dma_wait3A_358 = arith.constant 0 : i32
    %dma_wait3A_359 = tpu.memref_slice %arg8[%dma_wait3A_355, %dma_wait3A_356, %dma_wait3A_357, %dma_wait3A_358] : memref<2x3x128x128xf32, #tpu.memory_space<vmem>> -> memref<1x1x128x128xf32, #tpu.memory_space<vmem>>
    %dma_wait3A_360 = tpu.memref_squeeze %dma_wait3A_359 : memref<1x1x128x128xf32, #tpu.memory_space<vmem>> -> memref<128x128xf32, #tpu.memory_space<vmem>>
    %dma_wait3A_361 = arith.constant 0 : i32
    %dma_wait3A_362 = tpu.memref_slice %arg6[%dma_wait3A_353, %dma_wait3A_354, %dma_wait3A_361] : memref<9x1x128xi32, #tpu.memory_space<vmem>> -> memref<1x1x128xi32, #tpu.memory_space<vmem>>
    %dma_wait3A_363 = tpu.memref_squeeze %dma_wait3A_362 : memref<1x1x128xi32, #tpu.memory_space<vmem>> -> memref<128xi32, #tpu.memory_space<vmem>>
    %dma_wait3A_364 = arith.constant 0 : i32
    %dma_wait3A_365 = arith.constant 0 : i32
    %dma_wait3A_366 = tpu.memref_slice %arg2[%dma_wait3A_364, %dma_wait3A_365] : memref<4096x128xf32, #tpu.memory_space<hbm>> -> memref<4096x128xf32, #tpu.memory_space<hbm>>
    tpu.wait_indirect_dma semaphore(%arg9 : memref<!tpu.dma_semaphore, #tpu.memory_space<semaphore_mem>>) src(%dma_wait3A_366 : memref<4096x128xf32, #tpu.memory_space<hbm>>) dst(%dma_wait3A_360 : memref<128x128xf32, #tpu.memory_space<vmem>>)
    %dma_wait3A_367 = arith.constant 8 : i32
    %dma_wait3A_368 = arith.constant 0 : i32
    %dma_wait3A_369 = arith.constant 0 : i32
    %dma_wait3A_370 = arith.constant 2 : i32
    %dma_wait3A_371 = arith.constant 0 : i32
    %dma_wait3A_372 = arith.constant 0 : i32
    %dma_wait3A_373 = tpu.memref_slice %arg8[%dma_wait3A_369, %dma_wait3A_370, %dma_wait3A_371, %dma_wait3A_372] : memref<2x3x128x128xf32, #tpu.memory_space<vmem>> -> memref<1x1x128x128xf32, #tpu.memory_space<vmem>>
    %dma_wait3A_374 = tpu.memref_squeeze %dma_wait3A_373 : memref<1x1x128x128xf32, #tpu.memory_space<vmem>> -> memref<128x128xf32, #tpu.memory_space<vmem>>
    %dma_wait3A_375 = arith.constant 0 : i32
    %dma_wait3A_376 = tpu.memref_slice %arg6[%dma_wait3A_367, %dma_wait3A_368, %dma_wait3A_375] : memref<9x1x128xi32, #tpu.memory_space<vmem>> -> memref<1x1x128xi32, #tpu.memory_space<vmem>>
    %dma_wait3A_377 = tpu.memref_squeeze %dma_wait3A_376 : memref<1x1x128xi32, #tpu.memory_space<vmem>> -> memref<128xi32, #tpu.memory_space<vmem>>
    %dma_wait3A_378 = arith.constant 0 : i32
    %dma_wait3A_379 = arith.constant 0 : i32
    %dma_wait3A_380 = tpu.memref_slice %arg2[%dma_wait3A_378, %dma_wait3A_379] : memref<4096x128xf32, #tpu.memory_space<hbm>> -> memref<4096x128xf32, #tpu.memory_space<hbm>>
    tpu.wait_indirect_dma semaphore(%arg9 : memref<!tpu.dma_semaphore, #tpu.memory_space<semaphore_mem>>) src(%dma_wait3A_380 : memref<4096x128xf32, #tpu.memory_space<hbm>>) dst(%dma_wait3A_374 : memref<128x128xf32, #tpu.memory_space<vmem>>)
    %dma_start3A_381 = arith.constant 0 : i32
    %dma_start3A_382 = arith.constant 0 : i32
    %dma_start3A_383 = arith.constant 6 : i32
    %dma_start3A_384 = arith.constant 0 : i32
    %dma_start3A_385 = arith.constant 0 : i32
    %dma_start3A_386 = arith.constant 0 : i32
    %dma_start3A_387 = tpu.memref_slice %arg8[%dma_start3A_381, %dma_start3A_382, %dma_start3A_385, %dma_start3A_386] : memref<2x3x128x128xf32, #tpu.memory_space<vmem>> -> memref<1x1x128x128xf32, #tpu.memory_space<vmem>>
    %dma_start3A_388 = tpu.memref_squeeze %dma_start3A_387 : memref<1x1x128x128xf32, #tpu.memory_space<vmem>> -> memref<128x128xf32, #tpu.memory_space<vmem>>
    %dma_start3A_389 = arith.constant 0 : i32
    %dma_start3A_390 = tpu.memref_slice %arg7[%dma_start3A_383, %dma_start3A_384, %dma_start3A_389] : memref<9x1x128xi32, #tpu.memory_space<vmem>> -> memref<1x1x128xi32, #tpu.memory_space<vmem>>
    %dma_start3A_391 = tpu.memref_squeeze %dma_start3A_390 : memref<1x1x128xi32, #tpu.memory_space<vmem>> -> memref<128xi32, #tpu.memory_space<vmem>>
    %dma_start3A_392 = arith.constant 0 : i32
    %dma_start3A_393 = arith.constant 0 : i32
    %dma_start3A_394 = tpu.memref_slice %arg5[%dma_start3A_392, %dma_start3A_393] : memref<36864x128xf32, #tpu.memory_space<hbm>> -> memref<36864x128xf32, #tpu.memory_space<hbm>>
    tpu.enqueue_indirect_dma source(%dma_start3A_388 : memref<128x128xf32, #tpu.memory_space<vmem>>) target(%dma_start3A_394 : memref<36864x128xf32, #tpu.memory_space<hbm>>) offsets(%dma_start3A_391 : memref<128xi32, #tpu.memory_space<vmem>>) semaphore(%arg10 : memref<!tpu.dma_semaphore, #tpu.memory_space<semaphore_mem>>)
    %dma_start3A_395 = arith.constant 0 : i32
    %dma_start3A_396 = arith.constant 1 : i32
    %dma_start3A_397 = arith.constant 7 : i32
    %dma_start3A_398 = arith.constant 0 : i32
    %dma_start3A_399 = arith.constant 0 : i32
    %dma_start3A_400 = arith.constant 0 : i32
    %dma_start3A_401 = tpu.memref_slice %arg8[%dma_start3A_395, %dma_start3A_396, %dma_start3A_399, %dma_start3A_400] : memref<2x3x128x128xf32, #tpu.memory_space<vmem>> -> memref<1x1x128x128xf32, #tpu.memory_space<vmem>>
    %dma_start3A_402 = tpu.memref_squeeze %dma_start3A_401 : memref<1x1x128x128xf32, #tpu.memory_space<vmem>> -> memref<128x128xf32, #tpu.memory_space<vmem>>
    %dma_start3A_403 = arith.constant 0 : i32
    %dma_start3A_404 = tpu.memref_slice %arg7[%dma_start3A_397, %dma_start3A_398, %dma_start3A_403] : memref<9x1x128xi32, #tpu.memory_space<vmem>> -> memref<1x1x128xi32, #tpu.memory_space<vmem>>
    %dma_start3A_405 = tpu.memref_squeeze %dma_start3A_404 : memref<1x1x128xi32, #tpu.memory_space<vmem>> -> memref<128xi32, #tpu.memory_space<vmem>>
    %dma_start3A_406 = arith.constant 0 : i32
    %dma_start3A_407 = arith.constant 0 : i32
    %dma_start3A_408 = tpu.memref_slice %arg5[%dma_start3A_406, %dma_start3A_407] : memref<36864x128xf32, #tpu.memory_space<hbm>> -> memref<36864x128xf32, #tpu.memory_space<hbm>>
    tpu.enqueue_indirect_dma source(%dma_start3A_402 : memref<128x128xf32, #tpu.memory_space<vmem>>) target(%dma_start3A_408 : memref<36864x128xf32, #tpu.memory_space<hbm>>) offsets(%dma_start3A_405 : memref<128xi32, #tpu.memory_space<vmem>>) semaphore(%arg10 : memref<!tpu.dma_semaphore, #tpu.memory_space<semaphore_mem>>)
    %dma_start3A_409 = arith.constant 0 : i32
    %dma_start3A_410 = arith.constant 2 : i32
    %dma_start3A_411 = arith.constant 8 : i32
    %dma_start3A_412 = arith.constant 0 : i32
    %dma_start3A_413 = arith.constant 0 : i32
    %dma_start3A_414 = arith.constant 0 : i32
    %dma_start3A_415 = tpu.memref_slice %arg8[%dma_start3A_409, %dma_start3A_410, %dma_start3A_413, %dma_start3A_414] : memref<2x3x128x128xf32, #tpu.memory_space<vmem>> -> memref<1x1x128x128xf32, #tpu.memory_space<vmem>>
    %dma_start3A_416 = tpu.memref_squeeze %dma_start3A_415 : memref<1x1x128x128xf32, #tpu.memory_space<vmem>> -> memref<128x128xf32, #tpu.memory_space<vmem>>
    %dma_start3A_417 = arith.constant 0 : i32
    %dma_start3A_418 = tpu.memref_slice %arg7[%dma_start3A_411, %dma_start3A_412, %dma_start3A_417] : memref<9x1x128xi32, #tpu.memory_space<vmem>> -> memref<1x1x128xi32, #tpu.memory_space<vmem>>
    %dma_start3A_419 = tpu.memref_squeeze %dma_start3A_418 : memref<1x1x128xi32, #tpu.memory_space<vmem>> -> memref<128xi32, #tpu.memory_space<vmem>>
    %dma_start3A_420 = arith.constant 0 : i32
    %dma_start3A_421 = arith.constant 0 : i32
    %dma_start3A_422 = tpu.memref_slice %arg5[%dma_start3A_420, %dma_start3A_421] : memref<36864x128xf32, #tpu.memory_space<hbm>> -> memref<36864x128xf32, #tpu.memory_space<hbm>>
    tpu.enqueue_indirect_dma source(%dma_start3A_416 : memref<128x128xf32, #tpu.memory_space<vmem>>) target(%dma_start3A_422 : memref<36864x128xf32, #tpu.memory_space<hbm>>) offsets(%dma_start3A_419 : memref<128xi32, #tpu.memory_space<vmem>>) semaphore(%arg10 : memref<!tpu.dma_semaphore, #tpu.memory_space<semaphore_mem>>)
    %dma_wait3A_423 = arith.constant 0 : i32
    %dma_wait3A_424 = arith.constant 0 : i32
    %dma_wait3A_425 = arith.constant 6 : i32
    %dma_wait3A_426 = arith.constant 0 : i32
    %dma_wait3A_427 = arith.constant 0 : i32
    %dma_wait3A_428 = arith.constant 0 : i32
    %dma_wait3A_429 = tpu.memref_slice %arg8[%dma_wait3A_423, %dma_wait3A_424, %dma_wait3A_427, %dma_wait3A_428] : memref<2x3x128x128xf32, #tpu.memory_space<vmem>> -> memref<1x1x128x128xf32, #tpu.memory_space<vmem>>
    %dma_wait3A_430 = tpu.memref_squeeze %dma_wait3A_429 : memref<1x1x128x128xf32, #tpu.memory_space<vmem>> -> memref<128x128xf32, #tpu.memory_space<vmem>>
    %dma_wait3A_431 = arith.constant 0 : i32
    %dma_wait3A_432 = tpu.memref_slice %arg7[%dma_wait3A_425, %dma_wait3A_426, %dma_wait3A_431] : memref<9x1x128xi32, #tpu.memory_space<vmem>> -> memref<1x1x128xi32, #tpu.memory_space<vmem>>
    %dma_wait3A_433 = tpu.memref_squeeze %dma_wait3A_432 : memref<1x1x128xi32, #tpu.memory_space<vmem>> -> memref<128xi32, #tpu.memory_space<vmem>>
    %dma_wait3A_434 = arith.constant 0 : i32
    %dma_wait3A_435 = arith.constant 0 : i32
    %dma_wait3A_436 = tpu.memref_slice %arg5[%dma_wait3A_434, %dma_wait3A_435] : memref<36864x128xf32, #tpu.memory_space<hbm>> -> memref<36864x128xf32, #tpu.memory_space<hbm>>
    tpu.wait_indirect_dma semaphore(%arg10 : memref<!tpu.dma_semaphore, #tpu.memory_space<semaphore_mem>>) src(%dma_wait3A_430 : memref<128x128xf32, #tpu.memory_space<vmem>>) dst(%dma_wait3A_436 : memref<36864x128xf32, #tpu.memory_space<hbm>>)
    %dma_wait3A_437 = arith.constant 0 : i32
    %dma_wait3A_438 = arith.constant 1 : i32
    %dma_wait3A_439 = arith.constant 7 : i32
    %dma_wait3A_440 = arith.constant 0 : i32
    %dma_wait3A_441 = arith.constant 0 : i32
    %dma_wait3A_442 = arith.constant 0 : i32
    %dma_wait3A_443 = tpu.memref_slice %arg8[%dma_wait3A_437, %dma_wait3A_438, %dma_wait3A_441, %dma_wait3A_442] : memref<2x3x128x128xf32, #tpu.memory_space<vmem>> -> memref<1x1x128x128xf32, #tpu.memory_space<vmem>>
    %dma_wait3A_444 = tpu.memref_squeeze %dma_wait3A_443 : memref<1x1x128x128xf32, #tpu.memory_space<vmem>> -> memref<128x128xf32, #tpu.memory_space<vmem>>
    %dma_wait3A_445 = arith.constant 0 : i32
    %dma_wait3A_446 = tpu.memref_slice %arg7[%dma_wait3A_439, %dma_wait3A_440, %dma_wait3A_445] : memref<9x1x128xi32, #tpu.memory_space<vmem>> -> memref<1x1x128xi32, #tpu.memory_space<vmem>>
    %dma_wait3A_447 = tpu.memref_squeeze %dma_wait3A_446 : memref<1x1x128xi32, #tpu.memory_space<vmem>> -> memref<128xi32, #tpu.memory_space<vmem>>
    %dma_wait3A_448 = arith.constant 0 : i32
    %dma_wait3A_449 = arith.constant 0 : i32
    %dma_wait3A_450 = tpu.memref_slice %arg5[%dma_wait3A_448, %dma_wait3A_449] : memref<36864x128xf32, #tpu.memory_space<hbm>> -> memref<36864x128xf32, #tpu.memory_space<hbm>>
    tpu.wait_indirect_dma semaphore(%arg10 : memref<!tpu.dma_semaphore, #tpu.memory_space<semaphore_mem>>) src(%dma_wait3A_444 : memref<128x128xf32, #tpu.memory_space<vmem>>) dst(%dma_wait3A_450 : memref<36864x128xf32, #tpu.memory_space<hbm>>)
    %dma_wait3A_451 = arith.constant 0 : i32
    %dma_wait3A_452 = arith.constant 2 : i32
    %dma_wait3A_453 = arith.constant 8 : i32
    %dma_wait3A_454 = arith.constant 0 : i32
    %dma_wait3A_455 = arith.constant 0 : i32
    %dma_wait3A_456 = arith.constant 0 : i32
    %dma_wait3A_457 = tpu.memref_slice %arg8[%dma_wait3A_451, %dma_wait3A_452, %dma_wait3A_455, %dma_wait3A_456] : memref<2x3x128x128xf32, #tpu.memory_space<vmem>> -> memref<1x1x128x128xf32, #tpu.memory_space<vmem>>
    %dma_wait3A_458 = tpu.memref_squeeze %dma_wait3A_457 : memref<1x1x128x128xf32, #tpu.memory_space<vmem>> -> memref<128x128xf32, #tpu.memory_space<vmem>>
    %dma_wait3A_459 = arith.constant 0 : i32
    %dma_wait3A_460 = tpu.memref_slice %arg7[%dma_wait3A_453, %dma_wait3A_454, %dma_wait3A_459] : memref<9x1x128xi32, #tpu.memory_space<vmem>> -> memref<1x1x128xi32, #tpu.memory_space<vmem>>
    %dma_wait3A_461 = tpu.memref_squeeze %dma_wait3A_460 : memref<1x1x128xi32, #tpu.memory_space<vmem>> -> memref<128xi32, #tpu.memory_space<vmem>>
    %dma_wait3A_462 = arith.constant 0 : i32
    %dma_wait3A_463 = arith.constant 0 : i32
    %dma_wait3A_464 = tpu.memref_slice %arg5[%dma_wait3A_462, %dma_wait3A_463] : memref<36864x128xf32, #tpu.memory_space<hbm>> -> memref<36864x128xf32, #tpu.memory_space<hbm>>
    tpu.wait_indirect_dma semaphore(%arg10 : memref<!tpu.dma_semaphore, #tpu.memory_space<semaphore_mem>>) src(%dma_wait3A_458 : memref<128x128xf32, #tpu.memory_space<vmem>>) dst(%dma_wait3A_464 : memref<36864x128xf32, #tpu.memory_space<hbm>>)
    %dma_wait3A_465 = arith.constant 1 : i32
    %dma_wait3A_466 = arith.constant 0 : i32
    %dma_wait3A_467 = arith.constant 3 : i32
    %dma_wait3A_468 = arith.constant 0 : i32
    %dma_wait3A_469 = arith.constant 0 : i32
    %dma_wait3A_470 = arith.constant 0 : i32
    %dma_wait3A_471 = tpu.memref_slice %arg8[%dma_wait3A_465, %dma_wait3A_466, %dma_wait3A_469, %dma_wait3A_470] : memref<2x3x128x128xf32, #tpu.memory_space<vmem>> -> memref<1x1x128x128xf32, #tpu.memory_space<vmem>>
    %dma_wait3A_472 = tpu.memref_squeeze %dma_wait3A_471 : memref<1x1x128x128xf32, #tpu.memory_space<vmem>> -> memref<128x128xf32, #tpu.memory_space<vmem>>
    %dma_wait3A_473 = arith.constant 0 : i32
    %dma_wait3A_474 = tpu.memref_slice %arg7[%dma_wait3A_467, %dma_wait3A_468, %dma_wait3A_473] : memref<9x1x128xi32, #tpu.memory_space<vmem>> -> memref<1x1x128xi32, #tpu.memory_space<vmem>>
    %dma_wait3A_475 = tpu.memref_squeeze %dma_wait3A_474 : memref<1x1x128xi32, #tpu.memory_space<vmem>> -> memref<128xi32, #tpu.memory_space<vmem>>
    %dma_wait3A_476 = arith.constant 0 : i32
    %dma_wait3A_477 = arith.constant 0 : i32
    %dma_wait3A_478 = tpu.memref_slice %arg5[%dma_wait3A_476, %dma_wait3A_477] : memref<36864x128xf32, #tpu.memory_space<hbm>> -> memref<36864x128xf32, #tpu.memory_space<hbm>>
    tpu.wait_indirect_dma semaphore(%arg11 : memref<!tpu.dma_semaphore, #tpu.memory_space<semaphore_mem>>) src(%dma_wait3A_472 : memref<128x128xf32, #tpu.memory_space<vmem>>) dst(%dma_wait3A_478 : memref<36864x128xf32, #tpu.memory_space<hbm>>)
    %dma_wait3A_479 = arith.constant 1 : i32
    %dma_wait3A_480 = arith.constant 1 : i32
    %dma_wait3A_481 = arith.constant 4 : i32
    %dma_wait3A_482 = arith.constant 0 : i32
    %dma_wait3A_483 = arith.constant 0 : i32
    %dma_wait3A_484 = arith.constant 0 : i32
    %dma_wait3A_485 = tpu.memref_slice %arg8[%dma_wait3A_479, %dma_wait3A_480, %dma_wait3A_483, %dma_wait3A_484] : memref<2x3x128x128xf32, #tpu.memory_space<vmem>> -> memref<1x1x128x128xf32, #tpu.memory_space<vmem>>
    %dma_wait3A_486 = tpu.memref_squeeze %dma_wait3A_485 : memref<1x1x128x128xf32, #tpu.memory_space<vmem>> -> memref<128x128xf32, #tpu.memory_space<vmem>>
    %dma_wait3A_487 = arith.constant 0 : i32
    %dma_wait3A_488 = tpu.memref_slice %arg7[%dma_wait3A_481, %dma_wait3A_482, %dma_wait3A_487] : memref<9x1x128xi32, #tpu.memory_space<vmem>> -> memref<1x1x128xi32, #tpu.memory_space<vmem>>
    %dma_wait3A_489 = tpu.memref_squeeze %dma_wait3A_488 : memref<1x1x128xi32, #tpu.memory_space<vmem>> -> memref<128xi32, #tpu.memory_space<vmem>>
    %dma_wait3A_490 = arith.constant 0 : i32
    %dma_wait3A_491 = arith.constant 0 : i32
    %dma_wait3A_492 = tpu.memref_slice %arg5[%dma_wait3A_490, %dma_wait3A_491] : memref<36864x128xf32, #tpu.memory_space<hbm>> -> memref<36864x128xf32, #tpu.memory_space<hbm>>
    tpu.wait_indirect_dma semaphore(%arg11 : memref<!tpu.dma_semaphore, #tpu.memory_space<semaphore_mem>>) src(%dma_wait3A_486 : memref<128x128xf32, #tpu.memory_space<vmem>>) dst(%dma_wait3A_492 : memref<36864x128xf32, #tpu.memory_space<hbm>>)
    %dma_wait3A_493 = arith.constant 1 : i32
    %dma_wait3A_494 = arith.constant 2 : i32
    %dma_wait3A_495 = arith.constant 5 : i32
    %dma_wait3A_496 = arith.constant 0 : i32
    %dma_wait3A_497 = arith.constant 0 : i32
    %dma_wait3A_498 = arith.constant 0 : i32
    %dma_wait3A_499 = tpu.memref_slice %arg8[%dma_wait3A_493, %dma_wait3A_494, %dma_wait3A_497, %dma_wait3A_498] : memref<2x3x128x128xf32, #tpu.memory_space<vmem>> -> memref<1x1x128x128xf32, #tpu.memory_space<vmem>>
    %dma_wait3A_500 = tpu.memref_squeeze %dma_wait3A_499 : memref<1x1x128x128xf32, #tpu.memory_space<vmem>> -> memref<128x128xf32, #tpu.memory_space<vmem>>
    %dma_wait3A_501 = arith.constant 0 : i32
    %dma_wait3A_502 = tpu.memref_slice %arg7[%dma_wait3A_495, %dma_wait3A_496, %dma_wait3A_501] : memref<9x1x128xi32, #tpu.memory_space<vmem>> -> memref<1x1x128xi32, #tpu.memory_space<vmem>>
    %dma_wait3A_503 = tpu.memref_squeeze %dma_wait3A_502 : memref<1x1x128xi32, #tpu.memory_space<vmem>> -> memref<128xi32, #tpu.memory_space<vmem>>
    %dma_wait3A_504 = arith.constant 0 : i32
    %dma_wait3A_505 = arith.constant 0 : i32
    %dma_wait3A_506 = tpu.memref_slice %arg5[%dma_wait3A_504, %dma_wait3A_505] : memref<36864x128xf32, #tpu.memory_space<hbm>> -> memref<36864x128xf32, #tpu.memory_space<hbm>>
    tpu.wait_indirect_dma semaphore(%arg11 : memref<!tpu.dma_semaphore, #tpu.memory_space<semaphore_mem>>) src(%dma_wait3A_500 : memref<128x128xf32, #tpu.memory_space<vmem>>) dst(%dma_wait3A_506 : memref<36864x128xf32, #tpu.memory_space<hbm>>)
    return
  }
}

#map = affine_map<(d0, d1) -> (0, 0)>
#map1 = affine_map<(d0, d1) -> (0, 0, 0)>
module attributes {stable_mosaic.version = 14 : i64} {
  func.func @_gather_body(%arg0: i32, %arg1: i32, %arg2: memref<4096x128xf32, #tpu.memory_space<hbm>>, %arg3: memref<288x1x128xi32, #tpu.memory_space<hbm>>, %arg4: memref<288x1x128xi32, #tpu.memory_space<hbm>>, %arg5: memref<36864x128xf32, #tpu.memory_space<hbm>>, %arg6: memref<9x1x128xi32, #tpu.memory_space<vmem>>, %arg7: memref<9x1x128xi32, #tpu.memory_space<vmem>>, %arg8: memref<2x3x128x128xf32, #tpu.memory_space<vmem>>, %arg9: memref<!tpu.dma_semaphore, #tpu.memory_space<semaphore_mem>>, %arg10: memref<!tpu.dma_semaphore, #tpu.memory_space<semaphore_mem>>, %arg11: memref<!tpu.dma_semaphore, #tpu.memory_space<semaphore_mem>>) attributes {dimension_semantics = [#tpu.dimension_semantics<core_parallel>, #tpu.dimension_semantics<subcore_parallel>], iteration_bounds = array<i64: 2, 16>, scalar_prefetch = 0 : i64, scratch_operands = 6 : i64, tpu.core_type = #tpu.core_type<sc_vector_subcore>, window_params = [{transform_indices = #map}, {transform_indices = #map1}, {transform_indices = #map1}, {transform_indices = #map}]} {
    %mul3A = arith.constant 2 : i32
    %mul3A_0 = arith.muli %arg1, %mul3A : i32
    %add3A = arith.addi %mul3A_0, %arg0 : i32
    %mul3A_1 = arith.constant 9 : i32
    %mul3A_2 = arith.muli %add3A, %mul3A_1 : i32
    "tpu.region"() ({
      %run_scoped3A = tpu.sem_alloc : memref<!tpu.dma_semaphore, #tpu.memory_space<semaphore_mem>>
      %dma_start3A_507 = arith.constant 0 : i32
      %dma_start3A_508 = arith.constant 0 : i32
      %dma_start3A_509 = tpu.memref_slice %arg3[%mul3A_2, %dma_start3A_507, %dma_start3A_508] : memref<288x1x128xi32, #tpu.memory_space<hbm>> -> memref<9x1x128xi32, #tpu.memory_space<hbm>>
      %dma_start3A_510 = arith.constant 0 : i32
      %dma_start3A_511 = arith.constant 0 : i32
      %dma_start3A_512 = tpu.memref_slice %arg3[%mul3A_2, %dma_start3A_510, %dma_start3A_511] : memref<288x1x128xi32, #tpu.memory_space<hbm>> -> memref<9x1x128xi32, #tpu.memory_space<hbm>>
      tpu.enqueue_dma source(%dma_start3A_512 : memref<9x1x128xi32, #tpu.memory_space<hbm>>) target(%arg6 : memref<9x1x128xi32, #tpu.memory_space<vmem>>) target_semaphore(%run_scoped3A : memref<!tpu.dma_semaphore, #tpu.memory_space<semaphore_mem>>)
      %dma_wait3A_513 = arith.constant 0 : i32
      %dma_wait3A_514 = arith.constant 0 : i32
      %dma_wait3A_515 = tpu.memref_slice %arg3[%mul3A_2, %dma_wait3A_513, %dma_wait3A_514] : memref<288x1x128xi32, #tpu.memory_space<hbm>> -> memref<9x1x128xi32, #tpu.memory_space<hbm>>
      %dma_wait3A_516 = arith.constant 0 : i32
      %dma_wait3A_517 = arith.constant 0 : i32
      %dma_wait3A_518 = tpu.memref_slice %arg3[%mul3A_2, %dma_wait3A_516, %dma_wait3A_517] : memref<288x1x128xi32, #tpu.memory_space<hbm>> -> memref<9x1x128xi32, #tpu.memory_space<hbm>>
      tpu.wait_dma2 semaphore(%run_scoped3A : memref<!tpu.dma_semaphore, #tpu.memory_space<semaphore_mem>>) src(%dma_wait3A_518 : memref<9x1x128xi32, #tpu.memory_space<hbm>>) dst(%arg6 : memref<9x1x128xi32, #tpu.memory_space<vmem>>)
      tpu.yield
    }) : () -> ()
    %mul3A_3 = arith.constant 9 : i32
    %mul3A_4 = arith.muli %add3A, %mul3A_3 : i32
    "tpu.region"() ({
      %run_scoped3A = tpu.sem_alloc : memref<!tpu.dma_semaphore, #tpu.memory_space<semaphore_mem>>
      %dma_start3A_507 = arith.constant 0 : i32
      %dma_start3A_508 = arith.constant 0 : i32
      %dma_start3A_509 = tpu.memref_slice %arg4[%mul3A_4, %dma_start3A_507, %dma_start3A_508] : memref<288x1x128xi32, #tpu.memory_space<hbm>> -> memref<9x1x128xi32, #tpu.memory_space<hbm>>
      %dma_start3A_510 = arith.constant 0 : i32
      %dma_start3A_511 = arith.constant 0 : i32
      %dma_start3A_512 = tpu.memref_slice %arg4[%mul3A_4, %dma_start3A_510, %dma_start3A_511] : memref<288x1x128xi32, #tpu.memory_space<hbm>> -> memref<9x1x128xi32, #tpu.memory_space<hbm>>
      tpu.enqueue_dma source(%dma_start3A_512 : memref<9x1x128xi32, #tpu.memory_space<hbm>>) target(%arg7 : memref<9x1x128xi32, #tpu.memory_space<vmem>>) target_semaphore(%run_scoped3A : memref<!tpu.dma_semaphore, #tpu.memory_space<semaphore_mem>>)
      %dma_wait3A_513 = arith.constant 0 : i32
      %dma_wait3A_514 = arith.constant 0 : i32
      %dma_wait3A_515 = tpu.memref_slice %arg4[%mul3A_4, %dma_wait3A_513, %dma_wait3A_514] : memref<288x1x128xi32, #tpu.memory_space<hbm>> -> memref<9x1x128xi32, #tpu.memory_space<hbm>>
      %dma_wait3A_516 = arith.constant 0 : i32
      %dma_wait3A_517 = arith.constant 0 : i32
      %dma_wait3A_518 = tpu.memref_slice %arg4[%mul3A_4, %dma_wait3A_516, %dma_wait3A_517] : memref<288x1x128xi32, #tpu.memory_space<hbm>> -> memref<9x1x128xi32, #tpu.memory_space<hbm>>
      tpu.wait_dma2 semaphore(%run_scoped3A : memref<!tpu.dma_semaphore, #tpu.memory_space<semaphore_mem>>) src(%dma_wait3A_518 : memref<9x1x128xi32, #tpu.memory_space<hbm>>) dst(%arg7 : memref<9x1x128xi32, #tpu.memory_space<vmem>>)
      tpu.yield
    }) : () -> ()
    %dma_start3A = arith.constant 0 : i32
    %dma_start3A_5 = arith.constant 0 : i32
    %dma_start3A_6 = arith.constant 0 : i32
    %dma_start3A_7 = arith.constant 0 : i32
    %dma_start3A_8 = arith.constant 0 : i32
    %dma_start3A_9 = arith.constant 0 : i32
    %dma_start3A_10 = tpu.memref_slice %arg8[%dma_start3A_6, %dma_start3A_7, %dma_start3A_8, %dma_start3A_9] : memref<2x3x128x128xf32, #tpu.memory_space<vmem>> -> memref<1x1x128x128xf32, #tpu.memory_space<vmem>>
    %dma_start3A_11 = tpu.memref_squeeze %dma_start3A_10 : memref<1x1x128x128xf32, #tpu.memory_space<vmem>> -> memref<128x128xf32, #tpu.memory_space<vmem>>
    %dma_start3A_12 = arith.constant 0 : i32
    %dma_start3A_13 = tpu.memref_slice %arg6[%dma_start3A, %dma_start3A_5, %dma_start3A_12] : memref<9x1x128xi32, #tpu.memory_space<vmem>> -> memref<1x1x128xi32, #tpu.memory_space<vmem>>
    %dma_start3A_14 = tpu.memref_squeeze %dma_start3A_13 : memref<1x1x128xi32, #tpu.memory_space<vmem>> -> memref<128xi32, #tpu.memory_space<vmem>>
    %dma_start3A_15 = arith.constant 0 : i32
    %dma_start3A_16 = arith.constant 0 : i32
    %dma_start3A_17 = tpu.memref_slice %arg2[%dma_start3A_15, %dma_start3A_16] : memref<4096x128xf32, #tpu.memory_space<hbm>> -> memref<4096x128xf32, #tpu.memory_space<hbm>>
    tpu.enqueue_indirect_dma source(%dma_start3A_17 : memref<4096x128xf32, #tpu.memory_space<hbm>>) target(%dma_start3A_11 : memref<128x128xf32, #tpu.memory_space<vmem>>) offsets(%dma_start3A_14 : memref<128xi32, #tpu.memory_space<vmem>>) semaphore(%arg9 : memref<!tpu.dma_semaphore, #tpu.memory_space<semaphore_mem>>)
    %dma_start3A_18 = arith.constant 1 : i32
    %dma_start3A_19 = arith.constant 0 : i32
    %dma_start3A_20 = arith.constant 0 : i32
    %dma_start3A_21 = arith.constant 1 : i32
    %dma_start3A_22 = arith.constant 0 : i32
    %dma_start3A_23 = arith.constant 0 : i32
    %dma_start3A_24 = tpu.memref_slice %arg8[%dma_start3A_20, %dma_start3A_21, %dma_start3A_22, %dma_start3A_23] : memref<2x3x128x128xf32, #tpu.memory_space<vmem>> -> memref<1x1x128x128xf32, #tpu.memory_space<vmem>>
    %dma_start3A_25 = tpu.memref_squeeze %dma_start3A_24 : memref<1x1x128x128xf32, #tpu.memory_space<vmem>> -> memref<128x128xf32, #tpu.memory_space<vmem>>
    %dma_start3A_26 = arith.constant 0 : i32
    %dma_start3A_27 = tpu.memref_slice %arg6[%dma_start3A_18, %dma_start3A_19, %dma_start3A_26] : memref<9x1x128xi32, #tpu.memory_space<vmem>> -> memref<1x1x128xi32, #tpu.memory_space<vmem>>
    %dma_start3A_28 = tpu.memref_squeeze %dma_start3A_27 : memref<1x1x128xi32, #tpu.memory_space<vmem>> -> memref<128xi32, #tpu.memory_space<vmem>>
    %dma_start3A_29 = arith.constant 0 : i32
    %dma_start3A_30 = arith.constant 0 : i32
    %dma_start3A_31 = tpu.memref_slice %arg2[%dma_start3A_29, %dma_start3A_30] : memref<4096x128xf32, #tpu.memory_space<hbm>> -> memref<4096x128xf32, #tpu.memory_space<hbm>>
    tpu.enqueue_indirect_dma source(%dma_start3A_31 : memref<4096x128xf32, #tpu.memory_space<hbm>>) target(%dma_start3A_25 : memref<128x128xf32, #tpu.memory_space<vmem>>) offsets(%dma_start3A_28 : memref<128xi32, #tpu.memory_space<vmem>>) semaphore(%arg9 : memref<!tpu.dma_semaphore, #tpu.memory_space<semaphore_mem>>)
    %dma_start3A_32 = arith.constant 2 : i32
    %dma_start3A_33 = arith.constant 0 : i32
    %dma_start3A_34 = arith.constant 0 : i32
    %dma_start3A_35 = arith.constant 2 : i32
    %dma_start3A_36 = arith.constant 0 : i32
    %dma_start3A_37 = arith.constant 0 : i32
    %dma_start3A_38 = tpu.memref_slice %arg8[%dma_start3A_34, %dma_start3A_35, %dma_start3A_36, %dma_start3A_37] : memref<2x3x128x128xf32, #tpu.memory_space<vmem>> -> memref<1x1x128x128xf32, #tpu.memory_space<vmem>>
    %dma_start3A_39 = tpu.memref_squeeze %dma_start3A_38 : memref<1x1x128x128xf32, #tpu.memory_space<vmem>> -> memref<128x128xf32, #tpu.memory_space<vmem>>
    %dma_start3A_40 = arith.constant 0 : i32
    %dma_start3A_41 = tpu.memref_slice %arg6[%dma_start3A_32, %dma_start3A_33, %dma_start3A_40] : memref<9x1x128xi32, #tpu.memory_space<vmem>> -> memref<1x1x128xi32, #tpu.memory_space<vmem>>
    %dma_start3A_42 = tpu.memref_squeeze %dma_start3A_41 : memref<1x1x128xi32, #tpu.memory_space<vmem>> -> memref<128xi32, #tpu.memory_space<vmem>>
    %dma_start3A_43 = arith.constant 0 : i32
    %dma_start3A_44 = arith.constant 0 : i32
    %dma_start3A_45 = tpu.memref_slice %arg2[%dma_start3A_43, %dma_start3A_44] : memref<4096x128xf32, #tpu.memory_space<hbm>> -> memref<4096x128xf32, #tpu.memory_space<hbm>>
    tpu.enqueue_indirect_dma source(%dma_start3A_45 : memref<4096x128xf32, #tpu.memory_space<hbm>>) target(%dma_start3A_39 : memref<128x128xf32, #tpu.memory_space<vmem>>) offsets(%dma_start3A_42 : memref<128xi32, #tpu.memory_space<vmem>>) semaphore(%arg9 : memref<!tpu.dma_semaphore, #tpu.memory_space<semaphore_mem>>)
    %dma_wait3A = arith.constant 0 : i32
    %dma_wait3A_46 = arith.constant 0 : i32
    %dma_wait3A_47 = arith.constant 0 : i32
    %dma_wait3A_48 = arith.constant 0 : i32
    %dma_wait3A_49 = arith.constant 0 : i32
    %dma_wait3A_50 = arith.constant 0 : i32
    %dma_wait3A_51 = tpu.memref_slice %arg8[%dma_wait3A_47, %dma_wait3A_48, %dma_wait3A_49, %dma_wait3A_50] : memref<2x3x128x128xf32, #tpu.memory_space<vmem>> -> memref<1x1x128x128xf32, #tpu.memory_space<vmem>>
    %dma_wait3A_52 = tpu.memref_squeeze %dma_wait3A_51 : memref<1x1x128x128xf32, #tpu.memory_space<vmem>> -> memref<128x128xf32, #tpu.memory_space<vmem>>
    %dma_wait3A_53 = arith.constant 0 : i32
    %dma_wait3A_54 = tpu.memref_slice %arg6[%dma_wait3A, %dma_wait3A_46, %dma_wait3A_53] : memref<9x1x128xi32, #tpu.memory_space<vmem>> -> memref<1x1x128xi32, #tpu.memory_space<vmem>>
    %dma_wait3A_55 = tpu.memref_squeeze %dma_wait3A_54 : memref<1x1x128xi32, #tpu.memory_space<vmem>> -> memref<128xi32, #tpu.memory_space<vmem>>
    %dma_wait3A_56 = arith.constant 0 : i32
    %dma_wait3A_57 = arith.constant 0 : i32
    %dma_wait3A_58 = tpu.memref_slice %arg2[%dma_wait3A_56, %dma_wait3A_57] : memref<4096x128xf32, #tpu.memory_space<hbm>> -> memref<4096x128xf32, #tpu.memory_space<hbm>>
    tpu.wait_indirect_dma semaphore(%arg9 : memref<!tpu.dma_semaphore, #tpu.memory_space<semaphore_mem>>) src(%dma_wait3A_58 : memref<4096x128xf32, #tpu.memory_space<hbm>>) dst(%dma_wait3A_52 : memref<128x128xf32, #tpu.memory_space<vmem>>)
    %dma_wait3A_59 = arith.constant 1 : i32
    %dma_wait3A_60 = arith.constant 0 : i32
    %dma_wait3A_61 = arith.constant 0 : i32
    %dma_wait3A_62 = arith.constant 1 : i32
    %dma_wait3A_63 = arith.constant 0 : i32
    %dma_wait3A_64 = arith.constant 0 : i32
    %dma_wait3A_65 = tpu.memref_slice %arg8[%dma_wait3A_61, %dma_wait3A_62, %dma_wait3A_63, %dma_wait3A_64] : memref<2x3x128x128xf32, #tpu.memory_space<vmem>> -> memref<1x1x128x128xf32, #tpu.memory_space<vmem>>
    %dma_wait3A_66 = tpu.memref_squeeze %dma_wait3A_65 : memref<1x1x128x128xf32, #tpu.memory_space<vmem>> -> memref<128x128xf32, #tpu.memory_space<vmem>>
    %dma_wait3A_67 = arith.constant 0 : i32
    %dma_wait3A_68 = tpu.memref_slice %arg6[%dma_wait3A_59, %dma_wait3A_60, %dma_wait3A_67] : memref<9x1x128xi32, #tpu.memory_space<vmem>> -> memref<1x1x128xi32, #tpu.memory_space<vmem>>
    %dma_wait3A_69 = tpu.memref_squeeze %dma_wait3A_68 : memref<1x1x128xi32, #tpu.memory_space<vmem>> -> memref<128xi32, #tpu.memory_space<vmem>>
    %dma_wait3A_70 = arith.constant 0 : i32
    %dma_wait3A_71 = arith.constant 0 : i32
    %dma_wait3A_72 = tpu.memref_slice %arg2[%dma_wait3A_70, %dma_wait3A_71] : memref<4096x128xf32, #tpu.memory_space<hbm>> -> memref<4096x128xf32, #tpu.memory_space<hbm>>
    tpu.wait_indirect_dma semaphore(%arg9 : memref<!tpu.dma_semaphore, #tpu.memory_space<semaphore_mem>>) src(%dma_wait3A_72 : memref<4096x128xf32, #tpu.memory_space<hbm>>) dst(%dma_wait3A_66 : memref<128x128xf32, #tpu.memory_space<vmem>>)
    %dma_wait3A_73 = arith.constant 2 : i32
    %dma_wait3A_74 = arith.constant 0 : i32
    %dma_wait3A_75 = arith.constant 0 : i32
    %dma_wait3A_76 = arith.constant 2 : i32
    %dma_wait3A_77 = arith.constant 0 : i32
    %dma_wait3A_78 = arith.constant 0 : i32
    %dma_wait3A_79 = tpu.memref_slice %arg8[%dma_wait3A_75, %dma_wait3A_76, %dma_wait3A_77, %dma_wait3A_78] : memref<2x3x128x128xf32, #tpu.memory_space<vmem>> -> memref<1x1x128x128xf32, #tpu.memory_space<vmem>>
    %dma_wait3A_80 = tpu.memref_squeeze %dma_wait3A_79 : memref<1x1x128x128xf32, #tpu.memory_space<vmem>> -> memref<128x128xf32, #tpu.memory_space<vmem>>
    %dma_wait3A_81 = arith.constant 0 : i32
    %dma_wait3A_82 = tpu.memref_slice %arg6[%dma_wait3A_73, %dma_wait3A_74, %dma_wait3A_81] : memref<9x1x128xi32, #tpu.memory_space<vmem>> -> memref<1x1x128xi32, #tpu.memory_space<vmem>>
    %dma_wait3A_83 = tpu.memref_squeeze %dma_wait3A_82 : memref<1x1x128xi32, #tpu.memory_space<vmem>> -> memref<128xi32, #tpu.memory_space<vmem>>
    %dma_wait3A_84 = arith.constant 0 : i32
    %dma_wait3A_85 = arith.constant 0 : i32
    %dma_wait3A_86 = tpu.memref_slice %arg2[%dma_wait3A_84, %dma_wait3A_85] : memref<4096x128xf32, #tpu.memory_space<hbm>> -> memref<4096x128xf32, #tpu.memory_space<hbm>>
    tpu.wait_indirect_dma semaphore(%arg9 : memref<!tpu.dma_semaphore, #tpu.memory_space<semaphore_mem>>) src(%dma_wait3A_86 : memref<4096x128xf32, #tpu.memory_space<hbm>>) dst(%dma_wait3A_80 : memref<128x128xf32, #tpu.memory_space<vmem>>)
    %dma_start3A_87 = arith.constant 0 : i32
    %dma_start3A_88 = arith.constant 0 : i32
    %dma_start3A_89 = arith.constant 0 : i32
    %dma_start3A_90 = arith.constant 0 : i32
    %dma_start3A_91 = arith.constant 0 : i32
    %dma_start3A_92 = arith.constant 0 : i32
    %dma_start3A_93 = tpu.memref_slice %arg8[%dma_start3A_87, %dma_start3A_88, %dma_start3A_91, %dma_start3A_92] : memref<2x3x128x128xf32, #tpu.memory_space<vmem>> -> memref<1x1x128x128xf32, #tpu.memory_space<vmem>>
    %dma_start3A_94 = tpu.memref_squeeze %dma_start3A_93 : memref<1x1x128x128xf32, #tpu.memory_space<vmem>> -> memref<128x128xf32, #tpu.memory_space<vmem>>
    %dma_start3A_95 = arith.constant 0 : i32
    %dma_start3A_96 = tpu.memref_slice %arg7[%dma_start3A_89, %dma_start3A_90, %dma_start3A_95] : memref<9x1x128xi32, #tpu.memory_space<vmem>> -> memref<1x1x128xi32, #tpu.memory_space<vmem>>
    %dma_start3A_97 = tpu.memref_squeeze %dma_start3A_96 : memref<1x1x128xi32, #tpu.memory_space<vmem>> -> memref<128xi32, #tpu.memory_space<vmem>>
    %dma_start3A_98 = arith.constant 0 : i32
    %dma_start3A_99 = arith.constant 0 : i32
    %dma_start3A_100 = tpu.memref_slice %arg5[%dma_start3A_98, %dma_start3A_99] : memref<36864x128xf32, #tpu.memory_space<hbm>> -> memref<36864x128xf32, #tpu.memory_space<hbm>>
    tpu.enqueue_indirect_dma source(%dma_start3A_94 : memref<128x128xf32, #tpu.memory_space<vmem>>) target(%dma_start3A_100 : memref<36864x128xf32, #tpu.memory_space<hbm>>) offsets(%dma_start3A_97 : memref<128xi32, #tpu.memory_space<vmem>>) semaphore(%arg10 : memref<!tpu.dma_semaphore, #tpu.memory_space<semaphore_mem>>)
    %dma_start3A_101 = arith.constant 0 : i32
    %dma_start3A_102 = arith.constant 1 : i32
    %dma_start3A_103 = arith.constant 1 : i32
    %dma_start3A_104 = arith.constant 0 : i32
    %dma_start3A_105 = arith.constant 0 : i32
    %dma_start3A_106 = arith.constant 0 : i32
    %dma_start3A_107 = tpu.memref_slice %arg8[%dma_start3A_101, %dma_start3A_102, %dma_start3A_105, %dma_start3A_106] : memref<2x3x128x128xf32, #tpu.memory_space<vmem>> -> memref<1x1x128x128xf32, #tpu.memory_space<vmem>>
    %dma_start3A_108 = tpu.memref_squeeze %dma_start3A_107 : memref<1x1x128x128xf32, #tpu.memory_space<vmem>> -> memref<128x128xf32, #tpu.memory_space<vmem>>
    %dma_start3A_109 = arith.constant 0 : i32
    %dma_start3A_110 = tpu.memref_slice %arg7[%dma_start3A_103, %dma_start3A_104, %dma_start3A_109] : memref<9x1x128xi32, #tpu.memory_space<vmem>> -> memref<1x1x128xi32, #tpu.memory_space<vmem>>
    %dma_start3A_111 = tpu.memref_squeeze %dma_start3A_110 : memref<1x1x128xi32, #tpu.memory_space<vmem>> -> memref<128xi32, #tpu.memory_space<vmem>>
    %dma_start3A_112 = arith.constant 0 : i32
    %dma_start3A_113 = arith.constant 0 : i32
    %dma_start3A_114 = tpu.memref_slice %arg5[%dma_start3A_112, %dma_start3A_113] : memref<36864x128xf32, #tpu.memory_space<hbm>> -> memref<36864x128xf32, #tpu.memory_space<hbm>>
    tpu.enqueue_indirect_dma source(%dma_start3A_108 : memref<128x128xf32, #tpu.memory_space<vmem>>) target(%dma_start3A_114 : memref<36864x128xf32, #tpu.memory_space<hbm>>) offsets(%dma_start3A_111 : memref<128xi32, #tpu.memory_space<vmem>>) semaphore(%arg10 : memref<!tpu.dma_semaphore, #tpu.memory_space<semaphore_mem>>)
    %dma_start3A_115 = arith.constant 0 : i32
    %dma_start3A_116 = arith.constant 2 : i32
    %dma_start3A_117 = arith.constant 2 : i32
    %dma_start3A_118 = arith.constant 0 : i32
    %dma_start3A_119 = arith.constant 0 : i32
    %dma_start3A_120 = arith.constant 0 : i32
    %dma_start3A_121 = tpu.memref_slice %arg8[%dma_start3A_115, %dma_start3A_116, %dma_start3A_119, %dma_start3A_120] : memref<2x3x128x128xf32, #tpu.memory_space<vmem>> -> memref<1x1x128x128xf32, #tpu.memory_space<vmem>>
    %dma_start3A_122 = tpu.memref_squeeze %dma_start3A_121 : memref<1x1x128x128xf32, #tpu.memory_space<vmem>> -> memref<128x128xf32, #tpu.memory_space<vmem>>
    %dma_start3A_123 = arith.constant 0 : i32
    %dma_start3A_124 = tpu.memref_slice %arg7[%dma_start3A_117, %dma_start3A_118, %dma_start3A_123] : memref<9x1x128xi32, #tpu.memory_space<vmem>> -> memref<1x1x128xi32, #tpu.memory_space<vmem>>
    %dma_start3A_125 = tpu.memref_squeeze %dma_start3A_124 : memref<1x1x128xi32, #tpu.memory_space<vmem>> -> memref<128xi32, #tpu.memory_space<vmem>>
    %dma_start3A_126 = arith.constant 0 : i32
    %dma_start3A_127 = arith.constant 0 : i32
    %dma_start3A_128 = tpu.memref_slice %arg5[%dma_start3A_126, %dma_start3A_127] : memref<36864x128xf32, #tpu.memory_space<hbm>> -> memref<36864x128xf32, #tpu.memory_space<hbm>>
    tpu.enqueue_indirect_dma source(%dma_start3A_122 : memref<128x128xf32, #tpu.memory_space<vmem>>) target(%dma_start3A_128 : memref<36864x128xf32, #tpu.memory_space<hbm>>) offsets(%dma_start3A_125 : memref<128xi32, #tpu.memory_space<vmem>>) semaphore(%arg10 : memref<!tpu.dma_semaphore, #tpu.memory_space<semaphore_mem>>)
    %dma_start3A_129 = arith.constant 3 : i32
    %dma_start3A_130 = arith.constant 0 : i32
    %dma_start3A_131 = arith.constant 1 : i32
    %dma_start3A_132 = arith.constant 0 : i32
    %dma_start3A_133 = arith.constant 0 : i32
    %dma_start3A_134 = arith.constant 0 : i32
    %dma_start3A_135 = tpu.memref_slice %arg8[%dma_start3A_131, %dma_start3A_132, %dma_start3A_133, %dma_start3A_134] : memref<2x3x128x128xf32, #tpu.memory_space<vmem>> -> memref<1x1x128x128xf32, #tpu.memory_space<vmem>>
    %dma_start3A_136 = tpu.memref_squeeze %dma_start3A_135 : memref<1x1x128x128xf32, #tpu.memory_space<vmem>> -> memref<128x128xf32, #tpu.memory_space<vmem>>
    %dma_start3A_137 = arith.constant 0 : i32
    %dma_start3A_138 = tpu.memref_slice %arg6[%dma_start3A_129, %dma_start3A_130, %dma_start3A_137] : memref<9x1x128xi32, #tpu.memory_space<vmem>> -> memref<1x1x128xi32, #tpu.memory_space<vmem>>
    %dma_start3A_139 = tpu.memref_squeeze %dma_start3A_138 : memref<1x1x128xi32, #tpu.memory_space<vmem>> -> memref<128xi32, #tpu.memory_space<vmem>>
    %dma_start3A_140 = arith.constant 0 : i32
    %dma_start3A_141 = arith.constant 0 : i32
    %dma_start3A_142 = tpu.memref_slice %arg2[%dma_start3A_140, %dma_start3A_141] : memref<4096x128xf32, #tpu.memory_space<hbm>> -> memref<4096x128xf32, #tpu.memory_space<hbm>>
    tpu.enqueue_indirect_dma source(%dma_start3A_142 : memref<4096x128xf32, #tpu.memory_space<hbm>>) target(%dma_start3A_136 : memref<128x128xf32, #tpu.memory_space<vmem>>) offsets(%dma_start3A_139 : memref<128xi32, #tpu.memory_space<vmem>>) semaphore(%arg9 : memref<!tpu.dma_semaphore, #tpu.memory_space<semaphore_mem>>)
    %dma_start3A_143 = arith.constant 4 : i32
    %dma_start3A_144 = arith.constant 0 : i32
    %dma_start3A_145 = arith.constant 1 : i32
    %dma_start3A_146 = arith.constant 1 : i32
    %dma_start3A_147 = arith.constant 0 : i32
    %dma_start3A_148 = arith.constant 0 : i32
    %dma_start3A_149 = tpu.memref_slice %arg8[%dma_start3A_145, %dma_start3A_146, %dma_start3A_147, %dma_start3A_148] : memref<2x3x128x128xf32, #tpu.memory_space<vmem>> -> memref<1x1x128x128xf32, #tpu.memory_space<vmem>>
    %dma_start3A_150 = tpu.memref_squeeze %dma_start3A_149 : memref<1x1x128x128xf32, #tpu.memory_space<vmem>> -> memref<128x128xf32, #tpu.memory_space<vmem>>
    %dma_start3A_151 = arith.constant 0 : i32
    %dma_start3A_152 = tpu.memref_slice %arg6[%dma_start3A_143, %dma_start3A_144, %dma_start3A_151] : memref<9x1x128xi32, #tpu.memory_space<vmem>> -> memref<1x1x128xi32, #tpu.memory_space<vmem>>
    %dma_start3A_153 = tpu.memref_squeeze %dma_start3A_152 : memref<1x1x128xi32, #tpu.memory_space<vmem>> -> memref<128xi32, #tpu.memory_space<vmem>>
    %dma_start3A_154 = arith.constant 0 : i32
    %dma_start3A_155 = arith.constant 0 : i32
    %dma_start3A_156 = tpu.memref_slice %arg2[%dma_start3A_154, %dma_start3A_155] : memref<4096x128xf32, #tpu.memory_space<hbm>> -> memref<4096x128xf32, #tpu.memory_space<hbm>>
    tpu.enqueue_indirect_dma source(%dma_start3A_156 : memref<4096x128xf32, #tpu.memory_space<hbm>>) target(%dma_start3A_150 : memref<128x128xf32, #tpu.memory_space<vmem>>) offsets(%dma_start3A_153 : memref<128xi32, #tpu.memory_space<vmem>>) semaphore(%arg9 : memref<!tpu.dma_semaphore, #tpu.memory_space<semaphore_mem>>)
    %dma_start3A_157 = arith.constant 5 : i32
    %dma_start3A_158 = arith.constant 0 : i32
    %dma_start3A_159 = arith.constant 1 : i32
    %dma_start3A_160 = arith.constant 2 : i32
    %dma_start3A_161 = arith.constant 0 : i32
    %dma_start3A_162 = arith.constant 0 : i32
    %dma_start3A_163 = tpu.memref_slice %arg8[%dma_start3A_159, %dma_start3A_160, %dma_start3A_161, %dma_start3A_162] : memref<2x3x128x128xf32, #tpu.memory_space<vmem>> -> memref<1x1x128x128xf32, #tpu.memory_space<vmem>>
    %dma_start3A_164 = tpu.memref_squeeze %dma_start3A_163 : memref<1x1x128x128xf32, #tpu.memory_space<vmem>> -> memref<128x128xf32, #tpu.memory_space<vmem>>
    %dma_start3A_165 = arith.constant 0 : i32
    %dma_start3A_166 = tpu.memref_slice %arg6[%dma_start3A_157, %dma_start3A_158, %dma_start3A_165] : memref<9x1x128xi32, #tpu.memory_space<vmem>> -> memref<1x1x128xi32, #tpu.memory_space<vmem>>
    %dma_start3A_167 = tpu.memref_squeeze %dma_start3A_166 : memref<1x1x128xi32, #tpu.memory_space<vmem>> -> memref<128xi32, #tpu.memory_space<vmem>>
    %dma_start3A_168 = arith.constant 0 : i32
    %dma_start3A_169 = arith.constant 0 : i32
    %dma_start3A_170 = tpu.memref_slice %arg2[%dma_start3A_168, %dma_start3A_169] : memref<4096x128xf32, #tpu.memory_space<hbm>> -> memref<4096x128xf32, #tpu.memory_space<hbm>>
    tpu.enqueue_indirect_dma source(%dma_start3A_170 : memref<4096x128xf32, #tpu.memory_space<hbm>>) target(%dma_start3A_164 : memref<128x128xf32, #tpu.memory_space<vmem>>) offsets(%dma_start3A_167 : memref<128xi32, #tpu.memory_space<vmem>>) semaphore(%arg9 : memref<!tpu.dma_semaphore, #tpu.memory_space<semaphore_mem>>)
    %dma_wait3A_171 = arith.constant 3 : i32
    %dma_wait3A_172 = arith.constant 0 : i32
    %dma_wait3A_173 = arith.constant 1 : i32
    %dma_wait3A_174 = arith.constant 0 : i32
    %dma_wait3A_175 = arith.constant 0 : i32
    %dma_wait3A_176 = arith.constant 0 : i32
    %dma_wait3A_177 = tpu.memref_slice %arg8[%dma_wait3A_173, %dma_wait3A_174, %dma_wait3A_175, %dma_wait3A_176] : memref<2x3x128x128xf32, #tpu.memory_space<vmem>> -> memref<1x1x128x128xf32, #tpu.memory_space<vmem>>
    %dma_wait3A_178 = tpu.memref_squeeze %dma_wait3A_177 : memref<1x1x128x128xf32, #tpu.memory_space<vmem>> -> memref<128x128xf32, #tpu.memory_space<vmem>>
    %dma_wait3A_179 = arith.constant 0 : i32
    %dma_wait3A_180 = tpu.memref_slice %arg6[%dma_wait3A_171, %dma_wait3A_172, %dma_wait3A_179] : memref<9x1x128xi32, #tpu.memory_space<vmem>> -> memref<1x1x128xi32, #tpu.memory_space<vmem>>
    %dma_wait3A_181 = tpu.memref_squeeze %dma_wait3A_180 : memref<1x1x128xi32, #tpu.memory_space<vmem>> -> memref<128xi32, #tpu.memory_space<vmem>>
    %dma_wait3A_182 = arith.constant 0 : i32
    %dma_wait3A_183 = arith.constant 0 : i32
    %dma_wait3A_184 = tpu.memref_slice %arg2[%dma_wait3A_182, %dma_wait3A_183] : memref<4096x128xf32, #tpu.memory_space<hbm>> -> memref<4096x128xf32, #tpu.memory_space<hbm>>
    tpu.wait_indirect_dma semaphore(%arg9 : memref<!tpu.dma_semaphore, #tpu.memory_space<semaphore_mem>>) src(%dma_wait3A_184 : memref<4096x128xf32, #tpu.memory_space<hbm>>) dst(%dma_wait3A_178 : memref<128x128xf32, #tpu.memory_space<vmem>>)
    %dma_wait3A_185 = arith.constant 4 : i32
    %dma_wait3A_186 = arith.constant 0 : i32
    %dma_wait3A_187 = arith.constant 1 : i32
    %dma_wait3A_188 = arith.constant 1 : i32
    %dma_wait3A_189 = arith.constant 0 : i32
    %dma_wait3A_190 = arith.constant 0 : i32
    %dma_wait3A_191 = tpu.memref_slice %arg8[%dma_wait3A_187, %dma_wait3A_188, %dma_wait3A_189, %dma_wait3A_190] : memref<2x3x128x128xf32, #tpu.memory_space<vmem>> -> memref<1x1x128x128xf32, #tpu.memory_space<vmem>>
    %dma_wait3A_192 = tpu.memref_squeeze %dma_wait3A_191 : memref<1x1x128x128xf32, #tpu.memory_space<vmem>> -> memref<128x128xf32, #tpu.memory_space<vmem>>
    %dma_wait3A_193 = arith.constant 0 : i32
    %dma_wait3A_194 = tpu.memref_slice %arg6[%dma_wait3A_185, %dma_wait3A_186, %dma_wait3A_193] : memref<9x1x128xi32, #tpu.memory_space<vmem>> -> memref<1x1x128xi32, #tpu.memory_space<vmem>>
    %dma_wait3A_195 = tpu.memref_squeeze %dma_wait3A_194 : memref<1x1x128xi32, #tpu.memory_space<vmem>> -> memref<128xi32, #tpu.memory_space<vmem>>
    %dma_wait3A_196 = arith.constant 0 : i32
    %dma_wait3A_197 = arith.constant 0 : i32
    %dma_wait3A_198 = tpu.memref_slice %arg2[%dma_wait3A_196, %dma_wait3A_197] : memref<4096x128xf32, #tpu.memory_space<hbm>> -> memref<4096x128xf32, #tpu.memory_space<hbm>>
    tpu.wait_indirect_dma semaphore(%arg9 : memref<!tpu.dma_semaphore, #tpu.memory_space<semaphore_mem>>) src(%dma_wait3A_198 : memref<4096x128xf32, #tpu.memory_space<hbm>>) dst(%dma_wait3A_192 : memref<128x128xf32, #tpu.memory_space<vmem>>)
    %dma_wait3A_199 = arith.constant 5 : i32
    %dma_wait3A_200 = arith.constant 0 : i32
    %dma_wait3A_201 = arith.constant 1 : i32
    %dma_wait3A_202 = arith.constant 2 : i32
    %dma_wait3A_203 = arith.constant 0 : i32
    %dma_wait3A_204 = arith.constant 0 : i32
    %dma_wait3A_205 = tpu.memref_slice %arg8[%dma_wait3A_201, %dma_wait3A_202, %dma_wait3A_203, %dma_wait3A_204] : memref<2x3x128x128xf32, #tpu.memory_space<vmem>> -> memref<1x1x128x128xf32, #tpu.memory_space<vmem>>
    %dma_wait3A_206 = tpu.memref_squeeze %dma_wait3A_205 : memref<1x1x128x128xf32, #tpu.memory_space<vmem>> -> memref<128x128xf32, #tpu.memory_space<vmem>>
    %dma_wait3A_207 = arith.constant 0 : i32
    %dma_wait3A_208 = tpu.memref_slice %arg6[%dma_wait3A_199, %dma_wait3A_200, %dma_wait3A_207] : memref<9x1x128xi32, #tpu.memory_space<vmem>> -> memref<1x1x128xi32, #tpu.memory_space<vmem>>
    %dma_wait3A_209 = tpu.memref_squeeze %dma_wait3A_208 : memref<1x1x128xi32, #tpu.memory_space<vmem>> -> memref<128xi32, #tpu.memory_space<vmem>>
    %dma_wait3A_210 = arith.constant 0 : i32
    %dma_wait3A_211 = arith.constant 0 : i32
    %dma_wait3A_212 = tpu.memref_slice %arg2[%dma_wait3A_210, %dma_wait3A_211] : memref<4096x128xf32, #tpu.memory_space<hbm>> -> memref<4096x128xf32, #tpu.memory_space<hbm>>
    tpu.wait_indirect_dma semaphore(%arg9 : memref<!tpu.dma_semaphore, #tpu.memory_space<semaphore_mem>>) src(%dma_wait3A_212 : memref<4096x128xf32, #tpu.memory_space<hbm>>) dst(%dma_wait3A_206 : memref<128x128xf32, #tpu.memory_space<vmem>>)
    %dma_start3A_213 = arith.constant 1 : i32
    %dma_start3A_214 = arith.constant 0 : i32
    %dma_start3A_215 = arith.constant 3 : i32
    %dma_start3A_216 = arith.constant 0 : i32
    %dma_start3A_217 = arith.constant 0 : i32
    %dma_start3A_218 = arith.constant 0 : i32
    %dma_start3A_219 = tpu.memref_slice %arg8[%dma_start3A_213, %dma_start3A_214, %dma_start3A_217, %dma_start3A_218] : memref<2x3x128x128xf32, #tpu.memory_space<vmem>> -> memref<1x1x128x128xf32, #tpu.memory_space<vmem>>
    %dma_start3A_220 = tpu.memref_squeeze %dma_start3A_219 : memref<1x1x128x128xf32, #tpu.memory_space<vmem>> -> memref<128x128xf32, #tpu.memory_space<vmem>>
    %dma_start3A_221 = arith.constant 0 : i32
    %dma_start3A_222 = tpu.memref_slice %arg7[%dma_start3A_215, %dma_start3A_216, %dma_start3A_221] : memref<9x1x128xi32, #tpu.memory_space<vmem>> -> memref<1x1x128xi32, #tpu.memory_space<vmem>>
    %dma_start3A_223 = tpu.memref_squeeze %dma_start3A_222 : memref<1x1x128xi32, #tpu.memory_space<vmem>> -> memref<128xi32, #tpu.memory_space<vmem>>
    %dma_start3A_224 = arith.constant 0 : i32
    %dma_start3A_225 = arith.constant 0 : i32
    %dma_start3A_226 = tpu.memref_slice %arg5[%dma_start3A_224, %dma_start3A_225] : memref<36864x128xf32, #tpu.memory_space<hbm>> -> memref<36864x128xf32, #tpu.memory_space<hbm>>
    tpu.enqueue_indirect_dma source(%dma_start3A_220 : memref<128x128xf32, #tpu.memory_space<vmem>>) target(%dma_start3A_226 : memref<36864x128xf32, #tpu.memory_space<hbm>>) offsets(%dma_start3A_223 : memref<128xi32, #tpu.memory_space<vmem>>) semaphore(%arg11 : memref<!tpu.dma_semaphore, #tpu.memory_space<semaphore_mem>>)
    %dma_start3A_227 = arith.constant 1 : i32
    %dma_start3A_228 = arith.constant 1 : i32
    %dma_start3A_229 = arith.constant 4 : i32
    %dma_start3A_230 = arith.constant 0 : i32
    %dma_start3A_231 = arith.constant 0 : i32
    %dma_start3A_232 = arith.constant 0 : i32
    %dma_start3A_233 = tpu.memref_slice %arg8[%dma_start3A_227, %dma_start3A_228, %dma_start3A_231, %dma_start3A_232] : memref<2x3x128x128xf32, #tpu.memory_space<vmem>> -> memref<1x1x128x128xf32, #tpu.memory_space<vmem>>
    %dma_start3A_234 = tpu.memref_squeeze %dma_start3A_233 : memref<1x1x128x128xf32, #tpu.memory_space<vmem>> -> memref<128x128xf32, #tpu.memory_space<vmem>>
    %dma_start3A_235 = arith.constant 0 : i32
    %dma_start3A_236 = tpu.memref_slice %arg7[%dma_start3A_229, %dma_start3A_230, %dma_start3A_235] : memref<9x1x128xi32, #tpu.memory_space<vmem>> -> memref<1x1x128xi32, #tpu.memory_space<vmem>>
    %dma_start3A_237 = tpu.memref_squeeze %dma_start3A_236 : memref<1x1x128xi32, #tpu.memory_space<vmem>> -> memref<128xi32, #tpu.memory_space<vmem>>
    %dma_start3A_238 = arith.constant 0 : i32
    %dma_start3A_239 = arith.constant 0 : i32
    %dma_start3A_240 = tpu.memref_slice %arg5[%dma_start3A_238, %dma_start3A_239] : memref<36864x128xf32, #tpu.memory_space<hbm>> -> memref<36864x128xf32, #tpu.memory_space<hbm>>
    tpu.enqueue_indirect_dma source(%dma_start3A_234 : memref<128x128xf32, #tpu.memory_space<vmem>>) target(%dma_start3A_240 : memref<36864x128xf32, #tpu.memory_space<hbm>>) offsets(%dma_start3A_237 : memref<128xi32, #tpu.memory_space<vmem>>) semaphore(%arg11 : memref<!tpu.dma_semaphore, #tpu.memory_space<semaphore_mem>>)
    %dma_start3A_241 = arith.constant 1 : i32
    %dma_start3A_242 = arith.constant 2 : i32
    %dma_start3A_243 = arith.constant 5 : i32
    %dma_start3A_244 = arith.constant 0 : i32
    %dma_start3A_245 = arith.constant 0 : i32
    %dma_start3A_246 = arith.constant 0 : i32
    %dma_start3A_247 = tpu.memref_slice %arg8[%dma_start3A_241, %dma_start3A_242, %dma_start3A_245, %dma_start3A_246] : memref<2x3x128x128xf32, #tpu.memory_space<vmem>> -> memref<1x1x128x128xf32, #tpu.memory_space<vmem>>
    %dma_start3A_248 = tpu.memref_squeeze %dma_start3A_247 : memref<1x1x128x128xf32, #tpu.memory_space<vmem>> -> memref<128x128xf32, #tpu.memory_space<vmem>>
    %dma_start3A_249 = arith.constant 0 : i32
    %dma_start3A_250 = tpu.memref_slice %arg7[%dma_start3A_243, %dma_start3A_244, %dma_start3A_249] : memref<9x1x128xi32, #tpu.memory_space<vmem>> -> memref<1x1x128xi32, #tpu.memory_space<vmem>>
    %dma_start3A_251 = tpu.memref_squeeze %dma_start3A_250 : memref<1x1x128xi32, #tpu.memory_space<vmem>> -> memref<128xi32, #tpu.memory_space<vmem>>
    %dma_start3A_252 = arith.constant 0 : i32
    %dma_start3A_253 = arith.constant 0 : i32
    %dma_start3A_254 = tpu.memref_slice %arg5[%dma_start3A_252, %dma_start3A_253] : memref<36864x128xf32, #tpu.memory_space<hbm>> -> memref<36864x128xf32, #tpu.memory_space<hbm>>
    tpu.enqueue_indirect_dma source(%dma_start3A_248 : memref<128x128xf32, #tpu.memory_space<vmem>>) target(%dma_start3A_254 : memref<36864x128xf32, #tpu.memory_space<hbm>>) offsets(%dma_start3A_251 : memref<128xi32, #tpu.memory_space<vmem>>) semaphore(%arg11 : memref<!tpu.dma_semaphore, #tpu.memory_space<semaphore_mem>>)
    %dma_wait3A_255 = arith.constant 0 : i32
    %dma_wait3A_256 = arith.constant 0 : i32
    %dma_wait3A_257 = arith.constant 0 : i32
    %dma_wait3A_258 = arith.constant 0 : i32
    %dma_wait3A_259 = arith.constant 0 : i32
    %dma_wait3A_260 = arith.constant 0 : i32
    %dma_wait3A_261 = tpu.memref_slice %arg8[%dma_wait3A_255, %dma_wait3A_256, %dma_wait3A_259, %dma_wait3A_260] : memref<2x3x128x128xf32, #tpu.memory_space<vmem>> -> memref<1x1x128x128xf32, #tpu.memory_space<vmem>>
    %dma_wait3A_262 = tpu.memref_squeeze %dma_wait3A_261 : memref<1x1x128x128xf32, #tpu.memory_space<vmem>> -> memref<128x128xf32, #tpu.memory_space<vmem>>
    %dma_wait3A_263 = arith.constant 0 : i32
    %dma_wait3A_264 = tpu.memref_slice %arg7[%dma_wait3A_257, %dma_wait3A_258, %dma_wait3A_263] : memref<9x1x128xi32, #tpu.memory_space<vmem>> -> memref<1x1x128xi32, #tpu.memory_space<vmem>>
    %dma_wait3A_265 = tpu.memref_squeeze %dma_wait3A_264 : memref<1x1x128xi32, #tpu.memory_space<vmem>> -> memref<128xi32, #tpu.memory_space<vmem>>
    %dma_wait3A_266 = arith.constant 0 : i32
    %dma_wait3A_267 = arith.constant 0 : i32
    %dma_wait3A_268 = tpu.memref_slice %arg5[%dma_wait3A_266, %dma_wait3A_267] : memref<36864x128xf32, #tpu.memory_space<hbm>> -> memref<36864x128xf32, #tpu.memory_space<hbm>>
    tpu.wait_indirect_dma semaphore(%arg10 : memref<!tpu.dma_semaphore, #tpu.memory_space<semaphore_mem>>) src(%dma_wait3A_262 : memref<128x128xf32, #tpu.memory_space<vmem>>) dst(%dma_wait3A_268 : memref<36864x128xf32, #tpu.memory_space<hbm>>)
    %dma_wait3A_269 = arith.constant 0 : i32
    %dma_wait3A_270 = arith.constant 1 : i32
    %dma_wait3A_271 = arith.constant 1 : i32
    %dma_wait3A_272 = arith.constant 0 : i32
    %dma_wait3A_273 = arith.constant 0 : i32
    %dma_wait3A_274 = arith.constant 0 : i32
    %dma_wait3A_275 = tpu.memref_slice %arg8[%dma_wait3A_269, %dma_wait3A_270, %dma_wait3A_273, %dma_wait3A_274] : memref<2x3x128x128xf32, #tpu.memory_space<vmem>> -> memref<1x1x128x128xf32, #tpu.memory_space<vmem>>
    %dma_wait3A_276 = tpu.memref_squeeze %dma_wait3A_275 : memref<1x1x128x128xf32, #tpu.memory_space<vmem>> -> memref<128x128xf32, #tpu.memory_space<vmem>>
    %dma_wait3A_277 = arith.constant 0 : i32
    %dma_wait3A_278 = tpu.memref_slice %arg7[%dma_wait3A_271, %dma_wait3A_272, %dma_wait3A_277] : memref<9x1x128xi32, #tpu.memory_space<vmem>> -> memref<1x1x128xi32, #tpu.memory_space<vmem>>
    %dma_wait3A_279 = tpu.memref_squeeze %dma_wait3A_278 : memref<1x1x128xi32, #tpu.memory_space<vmem>> -> memref<128xi32, #tpu.memory_space<vmem>>
    %dma_wait3A_280 = arith.constant 0 : i32
    %dma_wait3A_281 = arith.constant 0 : i32
    %dma_wait3A_282 = tpu.memref_slice %arg5[%dma_wait3A_280, %dma_wait3A_281] : memref<36864x128xf32, #tpu.memory_space<hbm>> -> memref<36864x128xf32, #tpu.memory_space<hbm>>
    tpu.wait_indirect_dma semaphore(%arg10 : memref<!tpu.dma_semaphore, #tpu.memory_space<semaphore_mem>>) src(%dma_wait3A_276 : memref<128x128xf32, #tpu.memory_space<vmem>>) dst(%dma_wait3A_282 : memref<36864x128xf32, #tpu.memory_space<hbm>>)
    %dma_wait3A_283 = arith.constant 0 : i32
    %dma_wait3A_284 = arith.constant 2 : i32
    %dma_wait3A_285 = arith.constant 2 : i32
    %dma_wait3A_286 = arith.constant 0 : i32
    %dma_wait3A_287 = arith.constant 0 : i32
    %dma_wait3A_288 = arith.constant 0 : i32
    %dma_wait3A_289 = tpu.memref_slice %arg8[%dma_wait3A_283, %dma_wait3A_284, %dma_wait3A_287, %dma_wait3A_288] : memref<2x3x128x128xf32, #tpu.memory_space<vmem>> -> memref<1x1x128x128xf32, #tpu.memory_space<vmem>>
    %dma_wait3A_290 = tpu.memref_squeeze %dma_wait3A_289 : memref<1x1x128x128xf32, #tpu.memory_space<vmem>> -> memref<128x128xf32, #tpu.memory_space<vmem>>
    %dma_wait3A_291 = arith.constant 0 : i32
    %dma_wait3A_292 = tpu.memref_slice %arg7[%dma_wait3A_285, %dma_wait3A_286, %dma_wait3A_291] : memref<9x1x128xi32, #tpu.memory_space<vmem>> -> memref<1x1x128xi32, #tpu.memory_space<vmem>>
    %dma_wait3A_293 = tpu.memref_squeeze %dma_wait3A_292 : memref<1x1x128xi32, #tpu.memory_space<vmem>> -> memref<128xi32, #tpu.memory_space<vmem>>
    %dma_wait3A_294 = arith.constant 0 : i32
    %dma_wait3A_295 = arith.constant 0 : i32
    %dma_wait3A_296 = tpu.memref_slice %arg5[%dma_wait3A_294, %dma_wait3A_295] : memref<36864x128xf32, #tpu.memory_space<hbm>> -> memref<36864x128xf32, #tpu.memory_space<hbm>>
    tpu.wait_indirect_dma semaphore(%arg10 : memref<!tpu.dma_semaphore, #tpu.memory_space<semaphore_mem>>) src(%dma_wait3A_290 : memref<128x128xf32, #tpu.memory_space<vmem>>) dst(%dma_wait3A_296 : memref<36864x128xf32, #tpu.memory_space<hbm>>)
    %dma_start3A_297 = arith.constant 6 : i32
    %dma_start3A_298 = arith.constant 0 : i32
    %dma_start3A_299 = arith.constant 0 : i32
    %dma_start3A_300 = arith.constant 0 : i32
    %dma_start3A_301 = arith.constant 0 : i32
    %dma_start3A_302 = arith.constant 0 : i32
    %dma_start3A_303 = tpu.memref_slice %arg8[%dma_start3A_299, %dma_start3A_300, %dma_start3A_301, %dma_start3A_302] : memref<2x3x128x128xf32, #tpu.memory_space<vmem>> -> memref<1x1x128x128xf32, #tpu.memory_space<vmem>>
    %dma_start3A_304 = tpu.memref_squeeze %dma_start3A_303 : memref<1x1x128x128xf32, #tpu.memory_space<vmem>> -> memref<128x128xf32, #tpu.memory_space<vmem>>
    %dma_start3A_305 = arith.constant 0 : i32
    %dma_start3A_306 = tpu.memref_slice %arg6[%dma_start3A_297, %dma_start3A_298, %dma_start3A_305] : memref<9x1x128xi32, #tpu.memory_space<vmem>> -> memref<1x1x128xi32, #tpu.memory_space<vmem>>
    %dma_start3A_307 = tpu.memref_squeeze %dma_start3A_306 : memref<1x1x128xi32, #tpu.memory_space<vmem>> -> memref<128xi32, #tpu.memory_space<vmem>>
    %dma_start3A_308 = arith.constant 0 : i32
    %dma_start3A_309 = arith.constant 0 : i32
    %dma_start3A_310 = tpu.memref_slice %arg2[%dma_start3A_308, %dma_start3A_309] : memref<4096x128xf32, #tpu.memory_space<hbm>> -> memref<4096x128xf32, #tpu.memory_space<hbm>>
    tpu.enqueue_indirect_dma source(%dma_start3A_310 : memref<4096x128xf32, #tpu.memory_space<hbm>>) target(%dma_start3A_304 : memref<128x128xf32, #tpu.memory_space<vmem>>) offsets(%dma_start3A_307 : memref<128xi32, #tpu.memory_space<vmem>>) semaphore(%arg9 : memref<!tpu.dma_semaphore, #tpu.memory_space<semaphore_mem>>)
    %dma_start3A_311 = arith.constant 7 : i32
    %dma_start3A_312 = arith.constant 0 : i32
    %dma_start3A_313 = arith.constant 0 : i32
    %dma_start3A_314 = arith.constant 1 : i32
    %dma_start3A_315 = arith.constant 0 : i32
    %dma_start3A_316 = arith.constant 0 : i32
    %dma_start3A_317 = tpu.memref_slice %arg8[%dma_start3A_313, %dma_start3A_314, %dma_start3A_315, %dma_start3A_316] : memref<2x3x128x128xf32, #tpu.memory_space<vmem>> -> memref<1x1x128x128xf32, #tpu.memory_space<vmem>>
    %dma_start3A_318 = tpu.memref_squeeze %dma_start3A_317 : memref<1x1x128x128xf32, #tpu.memory_space<vmem>> -> memref<128x128xf32, #tpu.memory_space<vmem>>
    %dma_start3A_319 = arith.constant 0 : i32
    %dma_start3A_320 = tpu.memref_slice %arg6[%dma_start3A_311, %dma_start3A_312, %dma_start3A_319] : memref<9x1x128xi32, #tpu.memory_space<vmem>> -> memref<1x1x128xi32, #tpu.memory_space<vmem>>
    %dma_start3A_321 = tpu.memref_squeeze %dma_start3A_320 : memref<1x1x128xi32, #tpu.memory_space<vmem>> -> memref<128xi32, #tpu.memory_space<vmem>>
    %dma_start3A_322 = arith.constant 0 : i32
    %dma_start3A_323 = arith.constant 0 : i32
    %dma_start3A_324 = tpu.memref_slice %arg2[%dma_start3A_322, %dma_start3A_323] : memref<4096x128xf32, #tpu.memory_space<hbm>> -> memref<4096x128xf32, #tpu.memory_space<hbm>>
    tpu.enqueue_indirect_dma source(%dma_start3A_324 : memref<4096x128xf32, #tpu.memory_space<hbm>>) target(%dma_start3A_318 : memref<128x128xf32, #tpu.memory_space<vmem>>) offsets(%dma_start3A_321 : memref<128xi32, #tpu.memory_space<vmem>>) semaphore(%arg9 : memref<!tpu.dma_semaphore, #tpu.memory_space<semaphore_mem>>)
    %dma_start3A_325 = arith.constant 8 : i32
    %dma_start3A_326 = arith.constant 0 : i32
    %dma_start3A_327 = arith.constant 0 : i32
    %dma_start3A_328 = arith.constant 2 : i32
    %dma_start3A_329 = arith.constant 0 : i32
    %dma_start3A_330 = arith.constant 0 : i32
    %dma_start3A_331 = tpu.memref_slice %arg8[%dma_start3A_327, %dma_start3A_328, %dma_start3A_329, %dma_start3A_330] : memref<2x3x128x128xf32, #tpu.memory_space<vmem>> -> memref<1x1x128x128xf32, #tpu.memory_space<vmem>>
    %dma_start3A_332 = tpu.memref_squeeze %dma_start3A_331 : memref<1x1x128x128xf32, #tpu.memory_space<vmem>> -> memref<128x128xf32, #tpu.memory_space<vmem>>
    %dma_start3A_333 = arith.constant 0 : i32
    %dma_start3A_334 = tpu.memref_slice %arg6[%dma_start3A_325, %dma_start3A_326, %dma_start3A_333] : memref<9x1x128xi32, #tpu.memory_space<vmem>> -> memref<1x1x128xi32, #tpu.memory_space<vmem>>
    %dma_start3A_335 = tpu.memref_squeeze %dma_start3A_334 : memref<1x1x128xi32, #tpu.memory_space<vmem>> -> memref<128xi32, #tpu.memory_space<vmem>>
    %dma_start3A_336 = arith.constant 0 : i32
    %dma_start3A_337 = arith.constant 0 : i32
    %dma_start3A_338 = tpu.memref_slice %arg2[%dma_start3A_336, %dma_start3A_337] : memref<4096x128xf32, #tpu.memory_space<hbm>> -> memref<4096x128xf32, #tpu.memory_space<hbm>>
    tpu.enqueue_indirect_dma source(%dma_start3A_338 : memref<4096x128xf32, #tpu.memory_space<hbm>>) target(%dma_start3A_332 : memref<128x128xf32, #tpu.memory_space<vmem>>) offsets(%dma_start3A_335 : memref<128xi32, #tpu.memory_space<vmem>>) semaphore(%arg9 : memref<!tpu.dma_semaphore, #tpu.memory_space<semaphore_mem>>)
    %dma_wait3A_339 = arith.constant 6 : i32
    %dma_wait3A_340 = arith.constant 0 : i32
    %dma_wait3A_341 = arith.constant 0 : i32
    %dma_wait3A_342 = arith.constant 0 : i32
    %dma_wait3A_343 = arith.constant 0 : i32
    %dma_wait3A_344 = arith.constant 0 : i32
    %dma_wait3A_345 = tpu.memref_slice %arg8[%dma_wait3A_341, %dma_wait3A_342, %dma_wait3A_343, %dma_wait3A_344] : memref<2x3x128x128xf32, #tpu.memory_space<vmem>> -> memref<1x1x128x128xf32, #tpu.memory_space<vmem>>
    %dma_wait3A_346 = tpu.memref_squeeze %dma_wait3A_345 : memref<1x1x128x128xf32, #tpu.memory_space<vmem>> -> memref<128x128xf32, #tpu.memory_space<vmem>>
    %dma_wait3A_347 = arith.constant 0 : i32
    %dma_wait3A_348 = tpu.memref_slice %arg6[%dma_wait3A_339, %dma_wait3A_340, %dma_wait3A_347] : memref<9x1x128xi32, #tpu.memory_space<vmem>> -> memref<1x1x128xi32, #tpu.memory_space<vmem>>
    %dma_wait3A_349 = tpu.memref_squeeze %dma_wait3A_348 : memref<1x1x128xi32, #tpu.memory_space<vmem>> -> memref<128xi32, #tpu.memory_space<vmem>>
    %dma_wait3A_350 = arith.constant 0 : i32
    %dma_wait3A_351 = arith.constant 0 : i32
    %dma_wait3A_352 = tpu.memref_slice %arg2[%dma_wait3A_350, %dma_wait3A_351] : memref<4096x128xf32, #tpu.memory_space<hbm>> -> memref<4096x128xf32, #tpu.memory_space<hbm>>
    tpu.wait_indirect_dma semaphore(%arg9 : memref<!tpu.dma_semaphore, #tpu.memory_space<semaphore_mem>>) src(%dma_wait3A_352 : memref<4096x128xf32, #tpu.memory_space<hbm>>) dst(%dma_wait3A_346 : memref<128x128xf32, #tpu.memory_space<vmem>>)
    %dma_wait3A_353 = arith.constant 7 : i32
    %dma_wait3A_354 = arith.constant 0 : i32
    %dma_wait3A_355 = arith.constant 0 : i32
    %dma_wait3A_356 = arith.constant 1 : i32
    %dma_wait3A_357 = arith.constant 0 : i32
    %dma_wait3A_358 = arith.constant 0 : i32
    %dma_wait3A_359 = tpu.memref_slice %arg8[%dma_wait3A_355, %dma_wait3A_356, %dma_wait3A_357, %dma_wait3A_358] : memref<2x3x128x128xf32, #tpu.memory_space<vmem>> -> memref<1x1x128x128xf32, #tpu.memory_space<vmem>>
    %dma_wait3A_360 = tpu.memref_squeeze %dma_wait3A_359 : memref<1x1x128x128xf32, #tpu.memory_space<vmem>> -> memref<128x128xf32, #tpu.memory_space<vmem>>
    %dma_wait3A_361 = arith.constant 0 : i32
    %dma_wait3A_362 = tpu.memref_slice %arg6[%dma_wait3A_353, %dma_wait3A_354, %dma_wait3A_361] : memref<9x1x128xi32, #tpu.memory_space<vmem>> -> memref<1x1x128xi32, #tpu.memory_space<vmem>>
    %dma_wait3A_363 = tpu.memref_squeeze %dma_wait3A_362 : memref<1x1x128xi32, #tpu.memory_space<vmem>> -> memref<128xi32, #tpu.memory_space<vmem>>
    %dma_wait3A_364 = arith.constant 0 : i32
    %dma_wait3A_365 = arith.constant 0 : i32
    %dma_wait3A_366 = tpu.memref_slice %arg2[%dma_wait3A_364, %dma_wait3A_365] : memref<4096x128xf32, #tpu.memory_space<hbm>> -> memref<4096x128xf32, #tpu.memory_space<hbm>>
    tpu.wait_indirect_dma semaphore(%arg9 : memref<!tpu.dma_semaphore, #tpu.memory_space<semaphore_mem>>) src(%dma_wait3A_366 : memref<4096x128xf32, #tpu.memory_space<hbm>>) dst(%dma_wait3A_360 : memref<128x128xf32, #tpu.memory_space<vmem>>)
    %dma_wait3A_367 = arith.constant 8 : i32
    %dma_wait3A_368 = arith.constant 0 : i32
    %dma_wait3A_369 = arith.constant 0 : i32
    %dma_wait3A_370 = arith.constant 2 : i32
    %dma_wait3A_371 = arith.constant 0 : i32
    %dma_wait3A_372 = arith.constant 0 : i32
    %dma_wait3A_373 = tpu.memref_slice %arg8[%dma_wait3A_369, %dma_wait3A_370, %dma_wait3A_371, %dma_wait3A_372] : memref<2x3x128x128xf32, #tpu.memory_space<vmem>> -> memref<1x1x128x128xf32, #tpu.memory_space<vmem>>
    %dma_wait3A_374 = tpu.memref_squeeze %dma_wait3A_373 : memref<1x1x128x128xf32, #tpu.memory_space<vmem>> -> memref<128x128xf32, #tpu.memory_space<vmem>>
    %dma_wait3A_375 = arith.constant 0 : i32
    %dma_wait3A_376 = tpu.memref_slice %arg6[%dma_wait3A_367, %dma_wait3A_368, %dma_wait3A_375] : memref<9x1x128xi32, #tpu.memory_space<vmem>> -> memref<1x1x128xi32, #tpu.memory_space<vmem>>
    %dma_wait3A_377 = tpu.memref_squeeze %dma_wait3A_376 : memref<1x1x128xi32, #tpu.memory_space<vmem>> -> memref<128xi32, #tpu.memory_space<vmem>>
    %dma_wait3A_378 = arith.constant 0 : i32
    %dma_wait3A_379 = arith.constant 0 : i32
    %dma_wait3A_380 = tpu.memref_slice %arg2[%dma_wait3A_378, %dma_wait3A_379] : memref<4096x128xf32, #tpu.memory_space<hbm>> -> memref<4096x128xf32, #tpu.memory_space<hbm>>
    tpu.wait_indirect_dma semaphore(%arg9 : memref<!tpu.dma_semaphore, #tpu.memory_space<semaphore_mem>>) src(%dma_wait3A_380 : memref<4096x128xf32, #tpu.memory_space<hbm>>) dst(%dma_wait3A_374 : memref<128x128xf32, #tpu.memory_space<vmem>>)
    %dma_start3A_381 = arith.constant 0 : i32
    %dma_start3A_382 = arith.constant 0 : i32
    %dma_start3A_383 = arith.constant 6 : i32
    %dma_start3A_384 = arith.constant 0 : i32
    %dma_start3A_385 = arith.constant 0 : i32
    %dma_start3A_386 = arith.constant 0 : i32
    %dma_start3A_387 = tpu.memref_slice %arg8[%dma_start3A_381, %dma_start3A_382, %dma_start3A_385, %dma_start3A_386] : memref<2x3x128x128xf32, #tpu.memory_space<vmem>> -> memref<1x1x128x128xf32, #tpu.memory_space<vmem>>
    %dma_start3A_388 = tpu.memref_squeeze %dma_start3A_387 : memref<1x1x128x128xf32, #tpu.memory_space<vmem>> -> memref<128x128xf32, #tpu.memory_space<vmem>>
    %dma_start3A_389 = arith.constant 0 : i32
    %dma_start3A_390 = tpu.memref_slice %arg7[%dma_start3A_383, %dma_start3A_384, %dma_start3A_389] : memref<9x1x128xi32, #tpu.memory_space<vmem>> -> memref<1x1x128xi32, #tpu.memory_space<vmem>>
    %dma_start3A_391 = tpu.memref_squeeze %dma_start3A_390 : memref<1x1x128xi32, #tpu.memory_space<vmem>> -> memref<128xi32, #tpu.memory_space<vmem>>
    %dma_start3A_392 = arith.constant 0 : i32
    %dma_start3A_393 = arith.constant 0 : i32
    %dma_start3A_394 = tpu.memref_slice %arg5[%dma_start3A_392, %dma_start3A_393] : memref<36864x128xf32, #tpu.memory_space<hbm>> -> memref<36864x128xf32, #tpu.memory_space<hbm>>
    tpu.enqueue_indirect_dma source(%dma_start3A_388 : memref<128x128xf32, #tpu.memory_space<vmem>>) target(%dma_start3A_394 : memref<36864x128xf32, #tpu.memory_space<hbm>>) offsets(%dma_start3A_391 : memref<128xi32, #tpu.memory_space<vmem>>) semaphore(%arg10 : memref<!tpu.dma_semaphore, #tpu.memory_space<semaphore_mem>>)
    %dma_start3A_395 = arith.constant 0 : i32
    %dma_start3A_396 = arith.constant 1 : i32
    %dma_start3A_397 = arith.constant 7 : i32
    %dma_start3A_398 = arith.constant 0 : i32
    %dma_start3A_399 = arith.constant 0 : i32
    %dma_start3A_400 = arith.constant 0 : i32
    %dma_start3A_401 = tpu.memref_slice %arg8[%dma_start3A_395, %dma_start3A_396, %dma_start3A_399, %dma_start3A_400] : memref<2x3x128x128xf32, #tpu.memory_space<vmem>> -> memref<1x1x128x128xf32, #tpu.memory_space<vmem>>
    %dma_start3A_402 = tpu.memref_squeeze %dma_start3A_401 : memref<1x1x128x128xf32, #tpu.memory_space<vmem>> -> memref<128x128xf32, #tpu.memory_space<vmem>>
    %dma_start3A_403 = arith.constant 0 : i32
    %dma_start3A_404 = tpu.memref_slice %arg7[%dma_start3A_397, %dma_start3A_398, %dma_start3A_403] : memref<9x1x128xi32, #tpu.memory_space<vmem>> -> memref<1x1x128xi32, #tpu.memory_space<vmem>>
    %dma_start3A_405 = tpu.memref_squeeze %dma_start3A_404 : memref<1x1x128xi32, #tpu.memory_space<vmem>> -> memref<128xi32, #tpu.memory_space<vmem>>
    %dma_start3A_406 = arith.constant 0 : i32
    %dma_start3A_407 = arith.constant 0 : i32
    %dma_start3A_408 = tpu.memref_slice %arg5[%dma_start3A_406, %dma_start3A_407] : memref<36864x128xf32, #tpu.memory_space<hbm>> -> memref<36864x128xf32, #tpu.memory_space<hbm>>
    tpu.enqueue_indirect_dma source(%dma_start3A_402 : memref<128x128xf32, #tpu.memory_space<vmem>>) target(%dma_start3A_408 : memref<36864x128xf32, #tpu.memory_space<hbm>>) offsets(%dma_start3A_405 : memref<128xi32, #tpu.memory_space<vmem>>) semaphore(%arg10 : memref<!tpu.dma_semaphore, #tpu.memory_space<semaphore_mem>>)
    %dma_start3A_409 = arith.constant 0 : i32
    %dma_start3A_410 = arith.constant 2 : i32
    %dma_start3A_411 = arith.constant 8 : i32
    %dma_start3A_412 = arith.constant 0 : i32
    %dma_start3A_413 = arith.constant 0 : i32
    %dma_start3A_414 = arith.constant 0 : i32
    %dma_start3A_415 = tpu.memref_slice %arg8[%dma_start3A_409, %dma_start3A_410, %dma_start3A_413, %dma_start3A_414] : memref<2x3x128x128xf32, #tpu.memory_space<vmem>> -> memref<1x1x128x128xf32, #tpu.memory_space<vmem>>
    %dma_start3A_416 = tpu.memref_squeeze %dma_start3A_415 : memref<1x1x128x128xf32, #tpu.memory_space<vmem>> -> memref<128x128xf32, #tpu.memory_space<vmem>>
    %dma_start3A_417 = arith.constant 0 : i32
    %dma_start3A_418 = tpu.memref_slice %arg7[%dma_start3A_411, %dma_start3A_412, %dma_start3A_417] : memref<9x1x128xi32, #tpu.memory_space<vmem>> -> memref<1x1x128xi32, #tpu.memory_space<vmem>>
    %dma_start3A_419 = tpu.memref_squeeze %dma_start3A_418 : memref<1x1x128xi32, #tpu.memory_space<vmem>> -> memref<128xi32, #tpu.memory_space<vmem>>
    %dma_start3A_420 = arith.constant 0 : i32
    %dma_start3A_421 = arith.constant 0 : i32
    %dma_start3A_422 = tpu.memref_slice %arg5[%dma_start3A_420, %dma_start3A_421] : memref<36864x128xf32, #tpu.memory_space<hbm>> -> memref<36864x128xf32, #tpu.memory_space<hbm>>
    tpu.enqueue_indirect_dma source(%dma_start3A_416 : memref<128x128xf32, #tpu.memory_space<vmem>>) target(%dma_start3A_422 : memref<36864x128xf32, #tpu.memory_space<hbm>>) offsets(%dma_start3A_419 : memref<128xi32, #tpu.memory_space<vmem>>) semaphore(%arg10 : memref<!tpu.dma_semaphore, #tpu.memory_space<semaphore_mem>>)
    %dma_wait3A_423 = arith.constant 0 : i32
    %dma_wait3A_424 = arith.constant 0 : i32
    %dma_wait3A_425 = arith.constant 6 : i32
    %dma_wait3A_426 = arith.constant 0 : i32
    %dma_wait3A_427 = arith.constant 0 : i32
    %dma_wait3A_428 = arith.constant 0 : i32
    %dma_wait3A_429 = tpu.memref_slice %arg8[%dma_wait3A_423, %dma_wait3A_424, %dma_wait3A_427, %dma_wait3A_428] : memref<2x3x128x128xf32, #tpu.memory_space<vmem>> -> memref<1x1x128x128xf32, #tpu.memory_space<vmem>>
    %dma_wait3A_430 = tpu.memref_squeeze %dma_wait3A_429 : memref<1x1x128x128xf32, #tpu.memory_space<vmem>> -> memref<128x128xf32, #tpu.memory_space<vmem>>
    %dma_wait3A_431 = arith.constant 0 : i32
    %dma_wait3A_432 = tpu.memref_slice %arg7[%dma_wait3A_425, %dma_wait3A_426, %dma_wait3A_431] : memref<9x1x128xi32, #tpu.memory_space<vmem>> -> memref<1x1x128xi32, #tpu.memory_space<vmem>>
    %dma_wait3A_433 = tpu.memref_squeeze %dma_wait3A_432 : memref<1x1x128xi32, #tpu.memory_space<vmem>> -> memref<128xi32, #tpu.memory_space<vmem>>
    %dma_wait3A_434 = arith.constant 0 : i32
    %dma_wait3A_435 = arith.constant 0 : i32
    %dma_wait3A_436 = tpu.memref_slice %arg5[%dma_wait3A_434, %dma_wait3A_435] : memref<36864x128xf32, #tpu.memory_space<hbm>> -> memref<36864x128xf32, #tpu.memory_space<hbm>>
    tpu.wait_indirect_dma semaphore(%arg10 : memref<!tpu.dma_semaphore, #tpu.memory_space<semaphore_mem>>) src(%dma_wait3A_430 : memref<128x128xf32, #tpu.memory_space<vmem>>) dst(%dma_wait3A_436 : memref<36864x128xf32, #tpu.memory_space<hbm>>)
    %dma_wait3A_437 = arith.constant 0 : i32
    %dma_wait3A_438 = arith.constant 1 : i32
    %dma_wait3A_439 = arith.constant 7 : i32
    %dma_wait3A_440 = arith.constant 0 : i32
    %dma_wait3A_441 = arith.constant 0 : i32
    %dma_wait3A_442 = arith.constant 0 : i32
    %dma_wait3A_443 = tpu.memref_slice %arg8[%dma_wait3A_437, %dma_wait3A_438, %dma_wait3A_441, %dma_wait3A_442] : memref<2x3x128x128xf32, #tpu.memory_space<vmem>> -> memref<1x1x128x128xf32, #tpu.memory_space<vmem>>
    %dma_wait3A_444 = tpu.memref_squeeze %dma_wait3A_443 : memref<1x1x128x128xf32, #tpu.memory_space<vmem>> -> memref<128x128xf32, #tpu.memory_space<vmem>>
    %dma_wait3A_445 = arith.constant 0 : i32
    %dma_wait3A_446 = tpu.memref_slice %arg7[%dma_wait3A_439, %dma_wait3A_440, %dma_wait3A_445] : memref<9x1x128xi32, #tpu.memory_space<vmem>> -> memref<1x1x128xi32, #tpu.memory_space<vmem>>
    %dma_wait3A_447 = tpu.memref_squeeze %dma_wait3A_446 : memref<1x1x128xi32, #tpu.memory_space<vmem>> -> memref<128xi32, #tpu.memory_space<vmem>>
    %dma_wait3A_448 = arith.constant 0 : i32
    %dma_wait3A_449 = arith.constant 0 : i32
    %dma_wait3A_450 = tpu.memref_slice %arg5[%dma_wait3A_448, %dma_wait3A_449] : memref<36864x128xf32, #tpu.memory_space<hbm>> -> memref<36864x128xf32, #tpu.memory_space<hbm>>
    tpu.wait_indirect_dma semaphore(%arg10 : memref<!tpu.dma_semaphore, #tpu.memory_space<semaphore_mem>>) src(%dma_wait3A_444 : memref<128x128xf32, #tpu.memory_space<vmem>>) dst(%dma_wait3A_450 : memref<36864x128xf32, #tpu.memory_space<hbm>>)
    %dma_wait3A_451 = arith.constant 0 : i32
    %dma_wait3A_452 = arith.constant 2 : i32
    %dma_wait3A_453 = arith.constant 8 : i32
    %dma_wait3A_454 = arith.constant 0 : i32
    %dma_wait3A_455 = arith.constant 0 : i32
    %dma_wait3A_456 = arith.constant 0 : i32
    %dma_wait3A_457 = tpu.memref_slice %arg8[%dma_wait3A_451, %dma_wait3A_452, %dma_wait3A_455, %dma_wait3A_456] : memref<2x3x128x128xf32, #tpu.memory_space<vmem>> -> memref<1x1x128x128xf32, #tpu.memory_space<vmem>>
    %dma_wait3A_458 = tpu.memref_squeeze %dma_wait3A_457 : memref<1x1x128x128xf32, #tpu.memory_space<vmem>> -> memref<128x128xf32, #tpu.memory_space<vmem>>
    %dma_wait3A_459 = arith.constant 0 : i32
    %dma_wait3A_460 = tpu.memref_slice %arg7[%dma_wait3A_453, %dma_wait3A_454, %dma_wait3A_459] : memref<9x1x128xi32, #tpu.memory_space<vmem>> -> memref<1x1x128xi32, #tpu.memory_space<vmem>>
    %dma_wait3A_461 = tpu.memref_squeeze %dma_wait3A_460 : memref<1x1x128xi32, #tpu.memory_space<vmem>> -> memref<128xi32, #tpu.memory_space<vmem>>
    %dma_wait3A_462 = arith.constant 0 : i32
    %dma_wait3A_463 = arith.constant 0 : i32
    %dma_wait3A_464 = tpu.memref_slice %arg5[%dma_wait3A_462, %dma_wait3A_463] : memref<36864x128xf32, #tpu.memory_space<hbm>> -> memref<36864x128xf32, #tpu.memory_space<hbm>>
    tpu.wait_indirect_dma semaphore(%arg10 : memref<!tpu.dma_semaphore, #tpu.memory_space<semaphore_mem>>) src(%dma_wait3A_458 : memref<128x128xf32, #tpu.memory_space<vmem>>) dst(%dma_wait3A_464 : memref<36864x128xf32, #tpu.memory_space<hbm>>)
    %dma_wait3A_465 = arith.constant 1 : i32
    %dma_wait3A_466 = arith.constant 0 : i32
    %dma_wait3A_467 = arith.constant 3 : i32
    %dma_wait3A_468 = arith.constant 0 : i32
    %dma_wait3A_469 = arith.constant 0 : i32
    %dma_wait3A_470 = arith.constant 0 : i32
    %dma_wait3A_471 = tpu.memref_slice %arg8[%dma_wait3A_465, %dma_wait3A_466, %dma_wait3A_469, %dma_wait3A_470] : memref<2x3x128x128xf32, #tpu.memory_space<vmem>> -> memref<1x1x128x128xf32, #tpu.memory_space<vmem>>
    %dma_wait3A_472 = tpu.memref_squeeze %dma_wait3A_471 : memref<1x1x128x128xf32, #tpu.memory_space<vmem>> -> memref<128x128xf32, #tpu.memory_space<vmem>>
    %dma_wait3A_473 = arith.constant 0 : i32
    %dma_wait3A_474 = tpu.memref_slice %arg7[%dma_wait3A_467, %dma_wait3A_468, %dma_wait3A_473] : memref<9x1x128xi32, #tpu.memory_space<vmem>> -> memref<1x1x128xi32, #tpu.memory_space<vmem>>
    %dma_wait3A_475 = tpu.memref_squeeze %dma_wait3A_474 : memref<1x1x128xi32, #tpu.memory_space<vmem>> -> memref<128xi32, #tpu.memory_space<vmem>>
    %dma_wait3A_476 = arith.constant 0 : i32
    %dma_wait3A_477 = arith.constant 0 : i32
    %dma_wait3A_478 = tpu.memref_slice %arg5[%dma_wait3A_476, %dma_wait3A_477] : memref<36864x128xf32, #tpu.memory_space<hbm>> -> memref<36864x128xf32, #tpu.memory_space<hbm>>
    tpu.wait_indirect_dma semaphore(%arg11 : memref<!tpu.dma_semaphore, #tpu.memory_space<semaphore_mem>>) src(%dma_wait3A_472 : memref<128x128xf32, #tpu.memory_space<vmem>>) dst(%dma_wait3A_478 : memref<36864x128xf32, #tpu.memory_space<hbm>>)
    %dma_wait3A_479 = arith.constant 1 : i32
    %dma_wait3A_480 = arith.constant 1 : i32
    %dma_wait3A_481 = arith.constant 4 : i32
    %dma_wait3A_482 = arith.constant 0 : i32
    %dma_wait3A_483 = arith.constant 0 : i32
    %dma_wait3A_484 = arith.constant 0 : i32
    %dma_wait3A_485 = tpu.memref_slice %arg8[%dma_wait3A_479, %dma_wait3A_480, %dma_wait3A_483, %dma_wait3A_484] : memref<2x3x128x128xf32, #tpu.memory_space<vmem>> -> memref<1x1x128x128xf32, #tpu.memory_space<vmem>>
    %dma_wait3A_486 = tpu.memref_squeeze %dma_wait3A_485 : memref<1x1x128x128xf32, #tpu.memory_space<vmem>> -> memref<128x128xf32, #tpu.memory_space<vmem>>
    %dma_wait3A_487 = arith.constant 0 : i32
    %dma_wait3A_488 = tpu.memref_slice %arg7[%dma_wait3A_481, %dma_wait3A_482, %dma_wait3A_487] : memref<9x1x128xi32, #tpu.memory_space<vmem>> -> memref<1x1x128xi32, #tpu.memory_space<vmem>>
    %dma_wait3A_489 = tpu.memref_squeeze %dma_wait3A_488 : memref<1x1x128xi32, #tpu.memory_space<vmem>> -> memref<128xi32, #tpu.memory_space<vmem>>
    %dma_wait3A_490 = arith.constant 0 : i32
    %dma_wait3A_491 = arith.constant 0 : i32
    %dma_wait3A_492 = tpu.memref_slice %arg5[%dma_wait3A_490, %dma_wait3A_491] : memref<36864x128xf32, #tpu.memory_space<hbm>> -> memref<36864x128xf32, #tpu.memory_space<hbm>>
    tpu.wait_indirect_dma semaphore(%arg11 : memref<!tpu.dma_semaphore, #tpu.memory_space<semaphore_mem>>) src(%dma_wait3A_486 : memref<128x128xf32, #tpu.memory_space<vmem>>) dst(%dma_wait3A_492 : memref<36864x128xf32, #tpu.memory_space<hbm>>)
    %dma_wait3A_493 = arith.constant 1 : i32
    %dma_wait3A_494 = arith.constant 2 : i32
    %dma_wait3A_495 = arith.constant 5 : i32
    %dma_wait3A_496 = arith.constant 0 : i32
    %dma_wait3A_497 = arith.constant 0 : i32
    %dma_wait3A_498 = arith.constant 0 : i32
    %dma_wait3A_499 = tpu.memref_slice %arg8[%dma_wait3A_493, %dma_wait3A_494, %dma_wait3A_497, %dma_wait3A_498] : memref<2x3x128x128xf32, #tpu.memory_space<vmem>> -> memref<1x1x128x128xf32, #tpu.memory_space<vmem>>
    %dma_wait3A_500 = tpu.memref_squeeze %dma_wait3A_499 : memref<1x1x128x128xf32, #tpu.memory_space<vmem>> -> memref<128x128xf32, #tpu.memory_space<vmem>>
    %dma_wait3A_501 = arith.constant 0 : i32
    %dma_wait3A_502 = tpu.memref_slice %arg7[%dma_wait3A_495, %dma_wait3A_496, %dma_wait3A_501] : memref<9x1x128xi32, #tpu.memory_space<vmem>> -> memref<1x1x128xi32, #tpu.memory_space<vmem>>
    %dma_wait3A_503 = tpu.memref_squeeze %dma_wait3A_502 : memref<1x1x128xi32, #tpu.memory_space<vmem>> -> memref<128xi32, #tpu.memory_space<vmem>>
    %dma_wait3A_504 = arith.constant 0 : i32
    %dma_wait3A_505 = arith.constant 0 : i32
    %dma_wait3A_506 = tpu.memref_slice %arg5[%dma_wait3A_504, %dma_wait3A_505] : memref<36864x128xf32, #tpu.memory_space<hbm>> -> memref<36864x128xf32, #tpu.memory_space<hbm>>
    tpu.wait_indirect_dma semaphore(%arg11 : memref<!tpu.dma_semaphore, #tpu.memory_space<semaphore_mem>>) src(%dma_wait3A_500 : memref<128x128xf32, #tpu.memory_space<vmem>>) dst(%dma_wait3A_506 : memref<36864x128xf32, #tpu.memory_space<hbm>>)
    return
  }
}

module attributes {stable_mosaic.version = 14 : i64} {
  func.func @_prep_body(%arg0: i32, %arg1: i32, %arg2: memref<1x96x1024xf32, #tpu.memory_space<vmem>>, %arg3: memref<1x96x512xf32, #tpu.memory_space<vmem>>, %arg4: memref<96x96xf32, #tpu.memory_space<vmem>>, %arg5: memref<96x96xf32, #tpu.memory_space<vmem>>, %arg6: memref<1x96xf32, #tpu.memory_space<vmem>>, %arg7: memref<1x512x9xi32, #tpu.memory_space<vmem>>, %arg8: memref<1x512x128xf32, #tpu.memory_space<vmem>>, %arg9: memref<1x512x128xf32, #tpu.memory_space<vmem>>) attributes {dimension_semantics = [#tpu.dimension_semantics<arbitrary>, #tpu.dimension_semantics<arbitrary>], iteration_bounds = array<i64: 4, 2>, scalar_prefetch = 0 : i64, scratch_operands = 0 : i64, tpu.core_type = #tpu.core_type<tc>, window_params = [{transform_indices = @transform_0, window_bounds = array<i64: 1, 96, 1024>}, {transform_indices = @transform_1, window_bounds = array<i64: 1, 96, 512>}, {pipeline_mode = #tpu.pipeline_mode<synchronous>, transform_indices = @transform_2, window_bounds = array<i64: 96, 96>}, {pipeline_mode = #tpu.pipeline_mode<synchronous>, transform_indices = @transform_3, window_bounds = array<i64: 96, 96>}, {pipeline_mode = #tpu.pipeline_mode<synchronous>, transform_indices = @transform_4, window_bounds = array<i64: 1, 96>}, {transform_indices = @transform_5, window_bounds = array<i64: 1, 512, 9>}, {transform_indices = @transform_6, window_bounds = array<i64: 1, 512, 128>}, {transform_indices = @transform_7, window_bounds = array<i64: 1, 512, 128>}]} {
    %get3A = arith.constant 0 : index
    %get3A_0 = arith.constant 0 : index
    %get3A_1 = arith.constant 0 : index
    %get3A_2 = vector.load %arg2[%get3A, %get3A_0, %get3A_1] : memref<1x96x1024xf32, #tpu.memory_space<vmem>>, vector<1x96x1024xf32>
    %get3A_3 = vector.shape_cast %get3A_2 : vector<1x96x1024xf32> to vector<96x1024xf32>
    %get3A_4 = arith.constant 0 : index
    %get3A_5 = arith.constant 0 : index
    %get3A_6 = arith.constant 0 : index
    %get3A_7 = vector.load %arg3[%get3A_4, %get3A_5, %get3A_6] : memref<1x96x512xf32, #tpu.memory_space<vmem>>, vector<1x96x512xf32>
    %get3A_8 = vector.shape_cast %get3A_7 : vector<1x96x512xf32> to vector<96x512xf32>
    %mul3A = arith.mulf %get3A_3, %get3A_3 : vector<96x1024xf32>
    %reduce_sum3A = arith.constant dense<0.000000e+00> : vector<1024xf32>
    %reduce_sum3A_9 = vector.multi_reduction <add>, %mul3A, %reduce_sum3A [0] : vector<96x1024xf32> to vector<1024xf32>
    %broadcast_in_dim3A = vector.shape_cast %reduce_sum3A_9 : vector<1024xf32> to vector<1x1024xf32>
    %dot_general3A = arith.constant dense<0.000000e+00> : vector<512x1024xf32>
    %dot_general3A_10 = tpu.matmul %get3A_8, %get3A_3, %dot_general3A {dimension_numbers = #tpu.dot_dimension_numbers<[0], [0], [1], [1], [0, 1, 1, 1], [], []>, transpose_lhs_hint = false} : vector<96x512xf32>, vector<96x1024xf32>, vector<512x1024xf32> -> vector<512x1024xf32>
    %mul3A_11 = arith.constant 2.000000e+00 : f32
    %mul3A_12 = vector.broadcast %mul3A_11 : f32 to vector<512x1024xf32>
    %mul3A_13 = arith.mulf %mul3A_12, %dot_general3A_10 : vector<512x1024xf32>
    %sub3A = vector.broadcast %broadcast_in_dim3A : vector<1x1024xf32> to vector<512x1024xf32>
    %sub3A_14 = arith.subf %sub3A, %mul3A_13 : vector<512x1024xf32>
    %iota3A = tpu.iota {dimensions = array<i32: 1>} : vector<512x1024xi32>
    %convert_element_type3A = arith.sitofp %iota3A : vector<512x1024xi32> to vector<512x1024xf32>
    %reduce_min3A = arith.constant dense<0x7F800000> : vector<512xf32>
    %reduce_min3A_15 = vector.multi_reduction <minimumf>, %sub3A_14, %reduce_min3A [1] : vector<512x1024xf32> to vector<512xf32>
    %broadcast_in_dim3A_16 = vector.shape_cast %reduce_min3A_15 : vector<512xf32> to vector<512x1xf32>
    %eq3A = vector.broadcast %broadcast_in_dim3A_16 : vector<512x1xf32> to vector<512x1024xf32>
    %eq3A_17 = arith.cmpf oeq, %sub3A_14, %eq3A : vector<512x1024xf32>
    %jit3A = arith.constant 6.553600e+04 : f32
    %broadcast_in_dim3A_18 = vector.broadcast %jit3A : f32 to vector<512x1024xf32>
    %select_n3A = arith.select %eq3A_17, %convert_element_type3A, %broadcast_in_dim3A_18 : vector<512x1024xi1>, vector<512x1024xf32>
    %reduce_min3A_19 = arith.constant dense<0x7F800000> : vector<512xf32>
    %reduce_min3A_20 = vector.multi_reduction <minimumf>, %select_n3A, %reduce_min3A_19 [1] : vector<512x1024xf32> to vector<512xf32>
    %broadcast_in_dim3A_21 = vector.shape_cast %reduce_min3A_20 : vector<512xf32> to vector<512x1xf32>
    %convert_element_type3A_22 = arith.fptosi %broadcast_in_dim3A_21 : vector<512x1xf32> to vector<512x1xi32>
    %jit3A_23 = arith.constant 0x7F800000 : f32
    %broadcast_in_dim3A_24 = vector.broadcast %jit3A_23 : f32 to vector<512x1024xf32>
    %select_n3A_25 = arith.select %eq3A_17, %broadcast_in_dim3A_24, %sub3A_14 : vector<512x1024xi1>, vector<512x1024xf32>
    %reduce_min3A_26 = arith.constant dense<0x7F800000> : vector<512xf32>
    %reduce_min3A_27 = vector.multi_reduction <minimumf>, %select_n3A_25, %reduce_min3A_26 [1] : vector<512x1024xf32> to vector<512xf32>
    %broadcast_in_dim3A_28 = vector.shape_cast %reduce_min3A_27 : vector<512xf32> to vector<512x1xf32>
    %eq3A_29 = vector.broadcast %broadcast_in_dim3A_28 : vector<512x1xf32> to vector<512x1024xf32>
    %eq3A_30 = arith.cmpf oeq, %select_n3A_25, %eq3A_29 : vector<512x1024xf32>
    %jit3A_31 = arith.constant 6.553600e+04 : f32
    %broadcast_in_dim3A_32 = vector.broadcast %jit3A_31 : f32 to vector<512x1024xf32>
    %select_n3A_33 = arith.select %eq3A_30, %convert_element_type3A, %broadcast_in_dim3A_32 : vector<512x1024xi1>, vector<512x1024xf32>
    %reduce_min3A_34 = arith.constant dense<0x7F800000> : vector<512xf32>
    %reduce_min3A_35 = vector.multi_reduction <minimumf>, %select_n3A_33, %reduce_min3A_34 [1] : vector<512x1024xf32> to vector<512xf32>
    %broadcast_in_dim3A_36 = vector.shape_cast %reduce_min3A_35 : vector<512xf32> to vector<512x1xf32>
    %convert_element_type3A_37 = arith.fptosi %broadcast_in_dim3A_36 : vector<512x1xf32> to vector<512x1xi32>
    %jit3A_38 = arith.constant 0x7F800000 : f32
    %broadcast_in_dim3A_39 = vector.broadcast %jit3A_38 : f32 to vector<512x1024xf32>
    %select_n3A_40 = arith.select %eq3A_30, %broadcast_in_dim3A_39, %select_n3A_25 : vector<512x1024xi1>, vector<512x1024xf32>
    %reduce_min3A_41 = arith.constant dense<0x7F800000> : vector<512xf32>
    %reduce_min3A_42 = vector.multi_reduction <minimumf>, %select_n3A_40, %reduce_min3A_41 [1] : vector<512x1024xf32> to vector<512xf32>
    %broadcast_in_dim3A_43 = vector.shape_cast %reduce_min3A_42 : vector<512xf32> to vector<512x1xf32>
    %eq3A_44 = vector.broadcast %broadcast_in_dim3A_43 : vector<512x1xf32> to vector<512x1024xf32>
    %eq3A_45 = arith.cmpf oeq, %select_n3A_40, %eq3A_44 : vector<512x1024xf32>
    %jit3A_46 = arith.constant 6.553600e+04 : f32
    %broadcast_in_dim3A_47 = vector.broadcast %jit3A_46 : f32 to vector<512x1024xf32>
    %select_n3A_48 = arith.select %eq3A_45, %convert_element_type3A, %broadcast_in_dim3A_47 : vector<512x1024xi1>, vector<512x1024xf32>
    %reduce_min3A_49 = arith.constant dense<0x7F800000> : vector<512xf32>
    %reduce_min3A_50 = vector.multi_reduction <minimumf>, %select_n3A_48, %reduce_min3A_49 [1] : vector<512x1024xf32> to vector<512xf32>
    %broadcast_in_dim3A_51 = vector.shape_cast %reduce_min3A_50 : vector<512xf32> to vector<512x1xf32>
    %convert_element_type3A_52 = arith.fptosi %broadcast_in_dim3A_51 : vector<512x1xf32> to vector<512x1xi32>
    %jit3A_53 = arith.constant 0x7F800000 : f32
    %broadcast_in_dim3A_54 = vector.broadcast %jit3A_53 : f32 to vector<512x1024xf32>
    %select_n3A_55 = arith.select %eq3A_45, %broadcast_in_dim3A_54, %select_n3A_40 : vector<512x1024xi1>, vector<512x1024xf32>
    %reduce_min3A_56 = arith.constant dense<0x7F800000> : vector<512xf32>
    %reduce_min3A_57 = vector.multi_reduction <minimumf>, %select_n3A_55, %reduce_min3A_56 [1] : vector<512x1024xf32> to vector<512xf32>
    %broadcast_in_dim3A_58 = vector.shape_cast %reduce_min3A_57 : vector<512xf32> to vector<512x1xf32>
    %eq3A_59 = vector.broadcast %broadcast_in_dim3A_58 : vector<512x1xf32> to vector<512x1024xf32>
    %eq3A_60 = arith.cmpf oeq, %select_n3A_55, %eq3A_59 : vector<512x1024xf32>
    %jit3A_61 = arith.constant 6.553600e+04 : f32
    %broadcast_in_dim3A_62 = vector.broadcast %jit3A_61 : f32 to vector<512x1024xf32>
    %select_n3A_63 = arith.select %eq3A_60, %convert_element_type3A, %broadcast_in_dim3A_62 : vector<512x1024xi1>, vector<512x1024xf32>
    %reduce_min3A_64 = arith.constant dense<0x7F800000> : vector<512xf32>
    %reduce_min3A_65 = vector.multi_reduction <minimumf>, %select_n3A_63, %reduce_min3A_64 [1] : vector<512x1024xf32> to vector<512xf32>
    %broadcast_in_dim3A_66 = vector.shape_cast %reduce_min3A_65 : vector<512xf32> to vector<512x1xf32>
    %convert_element_type3A_67 = arith.fptosi %broadcast_in_dim3A_66 : vector<512x1xf32> to vector<512x1xi32>
    %jit3A_68 = arith.constant 0x7F800000 : f32
    %broadcast_in_dim3A_69 = vector.broadcast %jit3A_68 : f32 to vector<512x1024xf32>
    %select_n3A_70 = arith.select %eq3A_60, %broadcast_in_dim3A_69, %select_n3A_55 : vector<512x1024xi1>, vector<512x1024xf32>
    %reduce_min3A_71 = arith.constant dense<0x7F800000> : vector<512xf32>
    %reduce_min3A_72 = vector.multi_reduction <minimumf>, %select_n3A_70, %reduce_min3A_71 [1] : vector<512x1024xf32> to vector<512xf32>
    %broadcast_in_dim3A_73 = vector.shape_cast %reduce_min3A_72 : vector<512xf32> to vector<512x1xf32>
    %eq3A_74 = vector.broadcast %broadcast_in_dim3A_73 : vector<512x1xf32> to vector<512x1024xf32>
    %eq3A_75 = arith.cmpf oeq, %select_n3A_70, %eq3A_74 : vector<512x1024xf32>
    %jit3A_76 = arith.constant 6.553600e+04 : f32
    %broadcast_in_dim3A_77 = vector.broadcast %jit3A_76 : f32 to vector<512x1024xf32>
    %select_n3A_78 = arith.select %eq3A_75, %convert_element_type3A, %broadcast_in_dim3A_77 : vector<512x1024xi1>, vector<512x1024xf32>
    %reduce_min3A_79 = arith.constant dense<0x7F800000> : vector<512xf32>
    %reduce_min3A_80 = vector.multi_reduction <minimumf>, %select_n3A_78, %reduce_min3A_79 [1] : vector<512x1024xf32> to vector<512xf32>
    %broadcast_in_dim3A_81 = vector.shape_cast %reduce_min3A_80 : vector<512xf32> to vector<512x1xf32>
    %convert_element_type3A_82 = arith.fptosi %broadcast_in_dim3A_81 : vector<512x1xf32> to vector<512x1xi32>
    %jit3A_83 = arith.constant 0x7F800000 : f32
    %broadcast_in_dim3A_84 = vector.broadcast %jit3A_83 : f32 to vector<512x1024xf32>
    %select_n3A_85 = arith.select %eq3A_75, %broadcast_in_dim3A_84, %select_n3A_70 : vector<512x1024xi1>, vector<512x1024xf32>
    %reduce_min3A_86 = arith.constant dense<0x7F800000> : vector<512xf32>
    %reduce_min3A_87 = vector.multi_reduction <minimumf>, %select_n3A_85, %reduce_min3A_86 [1] : vector<512x1024xf32> to vector<512xf32>
    %broadcast_in_dim3A_88 = vector.shape_cast %reduce_min3A_87 : vector<512xf32> to vector<512x1xf32>
    %eq3A_89 = vector.broadcast %broadcast_in_dim3A_88 : vector<512x1xf32> to vector<512x1024xf32>
    %eq3A_90 = arith.cmpf oeq, %select_n3A_85, %eq3A_89 : vector<512x1024xf32>
    %jit3A_91 = arith.constant 6.553600e+04 : f32
    %broadcast_in_dim3A_92 = vector.broadcast %jit3A_91 : f32 to vector<512x1024xf32>
    %select_n3A_93 = arith.select %eq3A_90, %convert_element_type3A, %broadcast_in_dim3A_92 : vector<512x1024xi1>, vector<512x1024xf32>
    %reduce_min3A_94 = arith.constant dense<0x7F800000> : vector<512xf32>
    %reduce_min3A_95 = vector.multi_reduction <minimumf>, %select_n3A_93, %reduce_min3A_94 [1] : vector<512x1024xf32> to vector<512xf32>
    %broadcast_in_dim3A_96 = vector.shape_cast %reduce_min3A_95 : vector<512xf32> to vector<512x1xf32>
    %convert_element_type3A_97 = arith.fptosi %broadcast_in_dim3A_96 : vector<512x1xf32> to vector<512x1xi32>
    %jit3A_98 = arith.constant 0x7F800000 : f32
    %broadcast_in_dim3A_99 = vector.broadcast %jit3A_98 : f32 to vector<512x1024xf32>
    %select_n3A_100 = arith.select %eq3A_90, %broadcast_in_dim3A_99, %select_n3A_85 : vector<512x1024xi1>, vector<512x1024xf32>
    %reduce_min3A_101 = arith.constant dense<0x7F800000> : vector<512xf32>
    %reduce_min3A_102 = vector.multi_reduction <minimumf>, %select_n3A_100, %reduce_min3A_101 [1] : vector<512x1024xf32> to vector<512xf32>
    %broadcast_in_dim3A_103 = vector.shape_cast %reduce_min3A_102 : vector<512xf32> to vector<512x1xf32>
    %eq3A_104 = vector.broadcast %broadcast_in_dim3A_103 : vector<512x1xf32> to vector<512x1024xf32>
    %eq3A_105 = arith.cmpf oeq, %select_n3A_100, %eq3A_104 : vector<512x1024xf32>
    %jit3A_106 = arith.constant 6.553600e+04 : f32
    %broadcast_in_dim3A_107 = vector.broadcast %jit3A_106 : f32 to vector<512x1024xf32>
    %select_n3A_108 = arith.select %eq3A_105, %convert_element_type3A, %broadcast_in_dim3A_107 : vector<512x1024xi1>, vector<512x1024xf32>
    %reduce_min3A_109 = arith.constant dense<0x7F800000> : vector<512xf32>
    %reduce_min3A_110 = vector.multi_reduction <minimumf>, %select_n3A_108, %reduce_min3A_109 [1] : vector<512x1024xf32> to vector<512xf32>
    %broadcast_in_dim3A_111 = vector.shape_cast %reduce_min3A_110 : vector<512xf32> to vector<512x1xf32>
    %convert_element_type3A_112 = arith.fptosi %broadcast_in_dim3A_111 : vector<512x1xf32> to vector<512x1xi32>
    %jit3A_113 = arith.constant 0x7F800000 : f32
    %broadcast_in_dim3A_114 = vector.broadcast %jit3A_113 : f32 to vector<512x1024xf32>
    %select_n3A_115 = arith.select %eq3A_105, %broadcast_in_dim3A_114, %select_n3A_100 : vector<512x1024xi1>, vector<512x1024xf32>
    %reduce_min3A_116 = arith.constant dense<0x7F800000> : vector<512xf32>
    %reduce_min3A_117 = vector.multi_reduction <minimumf>, %select_n3A_115, %reduce_min3A_116 [1] : vector<512x1024xf32> to vector<512xf32>
    %broadcast_in_dim3A_118 = vector.shape_cast %reduce_min3A_117 : vector<512xf32> to vector<512x1xf32>
    %eq3A_119 = vector.broadcast %broadcast_in_dim3A_118 : vector<512x1xf32> to vector<512x1024xf32>
    %eq3A_120 = arith.cmpf oeq, %select_n3A_115, %eq3A_119 : vector<512x1024xf32>
    %jit3A_121 = arith.constant 6.553600e+04 : f32
    %broadcast_in_dim3A_122 = vector.broadcast %jit3A_121 : f32 to vector<512x1024xf32>
    %select_n3A_123 = arith.select %eq3A_120, %convert_element_type3A, %broadcast_in_dim3A_122 : vector<512x1024xi1>, vector<512x1024xf32>
    %reduce_min3A_124 = arith.constant dense<0x7F800000> : vector<512xf32>
    %reduce_min3A_125 = vector.multi_reduction <minimumf>, %select_n3A_123, %reduce_min3A_124 [1] : vector<512x1024xf32> to vector<512xf32>
    %broadcast_in_dim3A_126 = vector.shape_cast %reduce_min3A_125 : vector<512xf32> to vector<512x1xf32>
    %convert_element_type3A_127 = arith.fptosi %broadcast_in_dim3A_126 : vector<512x1xf32> to vector<512x1xi32>
    %jit3A_128 = arith.constant 0x7F800000 : f32
    %broadcast_in_dim3A_129 = vector.broadcast %jit3A_128 : f32 to vector<512x1024xf32>
    %select_n3A_130 = arith.select %eq3A_120, %broadcast_in_dim3A_129, %select_n3A_115 : vector<512x1024xi1>, vector<512x1024xf32>
    %reduce_min3A_131 = arith.constant dense<0x7F800000> : vector<512xf32>
    %reduce_min3A_132 = vector.multi_reduction <minimumf>, %select_n3A_130, %reduce_min3A_131 [1] : vector<512x1024xf32> to vector<512xf32>
    %broadcast_in_dim3A_133 = vector.shape_cast %reduce_min3A_132 : vector<512xf32> to vector<512x1xf32>
    %eq3A_134 = vector.broadcast %broadcast_in_dim3A_133 : vector<512x1xf32> to vector<512x1024xf32>
    %eq3A_135 = arith.cmpf oeq, %select_n3A_130, %eq3A_134 : vector<512x1024xf32>
    %jit3A_136 = arith.constant 6.553600e+04 : f32
    %broadcast_in_dim3A_137 = vector.broadcast %jit3A_136 : f32 to vector<512x1024xf32>
    %select_n3A_138 = arith.select %eq3A_135, %convert_element_type3A, %broadcast_in_dim3A_137 : vector<512x1024xi1>, vector<512x1024xf32>
    %reduce_min3A_139 = arith.constant dense<0x7F800000> : vector<512xf32>
    %reduce_min3A_140 = vector.multi_reduction <minimumf>, %select_n3A_138, %reduce_min3A_139 [1] : vector<512x1024xf32> to vector<512xf32>
    %broadcast_in_dim3A_141 = vector.shape_cast %reduce_min3A_140 : vector<512xf32> to vector<512x1xf32>
    %convert_element_type3A_142 = arith.fptosi %broadcast_in_dim3A_141 : vector<512x1xf32> to vector<512x1xi32>
    %concatenate3A = tpu.concatenate %convert_element_type3A_22, %convert_element_type3A_37, %convert_element_type3A_52, %convert_element_type3A_67, %convert_element_type3A_82, %convert_element_type3A_97, %convert_element_type3A_112, %convert_element_type3A_127, %convert_element_type3A_142 in 1 : vector<512x1xi32>, vector<512x1xi32>, vector<512x1xi32>, vector<512x1xi32>, vector<512x1xi32>, vector<512x1xi32>, vector<512x1xi32>, vector<512x1xi32>, vector<512x1xi32> -> vector<512x9xi32>
    %mul3A_143 = arith.constant 1024 : i32
    %mul3A_144 = arith.muli %arg0, %mul3A_143 : i32
    %add3A = vector.broadcast %mul3A_144 : i32 to vector<512x9xi32>
    %add3A_145 = arith.addi %concatenate3A, %add3A : vector<512x9xi32>
    %swap3A = arith.constant 0 : index
    %swap3A_146 = arith.constant 0 : index
    %swap3A_147 = arith.constant 0 : index
    %swap3A_148 = vector.load %arg7[%swap3A, %swap3A_146, %swap3A_147] : memref<1x512x9xi32, #tpu.memory_space<vmem>>, vector<1x512x9xi32>
    %swap3A_149 = vector.shape_cast %swap3A_148 : vector<1x512x9xi32> to vector<512x9xi32>
    %swap3A_150 = vector.shape_cast %add3A_145 : vector<512x9xi32> to vector<1x512x9xi32>
    tpu.vector_store %arg7[%swap3A, %swap3A_146, %swap3A_147], %swap3A_150 {strides = array<i32>} : memref<1x512x9xi32, #tpu.memory_space<vmem>>, vector<1x512x9xi32>,
    %get3A_151 = arith.constant 0 : index
    %get3A_152 = arith.constant 0 : index
    %get3A_153 = vector.load %arg4[%get3A_151, %get3A_152] : memref<96x96xf32, #tpu.memory_space<vmem>>, vector<96x96xf32>
    %get3A_154 = arith.constant 0 : index
    %get3A_155 = arith.constant 0 : index
    %get3A_156 = vector.load %arg5[%get3A_154, %get3A_155] : memref<96x96xf32, #tpu.memory_space<vmem>>, vector<96x96xf32>
    %sub3A_157 = arith.subf %get3A_153, %get3A_156 : vector<96x96xf32>
    %broadcast_in_dim3A_158 = arith.constant 0.000000e+00 : f32
    %broadcast_in_dim3A_159 = vector.broadcast %broadcast_in_dim3A_158 : f32 to vector<512x32xf32>
    %dot_general3A_160 = arith.constant dense<0.000000e+00> : vector<512x96xf32>
    %dot_general3A_161 = tpu.matmul %get3A_8, %sub3A_157, %dot_general3A_160 {dimension_numbers = #tpu.dot_dimension_numbers<[0], [1], [1], [0], [0, 1, 1, 0], [], []>, transpose_lhs_hint = false} : vector<96x512xf32>, vector<96x96xf32>, vector<512x96xf32> -> vector<512x96xf32>
    %get3A_162 = arith.constant 0 : index
    %get3A_163 = arith.constant 0 : index
    %get3A_164 = vector.load %arg6[%get3A_162, %get3A_163] : memref<1x96xf32, #tpu.memory_space<vmem>>, vector<1x96xf32>
    %add3A_165 = vector.broadcast %get3A_164 : vector<1x96xf32> to vector<512x96xf32>
    %add3A_166 = arith.addf %dot_general3A_161, %add3A_165 : vector<512x96xf32>
    %concatenate3A_167 = tpu.concatenate %add3A_166, %broadcast_in_dim3A_159 in 1 : vector<512x96xf32>, vector<512x32xf32> -> vector<512x128xf32>
    %swap3A_168 = arith.constant 0 : index
    %swap3A_169 = arith.constant 0 : index
    %swap3A_170 = arith.constant 0 : index
    %swap3A_171 = vector.load %arg8[%swap3A_168, %swap3A_169, %swap3A_170] : memref<1x512x128xf32, #tpu.memory_space<vmem>>, vector<1x512x128xf32>
    %swap3A_172 = vector.shape_cast %swap3A_171 : vector<1x512x128xf32> to vector<512x128xf32>
    %swap3A_173 = vector.shape_cast %concatenate3A_167 : vector<512x128xf32> to vector<1x512x128xf32>
    tpu.vector_store %arg8[%swap3A_168, %swap3A_169, %swap3A_170], %swap3A_173 {strides = array<i32>} : memref<1x512x128xf32, #tpu.memory_space<vmem>>, vector<1x512x128xf32>,
    %get3A_174 = arith.constant 0 : index
    %get3A_175 = arith.constant 0 : index
    %get3A_176 = vector.load %arg5[%get3A_174, %get3A_175] : memref<96x96xf32, #tpu.memory_space<vmem>>, vector<96x96xf32>
    %dot_general3A_177 = arith.constant dense<0.000000e+00> : vector<512x96xf32>
    %dot_general3A_178 = tpu.matmul %get3A_8, %get3A_176, %dot_general3A_177 {dimension_numbers = #tpu.dot_dimension_numbers<[0], [1], [1], [0], [0, 1, 1, 0], [], []>, transpose_lhs_hint = false} : vector<96x512xf32>, vector<96x96xf32>, vector<512x96xf32> -> vector<512x96xf32>
    %concatenate3A_179 = tpu.concatenate %dot_general3A_178, %broadcast_in_dim3A_159 in 1 : vector<512x96xf32>, vector<512x32xf32> -> vector<512x128xf32>
    %swap3A_180 = arith.constant 0 : index
    %swap3A_181 = arith.constant 0 : index
    %swap3A_182 = arith.constant 0 : index
    %swap3A_183 = vector.load %arg9[%swap3A_180, %swap3A_181, %swap3A_182] : memref<1x512x128xf32, #tpu.memory_space<vmem>>, vector<1x512x128xf32>
    %swap3A_184 = vector.shape_cast %swap3A_183 : vector<1x512x128xf32> to vector<512x128xf32>
    %swap3A_185 = vector.shape_cast %concatenate3A_179 : vector<512x128xf32> to vector<1x512x128xf32>
    tpu.vector_store %arg9[%swap3A_180, %swap3A_181, %swap3A_182], %swap3A_185 {strides = array<i32>} : memref<1x512x128xf32, #tpu.memory_space<vmem>>, vector<1x512x128xf32>,
    return
  }
  func.func @transform_0(%arg0: i32, %arg1: i32) -> (i32, i32, i32) {
    %add3A = arith.constant 4 : i32
    %add3A_0 = arith.addi %arg0, %add3A : i32
    %c0_i32 = arith.constant 0 : i32
    %c0_i32_1 = arith.constant 0 : i32
    %c0_i32_2 = arith.constant 0 : i32
    return %add3A_0, %c0_i32, %c0_i32_1 : i32, i32, i32
  }
  func.func @transform_1(%arg0: i32, %arg1: i32) -> (i32, i32, i32) {
    %add3A = arith.constant 4 : i32
    %add3A_0 = arith.addi %arg0, %add3A : i32
    %c0_i32 = arith.constant 0 : i32
    %c0_i32_1 = arith.constant 0 : i32
    return %add3A_0, %c0_i32, %arg1 : i32, i32, i32
  }
  func.func @transform_2(%arg0: i32, %arg1: i32) -> (i32, i32) {
    %c0_i32 = arith.constant 0 : i32
    %c0_i32_0 = arith.constant 0 : i32
    %c0_i32_1 = arith.constant 0 : i32
    return %c0_i32, %c0_i32_0 : i32, i32
  }
  func.func @transform_3(%arg0: i32, %arg1: i32) -> (i32, i32) {
    %c0_i32 = arith.constant 0 : i32
    %c0_i32_0 = arith.constant 0 : i32
    %c0_i32_1 = arith.constant 0 : i32
    return %c0_i32, %c0_i32_0 : i32, i32
  }
  func.func @transform_4(%arg0: i32, %arg1: i32) -> (i32, i32) {
    %c0_i32 = arith.constant 0 : i32
    %c0_i32_0 = arith.constant 0 : i32
    %c0_i32_1 = arith.constant 0 : i32
    return %c0_i32, %c0_i32_0 : i32, i32
  }
  func.func @transform_5(%arg0: i32, %arg1: i32) -> (i32, i32, i32) {
    %c0_i32 = arith.constant 0 : i32
    %c0_i32_0 = arith.constant 0 : i32
    return %arg0, %arg1, %c0_i32 : i32, i32, i32
  }
  func.func @transform_6(%arg0: i32, %arg1: i32) -> (i32, i32, i32) {
    %c0_i32 = arith.constant 0 : i32
    %c0_i32_0 = arith.constant 0 : i32
    return %arg0, %arg1, %c0_i32 : i32, i32, i32
  }
  func.func @transform_7(%arg0: i32, %arg1: i32) -> (i32, i32, i32) {
    %c0_i32 = arith.constant 0 : i32
    %c0_i32_0 = arith.constant 0 : i32
    return %arg0, %arg1, %c0_i32 : i32, i32, i32
  }
}

module attributes {stable_mosaic.version = 14 : i64} {
  func.func @_prep_body(%arg0: i32, %arg1: i32, %arg2: memref<1x96x1024xf32, #tpu.memory_space<vmem>>, %arg3: memref<1x96x512xf32, #tpu.memory_space<vmem>>, %arg4: memref<96x96xf32, #tpu.memory_space<vmem>>, %arg5: memref<96x96xf32, #tpu.memory_space<vmem>>, %arg6: memref<1x96xf32, #tpu.memory_space<vmem>>, %arg7: memref<1x512x9xi32, #tpu.memory_space<vmem>>, %arg8: memref<1x512x128xf32, #tpu.memory_space<vmem>>, %arg9: memref<1x512x128xf32, #tpu.memory_space<vmem>>) attributes {dimension_semantics = [#tpu.dimension_semantics<arbitrary>, #tpu.dimension_semantics<arbitrary>], iteration_bounds = array<i64: 4, 2>, scalar_prefetch = 0 : i64, scratch_operands = 0 : i64, tpu.core_type = #tpu.core_type<tc>, window_params = [{transform_indices = @transform_0, window_bounds = array<i64: 1, 96, 1024>}, {transform_indices = @transform_1, window_bounds = array<i64: 1, 96, 512>}, {pipeline_mode = #tpu.pipeline_mode<synchronous>, transform_indices = @transform_2, window_bounds = array<i64: 96, 96>}, {pipeline_mode = #tpu.pipeline_mode<synchronous>, transform_indices = @transform_3, window_bounds = array<i64: 96, 96>}, {pipeline_mode = #tpu.pipeline_mode<synchronous>, transform_indices = @transform_4, window_bounds = array<i64: 1, 96>}, {transform_indices = @transform_5, window_bounds = array<i64: 1, 512, 9>}, {transform_indices = @transform_6, window_bounds = array<i64: 1, 512, 128>}, {transform_indices = @transform_7, window_bounds = array<i64: 1, 512, 128>}]} {
    %get3A = arith.constant 0 : index
    %get3A_0 = arith.constant 0 : index
    %get3A_1 = arith.constant 0 : index
    %get3A_2 = vector.load %arg2[%get3A, %get3A_0, %get3A_1] : memref<1x96x1024xf32, #tpu.memory_space<vmem>>, vector<1x96x1024xf32>
    %get3A_3 = vector.shape_cast %get3A_2 : vector<1x96x1024xf32> to vector<96x1024xf32>
    %get3A_4 = arith.constant 0 : index
    %get3A_5 = arith.constant 0 : index
    %get3A_6 = arith.constant 0 : index
    %get3A_7 = vector.load %arg3[%get3A_4, %get3A_5, %get3A_6] : memref<1x96x512xf32, #tpu.memory_space<vmem>>, vector<1x96x512xf32>
    %get3A_8 = vector.shape_cast %get3A_7 : vector<1x96x512xf32> to vector<96x512xf32>
    %mul3A = arith.mulf %get3A_3, %get3A_3 : vector<96x1024xf32>
    %reduce_sum3A = arith.constant dense<0.000000e+00> : vector<1024xf32>
    %reduce_sum3A_9 = vector.multi_reduction <add>, %mul3A, %reduce_sum3A [0] : vector<96x1024xf32> to vector<1024xf32>
    %broadcast_in_dim3A = vector.shape_cast %reduce_sum3A_9 : vector<1024xf32> to vector<1x1024xf32>
    %dot_general3A = arith.constant dense<0.000000e+00> : vector<512x1024xf32>
    %dot_general3A_10 = tpu.matmul %get3A_8, %get3A_3, %dot_general3A {dimension_numbers = #tpu.dot_dimension_numbers<[0], [0], [1], [1], [0, 1, 1, 1], [], []>, transpose_lhs_hint = false} : vector<96x512xf32>, vector<96x1024xf32>, vector<512x1024xf32> -> vector<512x1024xf32>
    %mul3A_11 = arith.constant 2.000000e+00 : f32
    %mul3A_12 = vector.broadcast %mul3A_11 : f32 to vector<512x1024xf32>
    %mul3A_13 = arith.mulf %mul3A_12, %dot_general3A_10 : vector<512x1024xf32>
    %sub3A = vector.broadcast %broadcast_in_dim3A : vector<1x1024xf32> to vector<512x1024xf32>
    %sub3A_14 = arith.subf %sub3A, %mul3A_13 : vector<512x1024xf32>
    %iota3A = tpu.iota {dimensions = array<i32: 1>} : vector<512x1024xi32>
    %convert_element_type3A = arith.sitofp %iota3A : vector<512x1024xi32> to vector<512x1024xf32>
    %reduce_min3A = arith.constant dense<0x7F800000> : vector<512xf32>
    %reduce_min3A_15 = vector.multi_reduction <minimumf>, %sub3A_14, %reduce_min3A [1] : vector<512x1024xf32> to vector<512xf32>
    %broadcast_in_dim3A_16 = vector.shape_cast %reduce_min3A_15 : vector<512xf32> to vector<512x1xf32>
    %eq3A = vector.broadcast %broadcast_in_dim3A_16 : vector<512x1xf32> to vector<512x1024xf32>
    %eq3A_17 = arith.cmpf oeq, %sub3A_14, %eq3A : vector<512x1024xf32>
    %jit3A = arith.constant 6.553600e+04 : f32
    %broadcast_in_dim3A_18 = vector.broadcast %jit3A : f32 to vector<512x1024xf32>
    %select_n3A = arith.select %eq3A_17, %convert_element_type3A, %broadcast_in_dim3A_18 : vector<512x1024xi1>, vector<512x1024xf32>
    %reduce_min3A_19 = arith.constant dense<0x7F800000> : vector<512xf32>
    %reduce_min3A_20 = vector.multi_reduction <minimumf>, %select_n3A, %reduce_min3A_19 [1] : vector<512x1024xf32> to vector<512xf32>
    %broadcast_in_dim3A_21 = vector.shape_cast %reduce_min3A_20 : vector<512xf32> to vector<512x1xf32>
    %convert_element_type3A_22 = arith.fptosi %broadcast_in_dim3A_21 : vector<512x1xf32> to vector<512x1xi32>
    %jit3A_23 = arith.constant 0x7F800000 : f32
    %broadcast_in_dim3A_24 = vector.broadcast %jit3A_23 : f32 to vector<512x1024xf32>
    %select_n3A_25 = arith.select %eq3A_17, %broadcast_in_dim3A_24, %sub3A_14 : vector<512x1024xi1>, vector<512x1024xf32>
    %reduce_min3A_26 = arith.constant dense<0x7F800000> : vector<512xf32>
    %reduce_min3A_27 = vector.multi_reduction <minimumf>, %select_n3A_25, %reduce_min3A_26 [1] : vector<512x1024xf32> to vector<512xf32>
    %broadcast_in_dim3A_28 = vector.shape_cast %reduce_min3A_27 : vector<512xf32> to vector<512x1xf32>
    %eq3A_29 = vector.broadcast %broadcast_in_dim3A_28 : vector<512x1xf32> to vector<512x1024xf32>
    %eq3A_30 = arith.cmpf oeq, %select_n3A_25, %eq3A_29 : vector<512x1024xf32>
    %jit3A_31 = arith.constant 6.553600e+04 : f32
    %broadcast_in_dim3A_32 = vector.broadcast %jit3A_31 : f32 to vector<512x1024xf32>
    %select_n3A_33 = arith.select %eq3A_30, %convert_element_type3A, %broadcast_in_dim3A_32 : vector<512x1024xi1>, vector<512x1024xf32>
    %reduce_min3A_34 = arith.constant dense<0x7F800000> : vector<512xf32>
    %reduce_min3A_35 = vector.multi_reduction <minimumf>, %select_n3A_33, %reduce_min3A_34 [1] : vector<512x1024xf32> to vector<512xf32>
    %broadcast_in_dim3A_36 = vector.shape_cast %reduce_min3A_35 : vector<512xf32> to vector<512x1xf32>
    %convert_element_type3A_37 = arith.fptosi %broadcast_in_dim3A_36 : vector<512x1xf32> to vector<512x1xi32>
    %jit3A_38 = arith.constant 0x7F800000 : f32
    %broadcast_in_dim3A_39 = vector.broadcast %jit3A_38 : f32 to vector<512x1024xf32>
    %select_n3A_40 = arith.select %eq3A_30, %broadcast_in_dim3A_39, %select_n3A_25 : vector<512x1024xi1>, vector<512x1024xf32>
    %reduce_min3A_41 = arith.constant dense<0x7F800000> : vector<512xf32>
    %reduce_min3A_42 = vector.multi_reduction <minimumf>, %select_n3A_40, %reduce_min3A_41 [1] : vector<512x1024xf32> to vector<512xf32>
    %broadcast_in_dim3A_43 = vector.shape_cast %reduce_min3A_42 : vector<512xf32> to vector<512x1xf32>
    %eq3A_44 = vector.broadcast %broadcast_in_dim3A_43 : vector<512x1xf32> to vector<512x1024xf32>
    %eq3A_45 = arith.cmpf oeq, %select_n3A_40, %eq3A_44 : vector<512x1024xf32>
    %jit3A_46 = arith.constant 6.553600e+04 : f32
    %broadcast_in_dim3A_47 = vector.broadcast %jit3A_46 : f32 to vector<512x1024xf32>
    %select_n3A_48 = arith.select %eq3A_45, %convert_element_type3A, %broadcast_in_dim3A_47 : vector<512x1024xi1>, vector<512x1024xf32>
    %reduce_min3A_49 = arith.constant dense<0x7F800000> : vector<512xf32>
    %reduce_min3A_50 = vector.multi_reduction <minimumf>, %select_n3A_48, %reduce_min3A_49 [1] : vector<512x1024xf32> to vector<512xf32>
    %broadcast_in_dim3A_51 = vector.shape_cast %reduce_min3A_50 : vector<512xf32> to vector<512x1xf32>
    %convert_element_type3A_52 = arith.fptosi %broadcast_in_dim3A_51 : vector<512x1xf32> to vector<512x1xi32>
    %jit3A_53 = arith.constant 0x7F800000 : f32
    %broadcast_in_dim3A_54 = vector.broadcast %jit3A_53 : f32 to vector<512x1024xf32>
    %select_n3A_55 = arith.select %eq3A_45, %broadcast_in_dim3A_54, %select_n3A_40 : vector<512x1024xi1>, vector<512x1024xf32>
    %reduce_min3A_56 = arith.constant dense<0x7F800000> : vector<512xf32>
    %reduce_min3A_57 = vector.multi_reduction <minimumf>, %select_n3A_55, %reduce_min3A_56 [1] : vector<512x1024xf32> to vector<512xf32>
    %broadcast_in_dim3A_58 = vector.shape_cast %reduce_min3A_57 : vector<512xf32> to vector<512x1xf32>
    %eq3A_59 = vector.broadcast %broadcast_in_dim3A_58 : vector<512x1xf32> to vector<512x1024xf32>
    %eq3A_60 = arith.cmpf oeq, %select_n3A_55, %eq3A_59 : vector<512x1024xf32>
    %jit3A_61 = arith.constant 6.553600e+04 : f32
    %broadcast_in_dim3A_62 = vector.broadcast %jit3A_61 : f32 to vector<512x1024xf32>
    %select_n3A_63 = arith.select %eq3A_60, %convert_element_type3A, %broadcast_in_dim3A_62 : vector<512x1024xi1>, vector<512x1024xf32>
    %reduce_min3A_64 = arith.constant dense<0x7F800000> : vector<512xf32>
    %reduce_min3A_65 = vector.multi_reduction <minimumf>, %select_n3A_63, %reduce_min3A_64 [1] : vector<512x1024xf32> to vector<512xf32>
    %broadcast_in_dim3A_66 = vector.shape_cast %reduce_min3A_65 : vector<512xf32> to vector<512x1xf32>
    %convert_element_type3A_67 = arith.fptosi %broadcast_in_dim3A_66 : vector<512x1xf32> to vector<512x1xi32>
    %jit3A_68 = arith.constant 0x7F800000 : f32
    %broadcast_in_dim3A_69 = vector.broadcast %jit3A_68 : f32 to vector<512x1024xf32>
    %select_n3A_70 = arith.select %eq3A_60, %broadcast_in_dim3A_69, %select_n3A_55 : vector<512x1024xi1>, vector<512x1024xf32>
    %reduce_min3A_71 = arith.constant dense<0x7F800000> : vector<512xf32>
    %reduce_min3A_72 = vector.multi_reduction <minimumf>, %select_n3A_70, %reduce_min3A_71 [1] : vector<512x1024xf32> to vector<512xf32>
    %broadcast_in_dim3A_73 = vector.shape_cast %reduce_min3A_72 : vector<512xf32> to vector<512x1xf32>
    %eq3A_74 = vector.broadcast %broadcast_in_dim3A_73 : vector<512x1xf32> to vector<512x1024xf32>
    %eq3A_75 = arith.cmpf oeq, %select_n3A_70, %eq3A_74 : vector<512x1024xf32>
    %jit3A_76 = arith.constant 6.553600e+04 : f32
    %broadcast_in_dim3A_77 = vector.broadcast %jit3A_76 : f32 to vector<512x1024xf32>
    %select_n3A_78 = arith.select %eq3A_75, %convert_element_type3A, %broadcast_in_dim3A_77 : vector<512x1024xi1>, vector<512x1024xf32>
    %reduce_min3A_79 = arith.constant dense<0x7F800000> : vector<512xf32>
    %reduce_min3A_80 = vector.multi_reduction <minimumf>, %select_n3A_78, %reduce_min3A_79 [1] : vector<512x1024xf32> to vector<512xf32>
    %broadcast_in_dim3A_81 = vector.shape_cast %reduce_min3A_80 : vector<512xf32> to vector<512x1xf32>
    %convert_element_type3A_82 = arith.fptosi %broadcast_in_dim3A_81 : vector<512x1xf32> to vector<512x1xi32>
    %jit3A_83 = arith.constant 0x7F800000 : f32
    %broadcast_in_dim3A_84 = vector.broadcast %jit3A_83 : f32 to vector<512x1024xf32>
    %select_n3A_85 = arith.select %eq3A_75, %broadcast_in_dim3A_84, %select_n3A_70 : vector<512x1024xi1>, vector<512x1024xf32>
    %reduce_min3A_86 = arith.constant dense<0x7F800000> : vector<512xf32>
    %reduce_min3A_87 = vector.multi_reduction <minimumf>, %select_n3A_85, %reduce_min3A_86 [1] : vector<512x1024xf32> to vector<512xf32>
    %broadcast_in_dim3A_88 = vector.shape_cast %reduce_min3A_87 : vector<512xf32> to vector<512x1xf32>
    %eq3A_89 = vector.broadcast %broadcast_in_dim3A_88 : vector<512x1xf32> to vector<512x1024xf32>
    %eq3A_90 = arith.cmpf oeq, %select_n3A_85, %eq3A_89 : vector<512x1024xf32>
    %jit3A_91 = arith.constant 6.553600e+04 : f32
    %broadcast_in_dim3A_92 = vector.broadcast %jit3A_91 : f32 to vector<512x1024xf32>
    %select_n3A_93 = arith.select %eq3A_90, %convert_element_type3A, %broadcast_in_dim3A_92 : vector<512x1024xi1>, vector<512x1024xf32>
    %reduce_min3A_94 = arith.constant dense<0x7F800000> : vector<512xf32>
    %reduce_min3A_95 = vector.multi_reduction <minimumf>, %select_n3A_93, %reduce_min3A_94 [1] : vector<512x1024xf32> to vector<512xf32>
    %broadcast_in_dim3A_96 = vector.shape_cast %reduce_min3A_95 : vector<512xf32> to vector<512x1xf32>
    %convert_element_type3A_97 = arith.fptosi %broadcast_in_dim3A_96 : vector<512x1xf32> to vector<512x1xi32>
    %jit3A_98 = arith.constant 0x7F800000 : f32
    %broadcast_in_dim3A_99 = vector.broadcast %jit3A_98 : f32 to vector<512x1024xf32>
    %select_n3A_100 = arith.select %eq3A_90, %broadcast_in_dim3A_99, %select_n3A_85 : vector<512x1024xi1>, vector<512x1024xf32>
    %reduce_min3A_101 = arith.constant dense<0x7F800000> : vector<512xf32>
    %reduce_min3A_102 = vector.multi_reduction <minimumf>, %select_n3A_100, %reduce_min3A_101 [1] : vector<512x1024xf32> to vector<512xf32>
    %broadcast_in_dim3A_103 = vector.shape_cast %reduce_min3A_102 : vector<512xf32> to vector<512x1xf32>
    %eq3A_104 = vector.broadcast %broadcast_in_dim3A_103 : vector<512x1xf32> to vector<512x1024xf32>
    %eq3A_105 = arith.cmpf oeq, %select_n3A_100, %eq3A_104 : vector<512x1024xf32>
    %jit3A_106 = arith.constant 6.553600e+04 : f32
    %broadcast_in_dim3A_107 = vector.broadcast %jit3A_106 : f32 to vector<512x1024xf32>
    %select_n3A_108 = arith.select %eq3A_105, %convert_element_type3A, %broadcast_in_dim3A_107 : vector<512x1024xi1>, vector<512x1024xf32>
    %reduce_min3A_109 = arith.constant dense<0x7F800000> : vector<512xf32>
    %reduce_min3A_110 = vector.multi_reduction <minimumf>, %select_n3A_108, %reduce_min3A_109 [1] : vector<512x1024xf32> to vector<512xf32>
    %broadcast_in_dim3A_111 = vector.shape_cast %reduce_min3A_110 : vector<512xf32> to vector<512x1xf32>
    %convert_element_type3A_112 = arith.fptosi %broadcast_in_dim3A_111 : vector<512x1xf32> to vector<512x1xi32>
    %jit3A_113 = arith.constant 0x7F800000 : f32
    %broadcast_in_dim3A_114 = vector.broadcast %jit3A_113 : f32 to vector<512x1024xf32>
    %select_n3A_115 = arith.select %eq3A_105, %broadcast_in_dim3A_114, %select_n3A_100 : vector<512x1024xi1>, vector<512x1024xf32>
    %reduce_min3A_116 = arith.constant dense<0x7F800000> : vector<512xf32>
    %reduce_min3A_117 = vector.multi_reduction <minimumf>, %select_n3A_115, %reduce_min3A_116 [1] : vector<512x1024xf32> to vector<512xf32>
    %broadcast_in_dim3A_118 = vector.shape_cast %reduce_min3A_117 : vector<512xf32> to vector<512x1xf32>
    %eq3A_119 = vector.broadcast %broadcast_in_dim3A_118 : vector<512x1xf32> to vector<512x1024xf32>
    %eq3A_120 = arith.cmpf oeq, %select_n3A_115, %eq3A_119 : vector<512x1024xf32>
    %jit3A_121 = arith.constant 6.553600e+04 : f32
    %broadcast_in_dim3A_122 = vector.broadcast %jit3A_121 : f32 to vector<512x1024xf32>
    %select_n3A_123 = arith.select %eq3A_120, %convert_element_type3A, %broadcast_in_dim3A_122 : vector<512x1024xi1>, vector<512x1024xf32>
    %reduce_min3A_124 = arith.constant dense<0x7F800000> : vector<512xf32>
    %reduce_min3A_125 = vector.multi_reduction <minimumf>, %select_n3A_123, %reduce_min3A_124 [1] : vector<512x1024xf32> to vector<512xf32>
    %broadcast_in_dim3A_126 = vector.shape_cast %reduce_min3A_125 : vector<512xf32> to vector<512x1xf32>
    %convert_element_type3A_127 = arith.fptosi %broadcast_in_dim3A_126 : vector<512x1xf32> to vector<512x1xi32>
    %jit3A_128 = arith.constant 0x7F800000 : f32
    %broadcast_in_dim3A_129 = vector.broadcast %jit3A_128 : f32 to vector<512x1024xf32>
    %select_n3A_130 = arith.select %eq3A_120, %broadcast_in_dim3A_129, %select_n3A_115 : vector<512x1024xi1>, vector<512x1024xf32>
    %reduce_min3A_131 = arith.constant dense<0x7F800000> : vector<512xf32>
    %reduce_min3A_132 = vector.multi_reduction <minimumf>, %select_n3A_130, %reduce_min3A_131 [1] : vector<512x1024xf32> to vector<512xf32>
    %broadcast_in_dim3A_133 = vector.shape_cast %reduce_min3A_132 : vector<512xf32> to vector<512x1xf32>
    %eq3A_134 = vector.broadcast %broadcast_in_dim3A_133 : vector<512x1xf32> to vector<512x1024xf32>
    %eq3A_135 = arith.cmpf oeq, %select_n3A_130, %eq3A_134 : vector<512x1024xf32>
    %jit3A_136 = arith.constant 6.553600e+04 : f32
    %broadcast_in_dim3A_137 = vector.broadcast %jit3A_136 : f32 to vector<512x1024xf32>
    %select_n3A_138 = arith.select %eq3A_135, %convert_element_type3A, %broadcast_in_dim3A_137 : vector<512x1024xi1>, vector<512x1024xf32>
    %reduce_min3A_139 = arith.constant dense<0x7F800000> : vector<512xf32>
    %reduce_min3A_140 = vector.multi_reduction <minimumf>, %select_n3A_138, %reduce_min3A_139 [1] : vector<512x1024xf32> to vector<512xf32>
    %broadcast_in_dim3A_141 = vector.shape_cast %reduce_min3A_140 : vector<512xf32> to vector<512x1xf32>
    %convert_element_type3A_142 = arith.fptosi %broadcast_in_dim3A_141 : vector<512x1xf32> to vector<512x1xi32>
    %concatenate3A = tpu.concatenate %convert_element_type3A_22, %convert_element_type3A_37, %convert_element_type3A_52, %convert_element_type3A_67, %convert_element_type3A_82, %convert_element_type3A_97, %convert_element_type3A_112, %convert_element_type3A_127, %convert_element_type3A_142 in 1 : vector<512x1xi32>, vector<512x1xi32>, vector<512x1xi32>, vector<512x1xi32>, vector<512x1xi32>, vector<512x1xi32>, vector<512x1xi32>, vector<512x1xi32>, vector<512x1xi32> -> vector<512x9xi32>
    %mul3A_143 = arith.constant 1024 : i32
    %mul3A_144 = arith.muli %arg0, %mul3A_143 : i32
    %add3A = vector.broadcast %mul3A_144 : i32 to vector<512x9xi32>
    %add3A_145 = arith.addi %concatenate3A, %add3A : vector<512x9xi32>
    %swap3A = arith.constant 0 : index
    %swap3A_146 = arith.constant 0 : index
    %swap3A_147 = arith.constant 0 : index
    %swap3A_148 = vector.load %arg7[%swap3A, %swap3A_146, %swap3A_147] : memref<1x512x9xi32, #tpu.memory_space<vmem>>, vector<1x512x9xi32>
    %swap3A_149 = vector.shape_cast %swap3A_148 : vector<1x512x9xi32> to vector<512x9xi32>
    %swap3A_150 = vector.shape_cast %add3A_145 : vector<512x9xi32> to vector<1x512x9xi32>
    tpu.vector_store %arg7[%swap3A, %swap3A_146, %swap3A_147], %swap3A_150 {strides = array<i32>} : memref<1x512x9xi32, #tpu.memory_space<vmem>>, vector<1x512x9xi32>,
    %get3A_151 = arith.constant 0 : index
    %get3A_152 = arith.constant 0 : index
    %get3A_153 = vector.load %arg4[%get3A_151, %get3A_152] : memref<96x96xf32, #tpu.memory_space<vmem>>, vector<96x96xf32>
    %get3A_154 = arith.constant 0 : index
    %get3A_155 = arith.constant 0 : index
    %get3A_156 = vector.load %arg5[%get3A_154, %get3A_155] : memref<96x96xf32, #tpu.memory_space<vmem>>, vector<96x96xf32>
    %sub3A_157 = arith.subf %get3A_153, %get3A_156 : vector<96x96xf32>
    %broadcast_in_dim3A_158 = arith.constant 0.000000e+00 : f32
    %broadcast_in_dim3A_159 = vector.broadcast %broadcast_in_dim3A_158 : f32 to vector<512x32xf32>
    %dot_general3A_160 = arith.constant dense<0.000000e+00> : vector<512x96xf32>
    %dot_general3A_161 = tpu.matmul %get3A_8, %sub3A_157, %dot_general3A_160 {dimension_numbers = #tpu.dot_dimension_numbers<[0], [1], [1], [0], [0, 1, 1, 0], [], []>, transpose_lhs_hint = false} : vector<96x512xf32>, vector<96x96xf32>, vector<512x96xf32> -> vector<512x96xf32>
    %get3A_162 = arith.constant 0 : index
    %get3A_163 = arith.constant 0 : index
    %get3A_164 = vector.load %arg6[%get3A_162, %get3A_163] : memref<1x96xf32, #tpu.memory_space<vmem>>, vector<1x96xf32>
    %add3A_165 = vector.broadcast %get3A_164 : vector<1x96xf32> to vector<512x96xf32>
    %add3A_166 = arith.addf %dot_general3A_161, %add3A_165 : vector<512x96xf32>
    %concatenate3A_167 = tpu.concatenate %add3A_166, %broadcast_in_dim3A_159 in 1 : vector<512x96xf32>, vector<512x32xf32> -> vector<512x128xf32>
    %swap3A_168 = arith.constant 0 : index
    %swap3A_169 = arith.constant 0 : index
    %swap3A_170 = arith.constant 0 : index
    %swap3A_171 = vector.load %arg8[%swap3A_168, %swap3A_169, %swap3A_170] : memref<1x512x128xf32, #tpu.memory_space<vmem>>, vector<1x512x128xf32>
    %swap3A_172 = vector.shape_cast %swap3A_171 : vector<1x512x128xf32> to vector<512x128xf32>
    %swap3A_173 = vector.shape_cast %concatenate3A_167 : vector<512x128xf32> to vector<1x512x128xf32>
    tpu.vector_store %arg8[%swap3A_168, %swap3A_169, %swap3A_170], %swap3A_173 {strides = array<i32>} : memref<1x512x128xf32, #tpu.memory_space<vmem>>, vector<1x512x128xf32>,
    %get3A_174 = arith.constant 0 : index
    %get3A_175 = arith.constant 0 : index
    %get3A_176 = vector.load %arg5[%get3A_174, %get3A_175] : memref<96x96xf32, #tpu.memory_space<vmem>>, vector<96x96xf32>
    %dot_general3A_177 = arith.constant dense<0.000000e+00> : vector<512x96xf32>
    %dot_general3A_178 = tpu.matmul %get3A_8, %get3A_176, %dot_general3A_177 {dimension_numbers = #tpu.dot_dimension_numbers<[0], [1], [1], [0], [0, 1, 1, 0], [], []>, transpose_lhs_hint = false} : vector<96x512xf32>, vector<96x96xf32>, vector<512x96xf32> -> vector<512x96xf32>
    %concatenate3A_179 = tpu.concatenate %dot_general3A_178, %broadcast_in_dim3A_159 in 1 : vector<512x96xf32>, vector<512x32xf32> -> vector<512x128xf32>
    %swap3A_180 = arith.constant 0 : index
    %swap3A_181 = arith.constant 0 : index
    %swap3A_182 = arith.constant 0 : index
    %swap3A_183 = vector.load %arg9[%swap3A_180, %swap3A_181, %swap3A_182] : memref<1x512x128xf32, #tpu.memory_space<vmem>>, vector<1x512x128xf32>
    %swap3A_184 = vector.shape_cast %swap3A_183 : vector<1x512x128xf32> to vector<512x128xf32>
    %swap3A_185 = vector.shape_cast %concatenate3A_179 : vector<512x128xf32> to vector<1x512x128xf32>
    tpu.vector_store %arg9[%swap3A_180, %swap3A_181, %swap3A_182], %swap3A_185 {strides = array<i32>} : memref<1x512x128xf32, #tpu.memory_space<vmem>>, vector<1x512x128xf32>,
    return
  }
  func.func @transform_0(%arg0: i32, %arg1: i32) -> (i32, i32, i32) {
    %add3A = arith.constant 0 : i32
    %add3A_0 = arith.addi %arg0, %add3A : i32
    %c0_i32 = arith.constant 0 : i32
    %c0_i32_1 = arith.constant 0 : i32
    %c0_i32_2 = arith.constant 0 : i32
    return %add3A_0, %c0_i32, %c0_i32_1 : i32, i32, i32
  }
  func.func @transform_1(%arg0: i32, %arg1: i32) -> (i32, i32, i32) {
    %add3A = arith.constant 0 : i32
    %add3A_0 = arith.addi %arg0, %add3A : i32
    %c0_i32 = arith.constant 0 : i32
    %c0_i32_1 = arith.constant 0 : i32
    return %add3A_0, %c0_i32, %arg1 : i32, i32, i32
  }
  func.func @transform_2(%arg0: i32, %arg1: i32) -> (i32, i32) {
    %c0_i32 = arith.constant 0 : i32
    %c0_i32_0 = arith.constant 0 : i32
    %c0_i32_1 = arith.constant 0 : i32
    return %c0_i32, %c0_i32_0 : i32, i32
  }
  func.func @transform_3(%arg0: i32, %arg1: i32) -> (i32, i32) {
    %c0_i32 = arith.constant 0 : i32
    %c0_i32_0 = arith.constant 0 : i32
    %c0_i32_1 = arith.constant 0 : i32
    return %c0_i32, %c0_i32_0 : i32, i32
  }
  func.func @transform_4(%arg0: i32, %arg1: i32) -> (i32, i32) {
    %c0_i32 = arith.constant 0 : i32
    %c0_i32_0 = arith.constant 0 : i32
    %c0_i32_1 = arith.constant 0 : i32
    return %c0_i32, %c0_i32_0 : i32, i32
  }
  func.func @transform_5(%arg0: i32, %arg1: i32) -> (i32, i32, i32) {
    %c0_i32 = arith.constant 0 : i32
    %c0_i32_0 = arith.constant 0 : i32
    return %arg0, %arg1, %c0_i32 : i32, i32, i32
  }
  func.func @transform_6(%arg0: i32, %arg1: i32) -> (i32, i32, i32) {
    %c0_i32 = arith.constant 0 : i32
    %c0_i32_0 = arith.constant 0 : i32
    return %arg0, %arg1, %c0_i32 : i32, i32, i32
  }
  func.func @transform_7(%arg0: i32, %arg1: i32) -> (i32, i32, i32) {
    %c0_i32 = arith.constant 0 : i32
    %c0_i32_0 = arith.constant 0 : i32
    return %arg0, %arg1, %c0_i32 : i32, i32, i32
  }
}

module attributes {stable_mosaic.version = 14 : i64} {
  func.func @_mlp_body(%arg0: i32, %arg1: i32, %arg2: memref<1x9x512x128xf32, #tpu.memory_space<vmem>>, %arg3: memref<1x512x128xf32, #tpu.memory_space<vmem>>, %arg4: memref<96x96xf32, #tpu.memory_space<vmem>>, %arg5: memref<96x1xf32, #tpu.memory_space<vmem>>, %arg6: memref<1x96x512xf32, #tpu.memory_space<vmem>>) attributes {dimension_semantics = [#tpu.dimension_semantics<arbitrary>, #tpu.dimension_semantics<arbitrary>], iteration_bounds = array<i64: 4, 2>, scalar_prefetch = 0 : i64, scratch_operands = 0 : i64, tpu.core_type = #tpu.core_type<tc>, window_params = [{transform_indices = @transform_0, window_bounds = array<i64: 1, 9, 512, 128>}, {transform_indices = @transform_1, window_bounds = array<i64: 1, 512, 128>}, {pipeline_mode = #tpu.pipeline_mode<synchronous>, transform_indices = @transform_2, window_bounds = array<i64: 96, 96>}, {pipeline_mode = #tpu.pipeline_mode<synchronous>, transform_indices = @transform_3, window_bounds = array<i64: 96, 1>}, {transform_indices = @transform_4, window_bounds = array<i64: 1, 96, 512>}]} {
    %get3A = arith.constant 0 : index
    %get3A_0 = arith.constant 0 : index
    %get3A_1 = arith.constant 0 : index
    %get3A_2 = vector.load %arg3[%get3A, %get3A_0, %get3A_1] : memref<1x512x128xf32, #tpu.memory_space<vmem>>, vector<1x512x128xf32>
    %get3A_3 = vector.shape_cast %get3A_2 : vector<1x512x128xf32> to vector<512x128xf32>
    %get3A_4 = arith.constant 0 : index
    %get3A_5 = arith.constant 0 : index
    %get3A_6 = vector.load %arg4[%get3A_4, %get3A_5] : memref<96x96xf32, #tpu.memory_space<vmem>>, vector<96x96xf32>
    %broadcast_in_dim3A = arith.constant 0.000000e+00 : f32
    %broadcast_in_dim3A_7 = vector.broadcast %broadcast_in_dim3A : f32 to vector<96x32xf32>
    %concatenate3A = tpu.concatenate %get3A_6, %broadcast_in_dim3A_7 in 1 : vector<96x96xf32>, vector<96x32xf32> -> vector<96x128xf32>
    %get3A_8 = arith.constant 0 : index
    %get3A_9 = arith.constant 0 : index
    %get3A_10 = arith.constant 0 : index
    %get3A_11 = arith.constant 0 : index
    %get3A_12 = vector.load %arg2[%get3A_8, %get3A_9, %get3A_10, %get3A_11] : memref<1x9x512x128xf32, #tpu.memory_space<vmem>>, vector<1x1x512x128xf32>
    %get3A_13 = vector.shape_cast %get3A_12 : vector<1x1x512x128xf32> to vector<512x128xf32>
    %add3A = arith.addf %get3A_3, %get3A_13 : vector<512x128xf32>
    %ge3A = arith.constant 0.000000e+00 : f32
    %ge3A_14 = vector.broadcast %ge3A : f32 to vector<512x128xf32>
    %ge3A_15 = arith.cmpf oge, %add3A, %ge3A_14 : vector<512x128xf32>
    %mul3A = arith.constant 2.000000e-01 : f32
    %mul3A_16 = vector.broadcast %mul3A : f32 to vector<512x128xf32>
    %mul3A_17 = arith.mulf %mul3A_16, %add3A : vector<512x128xf32>
    %select_n3A = arith.select %ge3A_15, %add3A, %mul3A_17 : vector<512x128xi1>, vector<512x128xf32>
    %dot_general3A = arith.constant dense<0.000000e+00> : vector<96x512xf32>
    %dot_general3A_18 = tpu.matmul %concatenate3A, %select_n3A, %dot_general3A {dimension_numbers = #tpu.dot_dimension_numbers<[1], [1], [0], [0], [0, 0, 1, 0], [], []>, transpose_lhs_hint = false} : vector<96x128xf32>, vector<512x128xf32>, vector<96x512xf32> -> vector<96x512xf32>
    %get3A_19 = arith.constant 0 : index
    %get3A_20 = arith.constant 1 : index
    %get3A_21 = arith.constant 0 : index
    %get3A_22 = arith.constant 0 : index
    %get3A_23 = vector.load %arg2[%get3A_19, %get3A_20, %get3A_21, %get3A_22] : memref<1x9x512x128xf32, #tpu.memory_space<vmem>>, vector<1x1x512x128xf32>
    %get3A_24 = vector.shape_cast %get3A_23 : vector<1x1x512x128xf32> to vector<512x128xf32>
    %add3A_25 = arith.addf %get3A_3, %get3A_24 : vector<512x128xf32>
    %ge3A_26 = arith.constant 0.000000e+00 : f32
    %ge3A_27 = vector.broadcast %ge3A_26 : f32 to vector<512x128xf32>
    %ge3A_28 = arith.cmpf oge, %add3A_25, %ge3A_27 : vector<512x128xf32>
    %mul3A_29 = arith.constant 2.000000e-01 : f32
    %mul3A_30 = vector.broadcast %mul3A_29 : f32 to vector<512x128xf32>
    %mul3A_31 = arith.mulf %mul3A_30, %add3A_25 : vector<512x128xf32>
    %select_n3A_32 = arith.select %ge3A_28, %add3A_25, %mul3A_31 : vector<512x128xi1>, vector<512x128xf32>
    %dot_general3A_33 = arith.constant dense<0.000000e+00> : vector<96x512xf32>
    %dot_general3A_34 = tpu.matmul %concatenate3A, %select_n3A_32, %dot_general3A_33 {dimension_numbers = #tpu.dot_dimension_numbers<[1], [1], [0], [0], [0, 0, 1, 0], [], []>, transpose_lhs_hint = false} : vector<96x128xf32>, vector<512x128xf32>, vector<96x512xf32> -> vector<96x512xf32>
    %max3A = arith.maximumf %dot_general3A_18, %dot_general3A_34 : vector<96x512xf32>
    %get3A_35 = arith.constant 0 : index
    %get3A_36 = arith.constant 2 : index
    %get3A_37 = arith.constant 0 : index
    %get3A_38 = arith.constant 0 : index
    %get3A_39 = vector.load %arg2[%get3A_35, %get3A_36, %get3A_37, %get3A_38] : memref<1x9x512x128xf32, #tpu.memory_space<vmem>>, vector<1x1x512x128xf32>
    %get3A_40 = vector.shape_cast %get3A_39 : vector<1x1x512x128xf32> to vector<512x128xf32>
    %add3A_41 = arith.addf %get3A_3, %get3A_40 : vector<512x128xf32>
    %ge3A_42 = arith.constant 0.000000e+00 : f32
    %ge3A_43 = vector.broadcast %ge3A_42 : f32 to vector<512x128xf32>
    %ge3A_44 = arith.cmpf oge, %add3A_41, %ge3A_43 : vector<512x128xf32>
    %mul3A_45 = arith.constant 2.000000e-01 : f32
    %mul3A_46 = vector.broadcast %mul3A_45 : f32 to vector<512x128xf32>
    %mul3A_47 = arith.mulf %mul3A_46, %add3A_41 : vector<512x128xf32>
    %select_n3A_48 = arith.select %ge3A_44, %add3A_41, %mul3A_47 : vector<512x128xi1>, vector<512x128xf32>
    %dot_general3A_49 = arith.constant dense<0.000000e+00> : vector<96x512xf32>
    %dot_general3A_50 = tpu.matmul %concatenate3A, %select_n3A_48, %dot_general3A_49 {dimension_numbers = #tpu.dot_dimension_numbers<[1], [1], [0], [0], [0, 0, 1, 0], [], []>, transpose_lhs_hint = false} : vector<96x128xf32>, vector<512x128xf32>, vector<96x512xf32> -> vector<96x512xf32>
    %max3A_51 = arith.maximumf %max3A, %dot_general3A_50 : vector<96x512xf32>
    %get3A_52 = arith.constant 0 : index
    %get3A_53 = arith.constant 3 : index
    %get3A_54 = arith.constant 0 : index
    %get3A_55 = arith.constant 0 : index
    %get3A_56 = vector.load %arg2[%get3A_52, %get3A_53, %get3A_54, %get3A_55] : memref<1x9x512x128xf32, #tpu.memory_space<vmem>>, vector<1x1x512x128xf32>
    %get3A_57 = vector.shape_cast %get3A_56 : vector<1x1x512x128xf32> to vector<512x128xf32>
    %add3A_58 = arith.addf %get3A_3, %get3A_57 : vector<512x128xf32>
    %ge3A_59 = arith.constant 0.000000e+00 : f32
    %ge3A_60 = vector.broadcast %ge3A_59 : f32 to vector<512x128xf32>
    %ge3A_61 = arith.cmpf oge, %add3A_58, %ge3A_60 : vector<512x128xf32>
    %mul3A_62 = arith.constant 2.000000e-01 : f32
    %mul3A_63 = vector.broadcast %mul3A_62 : f32 to vector<512x128xf32>
    %mul3A_64 = arith.mulf %mul3A_63, %add3A_58 : vector<512x128xf32>
    %select_n3A_65 = arith.select %ge3A_61, %add3A_58, %mul3A_64 : vector<512x128xi1>, vector<512x128xf32>
    %dot_general3A_66 = arith.constant dense<0.000000e+00> : vector<96x512xf32>
    %dot_general3A_67 = tpu.matmul %concatenate3A, %select_n3A_65, %dot_general3A_66 {dimension_numbers = #tpu.dot_dimension_numbers<[1], [1], [0], [0], [0, 0, 1, 0], [], []>, transpose_lhs_hint = false} : vector<96x128xf32>, vector<512x128xf32>, vector<96x512xf32> -> vector<96x512xf32>
    %max3A_68 = arith.maximumf %max3A_51, %dot_general3A_67 : vector<96x512xf32>
    %get3A_69 = arith.constant 0 : index
    %get3A_70 = arith.constant 4 : index
    %get3A_71 = arith.constant 0 : index
    %get3A_72 = arith.constant 0 : index
    %get3A_73 = vector.load %arg2[%get3A_69, %get3A_70, %get3A_71, %get3A_72] : memref<1x9x512x128xf32, #tpu.memory_space<vmem>>, vector<1x1x512x128xf32>
    %get3A_74 = vector.shape_cast %get3A_73 : vector<1x1x512x128xf32> to vector<512x128xf32>
    %add3A_75 = arith.addf %get3A_3, %get3A_74 : vector<512x128xf32>
    %ge3A_76 = arith.constant 0.000000e+00 : f32
    %ge3A_77 = vector.broadcast %ge3A_76 : f32 to vector<512x128xf32>
    %ge3A_78 = arith.cmpf oge, %add3A_75, %ge3A_77 : vector<512x128xf32>
    %mul3A_79 = arith.constant 2.000000e-01 : f32
    %mul3A_80 = vector.broadcast %mul3A_79 : f32 to vector<512x128xf32>
    %mul3A_81 = arith.mulf %mul3A_80, %add3A_75 : vector<512x128xf32>
    %select_n3A_82 = arith.select %ge3A_78, %add3A_75, %mul3A_81 : vector<512x128xi1>, vector<512x128xf32>
    %dot_general3A_83 = arith.constant dense<0.000000e+00> : vector<96x512xf32>
    %dot_general3A_84 = tpu.matmul %concatenate3A, %select_n3A_82, %dot_general3A_83 {dimension_numbers = #tpu.dot_dimension_numbers<[1], [1], [0], [0], [0, 0, 1, 0], [], []>, transpose_lhs_hint = false} : vector<96x128xf32>, vector<512x128xf32>, vector<96x512xf32> -> vector<96x512xf32>
    %max3A_85 = arith.maximumf %max3A_68, %dot_general3A_84 : vector<96x512xf32>
    %get3A_86 = arith.constant 0 : index
    %get3A_87 = arith.constant 5 : index
    %get3A_88 = arith.constant 0 : index
    %get3A_89 = arith.constant 0 : index
    %get3A_90 = vector.load %arg2[%get3A_86, %get3A_87, %get3A_88, %get3A_89] : memref<1x9x512x128xf32, #tpu.memory_space<vmem>>, vector<1x1x512x128xf32>
    %get3A_91 = vector.shape_cast %get3A_90 : vector<1x1x512x128xf32> to vector<512x128xf32>
    %add3A_92 = arith.addf %get3A_3, %get3A_91 : vector<512x128xf32>
    %ge3A_93 = arith.constant 0.000000e+00 : f32
    %ge3A_94 = vector.broadcast %ge3A_93 : f32 to vector<512x128xf32>
    %ge3A_95 = arith.cmpf oge, %add3A_92, %ge3A_94 : vector<512x128xf32>
    %mul3A_96 = arith.constant 2.000000e-01 : f32
    %mul3A_97 = vector.broadcast %mul3A_96 : f32 to vector<512x128xf32>
    %mul3A_98 = arith.mulf %mul3A_97, %add3A_92 : vector<512x128xf32>
    %select_n3A_99 = arith.select %ge3A_95, %add3A_92, %mul3A_98 : vector<512x128xi1>, vector<512x128xf32>
    %dot_general3A_100 = arith.constant dense<0.000000e+00> : vector<96x512xf32>
    %dot_general3A_101 = tpu.matmul %concatenate3A, %select_n3A_99, %dot_general3A_100 {dimension_numbers = #tpu.dot_dimension_numbers<[1], [1], [0], [0], [0, 0, 1, 0], [], []>, transpose_lhs_hint = false} : vector<96x128xf32>, vector<512x128xf32>, vector<96x512xf32> -> vector<96x512xf32>
    %max3A_102 = arith.maximumf %max3A_85, %dot_general3A_101 : vector<96x512xf32>
    %get3A_103 = arith.constant 0 : index
    %get3A_104 = arith.constant 6 : index
    %get3A_105 = arith.constant 0 : index
    %get3A_106 = arith.constant 0 : index
    %get3A_107 = vector.load %arg2[%get3A_103, %get3A_104, %get3A_105, %get3A_106] : memref<1x9x512x128xf32, #tpu.memory_space<vmem>>, vector<1x1x512x128xf32>
    %get3A_108 = vector.shape_cast %get3A_107 : vector<1x1x512x128xf32> to vector<512x128xf32>
    %add3A_109 = arith.addf %get3A_3, %get3A_108 : vector<512x128xf32>
    %ge3A_110 = arith.constant 0.000000e+00 : f32
    %ge3A_111 = vector.broadcast %ge3A_110 : f32 to vector<512x128xf32>
    %ge3A_112 = arith.cmpf oge, %add3A_109, %ge3A_111 : vector<512x128xf32>
    %mul3A_113 = arith.constant 2.000000e-01 : f32
    %mul3A_114 = vector.broadcast %mul3A_113 : f32 to vector<512x128xf32>
    %mul3A_115 = arith.mulf %mul3A_114, %add3A_109 : vector<512x128xf32>
    %select_n3A_116 = arith.select %ge3A_112, %add3A_109, %mul3A_115 : vector<512x128xi1>, vector<512x128xf32>
    %dot_general3A_117 = arith.constant dense<0.000000e+00> : vector<96x512xf32>
    %dot_general3A_118 = tpu.matmul %concatenate3A, %select_n3A_116, %dot_general3A_117 {dimension_numbers = #tpu.dot_dimension_numbers<[1], [1], [0], [0], [0, 0, 1, 0], [], []>, transpose_lhs_hint = false} : vector<96x128xf32>, vector<512x128xf32>, vector<96x512xf32> -> vector<96x512xf32>
    %max3A_119 = arith.maximumf %max3A_102, %dot_general3A_118 : vector<96x512xf32>
    %get3A_120 = arith.constant 0 : index
    %get3A_121 = arith.constant 7 : index
    %get3A_122 = arith.constant 0 : index
    %get3A_123 = arith.constant 0 : index
    %get3A_124 = vector.load %arg2[%get3A_120, %get3A_121, %get3A_122, %get3A_123] : memref<1x9x512x128xf32, #tpu.memory_space<vmem>>, vector<1x1x512x128xf32>
    %get3A_125 = vector.shape_cast %get3A_124 : vector<1x1x512x128xf32> to vector<512x128xf32>
    %add3A_126 = arith.addf %get3A_3, %get3A_125 : vector<512x128xf32>
    %ge3A_127 = arith.constant 0.000000e+00 : f32
    %ge3A_128 = vector.broadcast %ge3A_127 : f32 to vector<512x128xf32>
    %ge3A_129 = arith.cmpf oge, %add3A_126, %ge3A_128 : vector<512x128xf32>
    %mul3A_130 = arith.constant 2.000000e-01 : f32
    %mul3A_131 = vector.broadcast %mul3A_130 : f32 to vector<512x128xf32>
    %mul3A_132 = arith.mulf %mul3A_131, %add3A_126 : vector<512x128xf32>
    %select_n3A_133 = arith.select %ge3A_129, %add3A_126, %mul3A_132 : vector<512x128xi1>, vector<512x128xf32>
    %dot_general3A_134 = arith.constant dense<0.000000e+00> : vector<96x512xf32>
    %dot_general3A_135 = tpu.matmul %concatenate3A, %select_n3A_133, %dot_general3A_134 {dimension_numbers = #tpu.dot_dimension_numbers<[1], [1], [0], [0], [0, 0, 1, 0], [], []>, transpose_lhs_hint = false} : vector<96x128xf32>, vector<512x128xf32>, vector<96x512xf32> -> vector<96x512xf32>
    %max3A_136 = arith.maximumf %max3A_119, %dot_general3A_135 : vector<96x512xf32>
    %get3A_137 = arith.constant 0 : index
    %get3A_138 = arith.constant 8 : index
    %get3A_139 = arith.constant 0 : index
    %get3A_140 = arith.constant 0 : index
    %get3A_141 = vector.load %arg2[%get3A_137, %get3A_138, %get3A_139, %get3A_140] : memref<1x9x512x128xf32, #tpu.memory_space<vmem>>, vector<1x1x512x128xf32>
    %get3A_142 = vector.shape_cast %get3A_141 : vector<1x1x512x128xf32> to vector<512x128xf32>
    %add3A_143 = arith.addf %get3A_3, %get3A_142 : vector<512x128xf32>
    %ge3A_144 = arith.constant 0.000000e+00 : f32
    %ge3A_145 = vector.broadcast %ge3A_144 : f32 to vector<512x128xf32>
    %ge3A_146 = arith.cmpf oge, %add3A_143, %ge3A_145 : vector<512x128xf32>
    %mul3A_147 = arith.constant 2.000000e-01 : f32
    %mul3A_148 = vector.broadcast %mul3A_147 : f32 to vector<512x128xf32>
    %mul3A_149 = arith.mulf %mul3A_148, %add3A_143 : vector<512x128xf32>
    %select_n3A_150 = arith.select %ge3A_146, %add3A_143, %mul3A_149 : vector<512x128xi1>, vector<512x128xf32>
    %dot_general3A_151 = arith.constant dense<0.000000e+00> : vector<96x512xf32>
    %dot_general3A_152 = tpu.matmul %concatenate3A, %select_n3A_150, %dot_general3A_151 {dimension_numbers = #tpu.dot_dimension_numbers<[1], [1], [0], [0], [0, 0, 1, 0], [], []>, transpose_lhs_hint = false} : vector<96x128xf32>, vector<512x128xf32>, vector<96x512xf32> -> vector<96x512xf32>
    %max3A_153 = arith.maximumf %max3A_136, %dot_general3A_152 : vector<96x512xf32>
    %get3A_154 = arith.constant 0 : index
    %get3A_155 = arith.constant 0 : index
    %get3A_156 = vector.load %arg5[%get3A_154, %get3A_155] : memref<96x1xf32, #tpu.memory_space<vmem>>, vector<96x1xf32>
    %add3A_157 = vector.broadcast %get3A_156 : vector<96x1xf32> to vector<96x512xf32>
    %add3A_158 = arith.addf %max3A_153, %add3A_157 : vector<96x512xf32>
    %swap3A = arith.constant 0 : index
    %swap3A_159 = arith.constant 0 : index
    %swap3A_160 = arith.constant 0 : index
    %swap3A_161 = vector.load %arg6[%swap3A, %swap3A_159, %swap3A_160] : memref<1x96x512xf32, #tpu.memory_space<vmem>>, vector<1x96x512xf32>
    %swap3A_162 = vector.shape_cast %swap3A_161 : vector<1x96x512xf32> to vector<96x512xf32>
    %swap3A_163 = vector.shape_cast %add3A_158 : vector<96x512xf32> to vector<1x96x512xf32>
    tpu.vector_store %arg6[%swap3A, %swap3A_159, %swap3A_160], %swap3A_163 {strides = array<i32>} : memref<1x96x512xf32, #tpu.memory_space<vmem>>, vector<1x96x512xf32>,
    return
  }
  func.func @transform_0(%arg0: i32, %arg1: i32) -> (i32, i32, i32, i32) {
    %c0_i32 = arith.constant 0 : i32
    %c0_i32_0 = arith.constant 0 : i32
    %c0_i32_1 = arith.constant 0 : i32
    return %arg0, %c0_i32, %arg1, %c0_i32_0 : i32, i32, i32, i32
  }
  func.func @transform_1(%arg0: i32, %arg1: i32) -> (i32, i32, i32) {
    %c0_i32 = arith.constant 0 : i32
    %c0_i32_0 = arith.constant 0 : i32
    return %arg0, %arg1, %c0_i32 : i32, i32, i32
  }
  func.func @transform_2(%arg0: i32, %arg1: i32) -> (i32, i32) {
    %c0_i32 = arith.constant 0 : i32
    %c0_i32_0 = arith.constant 0 : i32
    %c0_i32_1 = arith.constant 0 : i32
    return %c0_i32, %c0_i32_0 : i32, i32
  }
  func.func @transform_3(%arg0: i32, %arg1: i32) -> (i32, i32) {
    %c0_i32 = arith.constant 0 : i32
    %c0_i32_0 = arith.constant 0 : i32
    %c0_i32_1 = arith.constant 0 : i32
    return %c0_i32, %c0_i32_0 : i32, i32
  }
  func.func @transform_4(%arg0: i32, %arg1: i32) -> (i32, i32, i32) {
    %c0_i32 = arith.constant 0 : i32
    %c0_i32_0 = arith.constant 0 : i32
    return %arg0, %c0_i32, %arg1 : i32, i32, i32
  }
}

module attributes {stable_mosaic.version = 14 : i64} {
  func.func @_bn_body(%arg0: memref<4x96x1024xf32, #tpu.memory_space<vmem>>, %arg1: memref<4x96x1024xf32, #tpu.memory_space<vmem>>, %arg2: memref<8x96x1024xf32, #tpu.memory_space<vmem>>, %arg3: memref<96x1xf32, #tpu.memory_space<vmem>>, %arg4: memref<96x1xf32, #tpu.memory_space<vmem>>, %arg5: memref<8x96x1024xf32, #tpu.memory_space<vmem>>) attributes {dimension_semantics = [], scalar_prefetch = 0 : i64, scratch_operands = 0 : i64, tpu.core_type = #tpu.core_type<tc>} {
    %get3A = arith.constant 0 : index
    %get3A_0 = arith.constant 0 : index
    %get3A_1 = arith.constant 0 : index
    %get3A_2 = vector.load %arg0[%get3A, %get3A_0, %get3A_1] : memref<4x96x1024xf32, #tpu.memory_space<vmem>>, vector<1x96x1024xf32>
    %get3A_3 = vector.shape_cast %get3A_2 : vector<1x96x1024xf32> to vector<96x1024xf32>
    %reduce_sum3A = arith.constant dense<0.000000e+00> : vector<96xf32>
    %reduce_sum3A_4 = vector.multi_reduction <add>, %get3A_3, %reduce_sum3A [1] : vector<96x1024xf32> to vector<96xf32>
    %broadcast_in_dim3A = vector.shape_cast %reduce_sum3A_4 : vector<96xf32> to vector<96x1xf32>
    %get3A_5 = arith.constant 1 : index
    %get3A_6 = arith.constant 0 : index
    %get3A_7 = arith.constant 0 : index
    %get3A_8 = vector.load %arg0[%get3A_5, %get3A_6, %get3A_7] : memref<4x96x1024xf32, #tpu.memory_space<vmem>>, vector<1x96x1024xf32>
    %get3A_9 = vector.shape_cast %get3A_8 : vector<1x96x1024xf32> to vector<96x1024xf32>
    %reduce_sum3A_10 = arith.constant dense<0.000000e+00> : vector<96xf32>
    %reduce_sum3A_11 = vector.multi_reduction <add>, %get3A_9, %reduce_sum3A_10 [1] : vector<96x1024xf32> to vector<96xf32>
    %broadcast_in_dim3A_12 = vector.shape_cast %reduce_sum3A_11 : vector<96xf32> to vector<96x1xf32>
    %add3A = arith.addf %broadcast_in_dim3A, %broadcast_in_dim3A_12 : vector<96x1xf32>
    %get3A_13 = arith.constant 2 : index
    %get3A_14 = arith.constant 0 : index
    %get3A_15 = arith.constant 0 : index
    %get3A_16 = vector.load %arg0[%get3A_13, %get3A_14, %get3A_15] : memref<4x96x1024xf32, #tpu.memory_space<vmem>>, vector<1x96x1024xf32>
    %get3A_17 = vector.shape_cast %get3A_16 : vector<1x96x1024xf32> to vector<96x1024xf32>
    %reduce_sum3A_18 = arith.constant dense<0.000000e+00> : vector<96xf32>
    %reduce_sum3A_19 = vector.multi_reduction <add>, %get3A_17, %reduce_sum3A_18 [1] : vector<96x1024xf32> to vector<96xf32>
    %broadcast_in_dim3A_20 = vector.shape_cast %reduce_sum3A_19 : vector<96xf32> to vector<96x1xf32>
    %add3A_21 = arith.addf %add3A, %broadcast_in_dim3A_20 : vector<96x1xf32>
    %get3A_22 = arith.constant 3 : index
    %get3A_23 = arith.constant 0 : index
    %get3A_24 = arith.constant 0 : index
    %get3A_25 = vector.load %arg0[%get3A_22, %get3A_23, %get3A_24] : memref<4x96x1024xf32, #tpu.memory_space<vmem>>, vector<1x96x1024xf32>
    %get3A_26 = vector.shape_cast %get3A_25 : vector<1x96x1024xf32> to vector<96x1024xf32>
    %reduce_sum3A_27 = arith.constant dense<0.000000e+00> : vector<96xf32>
    %reduce_sum3A_28 = vector.multi_reduction <add>, %get3A_26, %reduce_sum3A_27 [1] : vector<96x1024xf32> to vector<96xf32>
    %broadcast_in_dim3A_29 = vector.shape_cast %reduce_sum3A_28 : vector<96xf32> to vector<96x1xf32>
    %add3A_30 = arith.addf %add3A_21, %broadcast_in_dim3A_29 : vector<96x1xf32>
    %get3A_31 = arith.constant 0 : index
    %get3A_32 = arith.constant 0 : index
    %get3A_33 = arith.constant 0 : index
    %get3A_34 = vector.load %arg1[%get3A_31, %get3A_32, %get3A_33] : memref<4x96x1024xf32, #tpu.memory_space<vmem>>, vector<1x96x1024xf32>
    %get3A_35 = vector.shape_cast %get3A_34 : vector<1x96x1024xf32> to vector<96x1024xf32>
    %reduce_sum3A_36 = arith.constant dense<0.000000e+00> : vector<96xf32>
    %reduce_sum3A_37 = vector.multi_reduction <add>, %get3A_35, %reduce_sum3A_36 [1] : vector<96x1024xf32> to vector<96xf32>
    %broadcast_in_dim3A_38 = vector.shape_cast %reduce_sum3A_37 : vector<96xf32> to vector<96x1xf32>
    %add3A_39 = arith.addf %add3A_30, %broadcast_in_dim3A_38 : vector<96x1xf32>
    %get3A_40 = arith.constant 1 : index
    %get3A_41 = arith.constant 0 : index
    %get3A_42 = arith.constant 0 : index
    %get3A_43 = vector.load %arg1[%get3A_40, %get3A_41, %get3A_42] : memref<4x96x1024xf32, #tpu.memory_space<vmem>>, vector<1x96x1024xf32>
    %get3A_44 = vector.shape_cast %get3A_43 : vector<1x96x1024xf32> to vector<96x1024xf32>
    %reduce_sum3A_45 = arith.constant dense<0.000000e+00> : vector<96xf32>
    %reduce_sum3A_46 = vector.multi_reduction <add>, %get3A_44, %reduce_sum3A_45 [1] : vector<96x1024xf32> to vector<96xf32>
    %broadcast_in_dim3A_47 = vector.shape_cast %reduce_sum3A_46 : vector<96xf32> to vector<96x1xf32>
    %add3A_48 = arith.addf %add3A_39, %broadcast_in_dim3A_47 : vector<96x1xf32>
    %get3A_49 = arith.constant 2 : index
    %get3A_50 = arith.constant 0 : index
    %get3A_51 = arith.constant 0 : index
    %get3A_52 = vector.load %arg1[%get3A_49, %get3A_50, %get3A_51] : memref<4x96x1024xf32, #tpu.memory_space<vmem>>, vector<1x96x1024xf32>
    %get3A_53 = vector.shape_cast %get3A_52 : vector<1x96x1024xf32> to vector<96x1024xf32>
    %reduce_sum3A_54 = arith.constant dense<0.000000e+00> : vector<96xf32>
    %reduce_sum3A_55 = vector.multi_reduction <add>, %get3A_53, %reduce_sum3A_54 [1] : vector<96x1024xf32> to vector<96xf32>
    %broadcast_in_dim3A_56 = vector.shape_cast %reduce_sum3A_55 : vector<96xf32> to vector<96x1xf32>
    %add3A_57 = arith.addf %add3A_48, %broadcast_in_dim3A_56 : vector<96x1xf32>
    %get3A_58 = arith.constant 3 : index
    %get3A_59 = arith.constant 0 : index
    %get3A_60 = arith.constant 0 : index
    %get3A_61 = vector.load %arg1[%get3A_58, %get3A_59, %get3A_60] : memref<4x96x1024xf32, #tpu.memory_space<vmem>>, vector<1x96x1024xf32>
    %get3A_62 = vector.shape_cast %get3A_61 : vector<1x96x1024xf32> to vector<96x1024xf32>
    %reduce_sum3A_63 = arith.constant dense<0.000000e+00> : vector<96xf32>
    %reduce_sum3A_64 = vector.multi_reduction <add>, %get3A_62, %reduce_sum3A_63 [1] : vector<96x1024xf32> to vector<96xf32>
    %broadcast_in_dim3A_65 = vector.shape_cast %reduce_sum3A_64 : vector<96xf32> to vector<96x1xf32>
    %add3A_66 = arith.addf %add3A_57, %broadcast_in_dim3A_65 : vector<96x1xf32>
    %mul3A = arith.constant 1.22070313E-4 : f32
    %mul3A_67 = vector.broadcast %mul3A : f32 to vector<96x1xf32>
    %mul3A_68 = arith.mulf %add3A_66, %mul3A_67 : vector<96x1xf32>
    %get3A_69 = arith.constant 0 : index
    %get3A_70 = arith.constant 0 : index
    %get3A_71 = arith.constant 0 : index
    %get3A_72 = vector.load %arg0[%get3A_69, %get3A_70, %get3A_71] : memref<4x96x1024xf32, #tpu.memory_space<vmem>>, vector<1x96x1024xf32>
    %get3A_73 = vector.shape_cast %get3A_72 : vector<1x96x1024xf32> to vector<96x1024xf32>
    %sub3A = vector.broadcast %mul3A_68 : vector<96x1xf32> to vector<96x1024xf32>
    %sub3A_74 = arith.subf %get3A_73, %sub3A : vector<96x1024xf32>
    %mul3A_75 = arith.mulf %sub3A_74, %sub3A_74 : vector<96x1024xf32>
    %reduce_sum3A_76 = arith.constant dense<0.000000e+00> : vector<96xf32>
    %reduce_sum3A_77 = vector.multi_reduction <add>, %mul3A_75, %reduce_sum3A_76 [1] : vector<96x1024xf32> to vector<96xf32>
    %broadcast_in_dim3A_78 = vector.shape_cast %reduce_sum3A_77 : vector<96xf32> to vector<96x1xf32>
    %get3A_79 = arith.constant 1 : index
    %get3A_80 = arith.constant 0 : index
    %get3A_81 = arith.constant 0 : index
    %get3A_82 = vector.load %arg0[%get3A_79, %get3A_80, %get3A_81] : memref<4x96x1024xf32, #tpu.memory_space<vmem>>, vector<1x96x1024xf32>
    %get3A_83 = vector.shape_cast %get3A_82 : vector<1x96x1024xf32> to vector<96x1024xf32>
    %sub3A_84 = vector.broadcast %mul3A_68 : vector<96x1xf32> to vector<96x1024xf32>
    %sub3A_85 = arith.subf %get3A_83, %sub3A_84 : vector<96x1024xf32>
    %mul3A_86 = arith.mulf %sub3A_85, %sub3A_85 : vector<96x1024xf32>
    %reduce_sum3A_87 = arith.constant dense<0.000000e+00> : vector<96xf32>
    %reduce_sum3A_88 = vector.multi_reduction <add>, %mul3A_86, %reduce_sum3A_87 [1] : vector<96x1024xf32> to vector<96xf32>
    %broadcast_in_dim3A_89 = vector.shape_cast %reduce_sum3A_88 : vector<96xf32> to vector<96x1xf32>
    %add3A_90 = arith.addf %broadcast_in_dim3A_78, %broadcast_in_dim3A_89 : vector<96x1xf32>
    %get3A_91 = arith.constant 2 : index
    %get3A_92 = arith.constant 0 : index
    %get3A_93 = arith.constant 0 : index
    %get3A_94 = vector.load %arg0[%get3A_91, %get3A_92, %get3A_93] : memref<4x96x1024xf32, #tpu.memory_space<vmem>>, vector<1x96x1024xf32>
    %get3A_95 = vector.shape_cast %get3A_94 : vector<1x96x1024xf32> to vector<96x1024xf32>
    %sub3A_96 = vector.broadcast %mul3A_68 : vector<96x1xf32> to vector<96x1024xf32>
    %sub3A_97 = arith.subf %get3A_95, %sub3A_96 : vector<96x1024xf32>
    %mul3A_98 = arith.mulf %sub3A_97, %sub3A_97 : vector<96x1024xf32>
    %reduce_sum3A_99 = arith.constant dense<0.000000e+00> : vector<96xf32>
    %reduce_sum3A_100 = vector.multi_reduction <add>, %mul3A_98, %reduce_sum3A_99 [1] : vector<96x1024xf32> to vector<96xf32>
    %broadcast_in_dim3A_101 = vector.shape_cast %reduce_sum3A_100 : vector<96xf32> to vector<96x1xf32>
    %add3A_102 = arith.addf %add3A_90, %broadcast_in_dim3A_101 : vector<96x1xf32>
    %get3A_103 = arith.constant 3 : index
    %get3A_104 = arith.constant 0 : index
    %get3A_105 = arith.constant 0 : index
    %get3A_106 = vector.load %arg0[%get3A_103, %get3A_104, %get3A_105] : memref<4x96x1024xf32, #tpu.memory_space<vmem>>, vector<1x96x1024xf32>
    %get3A_107 = vector.shape_cast %get3A_106 : vector<1x96x1024xf32> to vector<96x1024xf32>
    %sub3A_108 = vector.broadcast %mul3A_68 : vector<96x1xf32> to vector<96x1024xf32>
    %sub3A_109 = arith.subf %get3A_107, %sub3A_108 : vector<96x1024xf32>
    %mul3A_110 = arith.mulf %sub3A_109, %sub3A_109 : vector<96x1024xf32>
    %reduce_sum3A_111 = arith.constant dense<0.000000e+00> : vector<96xf32>
    %reduce_sum3A_112 = vector.multi_reduction <add>, %mul3A_110, %reduce_sum3A_111 [1] : vector<96x1024xf32> to vector<96xf32>
    %broadcast_in_dim3A_113 = vector.shape_cast %reduce_sum3A_112 : vector<96xf32> to vector<96x1xf32>
    %add3A_114 = arith.addf %add3A_102, %broadcast_in_dim3A_113 : vector<96x1xf32>
    %get3A_115 = arith.constant 0 : index
    %get3A_116 = arith.constant 0 : index
    %get3A_117 = arith.constant 0 : index
    %get3A_118 = vector.load %arg1[%get3A_115, %get3A_116, %get3A_117] : memref<4x96x1024xf32, #tpu.memory_space<vmem>>, vector<1x96x1024xf32>
    %get3A_119 = vector.shape_cast %get3A_118 : vector<1x96x1024xf32> to vector<96x1024xf32>
    %sub3A_120 = vector.broadcast %mul3A_68 : vector<96x1xf32> to vector<96x1024xf32>
    %sub3A_121 = arith.subf %get3A_119, %sub3A_120 : vector<96x1024xf32>
    %mul3A_122 = arith.mulf %sub3A_121, %sub3A_121 : vector<96x1024xf32>
    %reduce_sum3A_123 = arith.constant dense<0.000000e+00> : vector<96xf32>
    %reduce_sum3A_124 = vector.multi_reduction <add>, %mul3A_122, %reduce_sum3A_123 [1] : vector<96x1024xf32> to vector<96xf32>
    %broadcast_in_dim3A_125 = vector.shape_cast %reduce_sum3A_124 : vector<96xf32> to vector<96x1xf32>
    %add3A_126 = arith.addf %add3A_114, %broadcast_in_dim3A_125 : vector<96x1xf32>
    %get3A_127 = arith.constant 1 : index
    %get3A_128 = arith.constant 0 : index
    %get3A_129 = arith.constant 0 : index
    %get3A_130 = vector.load %arg1[%get3A_127, %get3A_128, %get3A_129] : memref<4x96x1024xf32, #tpu.memory_space<vmem>>, vector<1x96x1024xf32>
    %get3A_131 = vector.shape_cast %get3A_130 : vector<1x96x1024xf32> to vector<96x1024xf32>
    %sub3A_132 = vector.broadcast %mul3A_68 : vector<96x1xf32> to vector<96x1024xf32>
    %sub3A_133 = arith.subf %get3A_131, %sub3A_132 : vector<96x1024xf32>
    %mul3A_134 = arith.mulf %sub3A_133, %sub3A_133 : vector<96x1024xf32>
    %reduce_sum3A_135 = arith.constant dense<0.000000e+00> : vector<96xf32>
    %reduce_sum3A_136 = vector.multi_reduction <add>, %mul3A_134, %reduce_sum3A_135 [1] : vector<96x1024xf32> to vector<96xf32>
    %broadcast_in_dim3A_137 = vector.shape_cast %reduce_sum3A_136 : vector<96xf32> to vector<96x1xf32>
    %add3A_138 = arith.addf %add3A_126, %broadcast_in_dim3A_137 : vector<96x1xf32>
    %get3A_139 = arith.constant 2 : index
    %get3A_140 = arith.constant 0 : index
    %get3A_141 = arith.constant 0 : index
    %get3A_142 = vector.load %arg1[%get3A_139, %get3A_140, %get3A_141] : memref<4x96x1024xf32, #tpu.memory_space<vmem>>, vector<1x96x1024xf32>
    %get3A_143 = vector.shape_cast %get3A_142 : vector<1x96x1024xf32> to vector<96x1024xf32>
    %sub3A_144 = vector.broadcast %mul3A_68 : vector<96x1xf32> to vector<96x1024xf32>
    %sub3A_145 = arith.subf %get3A_143, %sub3A_144 : vector<96x1024xf32>
    %mul3A_146 = arith.mulf %sub3A_145, %sub3A_145 : vector<96x1024xf32>
    %reduce_sum3A_147 = arith.constant dense<0.000000e+00> : vector<96xf32>
    %reduce_sum3A_148 = vector.multi_reduction <add>, %mul3A_146, %reduce_sum3A_147 [1] : vector<96x1024xf32> to vector<96xf32>
    %broadcast_in_dim3A_149 = vector.shape_cast %reduce_sum3A_148 : vector<96xf32> to vector<96x1xf32>
    %add3A_150 = arith.addf %add3A_138, %broadcast_in_dim3A_149 : vector<96x1xf32>
    %get3A_151 = arith.constant 3 : index
    %get3A_152 = arith.constant 0 : index
    %get3A_153 = arith.constant 0 : index
    %get3A_154 = vector.load %arg1[%get3A_151, %get3A_152, %get3A_153] : memref<4x96x1024xf32, #tpu.memory_space<vmem>>, vector<1x96x1024xf32>
    %get3A_155 = vector.shape_cast %get3A_154 : vector<1x96x1024xf32> to vector<96x1024xf32>
    %sub3A_156 = vector.broadcast %mul3A_68 : vector<96x1xf32> to vector<96x1024xf32>
    %sub3A_157 = arith.subf %get3A_155, %sub3A_156 : vector<96x1024xf32>
    %mul3A_158 = arith.mulf %sub3A_157, %sub3A_157 : vector<96x1024xf32>
    %reduce_sum3A_159 = arith.constant dense<0.000000e+00> : vector<96xf32>
    %reduce_sum3A_160 = vector.multi_reduction <add>, %mul3A_158, %reduce_sum3A_159 [1] : vector<96x1024xf32> to vector<96xf32>
    %broadcast_in_dim3A_161 = vector.shape_cast %reduce_sum3A_160 : vector<96xf32> to vector<96x1xf32>
    %add3A_162 = arith.addf %add3A_150, %broadcast_in_dim3A_161 : vector<96x1xf32>
    %mul3A_163 = arith.constant 1.22070313E-4 : f32
    %mul3A_164 = vector.broadcast %mul3A_163 : f32 to vector<96x1xf32>
    %mul3A_165 = arith.mulf %add3A_162, %mul3A_164 : vector<96x1xf32>
    %add3A_166 = arith.constant 9.99999974E-6 : f32
    %add3A_167 = vector.broadcast %add3A_166 : f32 to vector<96x1xf32>
    %add3A_168 = arith.addf %mul3A_165, %add3A_167 : vector<96x1xf32>
    %rsqrt3A = math.rsqrt %add3A_168 : vector<96x1xf32>
    %get3A_169 = arith.constant 0 : index
    %get3A_170 = arith.constant 0 : index
    %get3A_171 = vector.load %arg3[%get3A_169, %get3A_170] : memref<96x1xf32, #tpu.memory_space<vmem>>, vector<96x1xf32>
    %mul3A_172 = arith.mulf %rsqrt3A, %get3A_171 : vector<96x1xf32>
    %get3A_173 = arith.constant 0 : index
    %get3A_174 = arith.constant 0 : index
    %get3A_175 = vector.load %arg4[%get3A_173, %get3A_174] : memref<96x1xf32, #tpu.memory_space<vmem>>, vector<96x1xf32>
    %mul3A_176 = arith.mulf %mul3A_68, %mul3A_172 : vector<96x1xf32>
    %sub3A_177 = arith.subf %get3A_175, %mul3A_176 : vector<96x1xf32>
    %get3A_178 = arith.constant 0 : index
    %get3A_179 = arith.constant 0 : index
    %get3A_180 = arith.constant 0 : index
    %get3A_181 = vector.load %arg0[%get3A_178, %get3A_179, %get3A_180] : memref<4x96x1024xf32, #tpu.memory_space<vmem>>, vector<1x96x1024xf32>
    %get3A_182 = vector.shape_cast %get3A_181 : vector<1x96x1024xf32> to vector<96x1024xf32>
    %mul3A_183 = vector.broadcast %mul3A_172 : vector<96x1xf32> to vector<96x1024xf32>
    %mul3A_184 = arith.mulf %get3A_182, %mul3A_183 : vector<96x1024xf32>
    %add3A_185 = vector.broadcast %sub3A_177 : vector<96x1xf32> to vector<96x1024xf32>
    %add3A_186 = arith.addf %mul3A_184, %add3A_185 : vector<96x1024xf32>
    %get3A_187 = arith.constant 0 : index
    %get3A_188 = arith.constant 0 : index
    %get3A_189 = arith.constant 0 : index
    %get3A_190 = vector.load %arg2[%get3A_187, %get3A_188, %get3A_189] : memref<8x96x1024xf32, #tpu.memory_space<vmem>>, vector<1x96x1024xf32>
    %get3A_191 = vector.shape_cast %get3A_190 : vector<1x96x1024xf32> to vector<96x1024xf32>
    %add3A_192 = arith.addf %add3A_186, %get3A_191 : vector<96x1024xf32>
    %max3A = arith.constant 0.000000e+00 : f32
    %max3A_193 = vector.broadcast %max3A : f32 to vector<96x1024xf32>
    %max3A_194 = arith.maximumf %add3A_192, %max3A_193 : vector<96x1024xf32>
    %swap3A = arith.constant 0 : index
    %swap3A_195 = arith.constant 0 : index
    %swap3A_196 = arith.constant 0 : index
    %swap3A_197 = vector.load %arg5[%swap3A, %swap3A_195, %swap3A_196] : memref<8x96x1024xf32, #tpu.memory_space<vmem>>, vector<1x96x1024xf32>
    %swap3A_198 = vector.shape_cast %swap3A_197 : vector<1x96x1024xf32> to vector<96x1024xf32>
    %swap3A_199 = vector.shape_cast %max3A_194 : vector<96x1024xf32> to vector<1x96x1024xf32>
    tpu.vector_store %arg5[%swap3A, %swap3A_195, %swap3A_196], %swap3A_199 {strides = array<i32>} : memref<8x96x1024xf32, #tpu.memory_space<vmem>>, vector<1x96x1024xf32>,
    %get3A_200 = arith.constant 1 : index
    %get3A_201 = arith.constant 0 : index
    %get3A_202 = arith.constant 0 : index
    %get3A_203 = vector.load %arg0[%get3A_200, %get3A_201, %get3A_202] : memref<4x96x1024xf32, #tpu.memory_space<vmem>>, vector<1x96x1024xf32>
    %get3A_204 = vector.shape_cast %get3A_203 : vector<1x96x1024xf32> to vector<96x1024xf32>
    %mul3A_205 = vector.broadcast %mul3A_172 : vector<96x1xf32> to vector<96x1024xf32>
    %mul3A_206 = arith.mulf %get3A_204, %mul3A_205 : vector<96x1024xf32>
    %add3A_207 = vector.broadcast %sub3A_177 : vector<96x1xf32> to vector<96x1024xf32>
    %add3A_208 = arith.addf %mul3A_206, %add3A_207 : vector<96x1024xf32>
    %get3A_209 = arith.constant 1 : index
    %get3A_210 = arith.constant 0 : index
    %get3A_211 = arith.constant 0 : index
    %get3A_212 = vector.load %arg2[%get3A_209, %get3A_210, %get3A_211] : memref<8x96x1024xf32, #tpu.memory_space<vmem>>, vector<1x96x1024xf32>
    %get3A_213 = vector.shape_cast %get3A_212 : vector<1x96x1024xf32> to vector<96x1024xf32>
    %add3A_214 = arith.addf %add3A_208, %get3A_213 : vector<96x1024xf32>
    %max3A_215 = arith.constant 0.000000e+00 : f32
    %max3A_216 = vector.broadcast %max3A_215 : f32 to vector<96x1024xf32>
    %max3A_217 = arith.maximumf %add3A_214, %max3A_216 : vector<96x1024xf32>
    %swap3A_218 = arith.constant 1 : index
    %swap3A_219 = arith.constant 0 : index
    %swap3A_220 = arith.constant 0 : index
    %swap3A_221 = vector.load %arg5[%swap3A_218, %swap3A_219, %swap3A_220] : memref<8x96x1024xf32, #tpu.memory_space<vmem>>, vector<1x96x1024xf32>
    %swap3A_222 = vector.shape_cast %swap3A_221 : vector<1x96x1024xf32> to vector<96x1024xf32>
    %swap3A_223 = vector.shape_cast %max3A_217 : vector<96x1024xf32> to vector<1x96x1024xf32>
    tpu.vector_store %arg5[%swap3A_218, %swap3A_219, %swap3A_220], %swap3A_223 {strides = array<i32>} : memref<8x96x1024xf32, #tpu.memory_space<vmem>>, vector<1x96x1024xf32>,
    %get3A_224 = arith.constant 2 : index
    %get3A_225 = arith.constant 0 : index
    %get3A_226 = arith.constant 0 : index
    %get3A_227 = vector.load %arg0[%get3A_224, %get3A_225, %get3A_226] : memref<4x96x1024xf32, #tpu.memory_space<vmem>>, vector<1x96x1024xf32>
    %get3A_228 = vector.shape_cast %get3A_227 : vector<1x96x1024xf32> to vector<96x1024xf32>
    %mul3A_229 = vector.broadcast %mul3A_172 : vector<96x1xf32> to vector<96x1024xf32>
    %mul3A_230 = arith.mulf %get3A_228, %mul3A_229 : vector<96x1024xf32>
    %add3A_231 = vector.broadcast %sub3A_177 : vector<96x1xf32> to vector<96x1024xf32>
    %add3A_232 = arith.addf %mul3A_230, %add3A_231 : vector<96x1024xf32>
    %get3A_233 = arith.constant 2 : index
    %get3A_234 = arith.constant 0 : index
    %get3A_235 = arith.constant 0 : index
    %get3A_236 = vector.load %arg2[%get3A_233, %get3A_234, %get3A_235] : memref<8x96x1024xf32, #tpu.memory_space<vmem>>, vector<1x96x1024xf32>
    %get3A_237 = vector.shape_cast %get3A_236 : vector<1x96x1024xf32> to vector<96x1024xf32>
    %add3A_238 = arith.addf %add3A_232, %get3A_237 : vector<96x1024xf32>
    %max3A_239 = arith.constant 0.000000e+00 : f32
    %max3A_240 = vector.broadcast %max3A_239 : f32 to vector<96x1024xf32>
    %max3A_241 = arith.maximumf %add3A_238, %max3A_240 : vector<96x1024xf32>
    %swap3A_242 = arith.constant 2 : index
    %swap3A_243 = arith.constant 0 : index
    %swap3A_244 = arith.constant 0 : index
    %swap3A_245 = vector.load %arg5[%swap3A_242, %swap3A_243, %swap3A_244] : memref<8x96x1024xf32, #tpu.memory_space<vmem>>, vector<1x96x1024xf32>
    %swap3A_246 = vector.shape_cast %swap3A_245 : vector<1x96x1024xf32> to vector<96x1024xf32>
    %swap3A_247 = vector.shape_cast %max3A_241 : vector<96x1024xf32> to vector<1x96x1024xf32>
    tpu.vector_store %arg5[%swap3A_242, %swap3A_243, %swap3A_244], %swap3A_247 {strides = array<i32>} : memref<8x96x1024xf32, #tpu.memory_space<vmem>>, vector<1x96x1024xf32>,
    %get3A_248 = arith.constant 3 : index
    %get3A_249 = arith.constant 0 : index
    %get3A_250 = arith.constant 0 : index
    %get3A_251 = vector.load %arg0[%get3A_248, %get3A_249, %get3A_250] : memref<4x96x1024xf32, #tpu.memory_space<vmem>>, vector<1x96x1024xf32>
    %get3A_252 = vector.shape_cast %get3A_251 : vector<1x96x1024xf32> to vector<96x1024xf32>
    %mul3A_253 = vector.broadcast %mul3A_172 : vector<96x1xf32> to vector<96x1024xf32>
    %mul3A_254 = arith.mulf %get3A_252, %mul3A_253 : vector<96x1024xf32>
    %add3A_255 = vector.broadcast %sub3A_177 : vector<96x1xf32> to vector<96x1024xf32>
    %add3A_256 = arith.addf %mul3A_254, %add3A_255 : vector<96x1024xf32>
    %get3A_257 = arith.constant 3 : index
    %get3A_258 = arith.constant 0 : index
    %get3A_259 = arith.constant 0 : index
    %get3A_260 = vector.load %arg2[%get3A_257, %get3A_258, %get3A_259] : memref<8x96x1024xf32, #tpu.memory_space<vmem>>, vector<1x96x1024xf32>
    %get3A_261 = vector.shape_cast %get3A_260 : vector<1x96x1024xf32> to vector<96x1024xf32>
    %add3A_262 = arith.addf %add3A_256, %get3A_261 : vector<96x1024xf32>
    %max3A_263 = arith.constant 0.000000e+00 : f32
    %max3A_264 = vector.broadcast %max3A_263 : f32 to vector<96x1024xf32>
    %max3A_265 = arith.maximumf %add3A_262, %max3A_264 : vector<96x1024xf32>
    %swap3A_266 = arith.constant 3 : index
    %swap3A_267 = arith.constant 0 : index
    %swap3A_268 = arith.constant 0 : index
    %swap3A_269 = vector.load %arg5[%swap3A_266, %swap3A_267, %swap3A_268] : memref<8x96x1024xf32, #tpu.memory_space<vmem>>, vector<1x96x1024xf32>
    %swap3A_270 = vector.shape_cast %swap3A_269 : vector<1x96x1024xf32> to vector<96x1024xf32>
    %swap3A_271 = vector.shape_cast %max3A_265 : vector<96x1024xf32> to vector<1x96x1024xf32>
    tpu.vector_store %arg5[%swap3A_266, %swap3A_267, %swap3A_268], %swap3A_271 {strides = array<i32>} : memref<8x96x1024xf32, #tpu.memory_space<vmem>>, vector<1x96x1024xf32>,
    %get3A_272 = arith.constant 0 : index
    %get3A_273 = arith.constant 0 : index
    %get3A_274 = arith.constant 0 : index
    %get3A_275 = vector.load %arg1[%get3A_272, %get3A_273, %get3A_274] : memref<4x96x1024xf32, #tpu.memory_space<vmem>>, vector<1x96x1024xf32>
    %get3A_276 = vector.shape_cast %get3A_275 : vector<1x96x1024xf32> to vector<96x1024xf32>
    %mul3A_277 = vector.broadcast %mul3A_172 : vector<96x1xf32> to vector<96x1024xf32>
    %mul3A_278 = arith.mulf %get3A_276, %mul3A_277 : vector<96x1024xf32>
    %add3A_279 = vector.broadcast %sub3A_177 : vector<96x1xf32> to vector<96x1024xf32>
    %add3A_280 = arith.addf %mul3A_278, %add3A_279 : vector<96x1024xf32>
    %get3A_281 = arith.constant 4 : index
    %get3A_282 = arith.constant 0 : index
    %get3A_283 = arith.constant 0 : index
    %get3A_284 = vector.load %arg2[%get3A_281, %get3A_282, %get3A_283] : memref<8x96x1024xf32, #tpu.memory_space<vmem>>, vector<1x96x1024xf32>
    %get3A_285 = vector.shape_cast %get3A_284 : vector<1x96x1024xf32> to vector<96x1024xf32>
    %add3A_286 = arith.addf %add3A_280, %get3A_285 : vector<96x1024xf32>
    %max3A_287 = arith.constant 0.000000e+00 : f32
    %max3A_288 = vector.broadcast %max3A_287 : f32 to vector<96x1024xf32>
    %max3A_289 = arith.maximumf %add3A_286, %max3A_288 : vector<96x1024xf32>
    %swap3A_290 = arith.constant 4 : index
    %swap3A_291 = arith.constant 0 : index
    %swap3A_292 = arith.constant 0 : index
    %swap3A_293 = vector.load %arg5[%swap3A_290, %swap3A_291, %swap3A_292] : memref<8x96x1024xf32, #tpu.memory_space<vmem>>, vector<1x96x1024xf32>
    %swap3A_294 = vector.shape_cast %swap3A_293 : vector<1x96x1024xf32> to vector<96x1024xf32>
    %swap3A_295 = vector.shape_cast %max3A_289 : vector<96x1024xf32> to vector<1x96x1024xf32>
    tpu.vector_store %arg5[%swap3A_290, %swap3A_291, %swap3A_292], %swap3A_295 {strides = array<i32>} : memref<8x96x1024xf32, #tpu.memory_space<vmem>>, vector<1x96x1024xf32>,
    %get3A_296 = arith.constant 1 : index
    %get3A_297 = arith.constant 0 : index
    %get3A_298 = arith.constant 0 : index
    %get3A_299 = vector.load %arg1[%get3A_296, %get3A_297, %get3A_298] : memref<4x96x1024xf32, #tpu.memory_space<vmem>>, vector<1x96x1024xf32>
    %get3A_300 = vector.shape_cast %get3A_299 : vector<1x96x1024xf32> to vector<96x1024xf32>
    %mul3A_301 = vector.broadcast %mul3A_172 : vector<96x1xf32> to vector<96x1024xf32>
    %mul3A_302 = arith.mulf %get3A_300, %mul3A_301 : vector<96x1024xf32>
    %add3A_303 = vector.broadcast %sub3A_177 : vector<96x1xf32> to vector<96x1024xf32>
    %add3A_304 = arith.addf %mul3A_302, %add3A_303 : vector<96x1024xf32>
    %get3A_305 = arith.constant 5 : index
    %get3A_306 = arith.constant 0 : index
    %get3A_307 = arith.constant 0 : index
    %get3A_308 = vector.load %arg2[%get3A_305, %get3A_306, %get3A_307] : memref<8x96x1024xf32, #tpu.memory_space<vmem>>, vector<1x96x1024xf32>
    %get3A_309 = vector.shape_cast %get3A_308 : vector<1x96x1024xf32> to vector<96x1024xf32>
    %add3A_310 = arith.addf %add3A_304, %get3A_309 : vector<96x1024xf32>
    %max3A_311 = arith.constant 0.000000e+00 : f32
    %max3A_312 = vector.broadcast %max3A_311 : f32 to vector<96x1024xf32>
    %max3A_313 = arith.maximumf %add3A_310, %max3A_312 : vector<96x1024xf32>
    %swap3A_314 = arith.constant 5 : index
    %swap3A_315 = arith.constant 0 : index
    %swap3A_316 = arith.constant 0 : index
    %swap3A_317 = vector.load %arg5[%swap3A_314, %swap3A_315, %swap3A_316] : memref<8x96x1024xf32, #tpu.memory_space<vmem>>, vector<1x96x1024xf32>
    %swap3A_318 = vector.shape_cast %swap3A_317 : vector<1x96x1024xf32> to vector<96x1024xf32>
    %swap3A_319 = vector.shape_cast %max3A_313 : vector<96x1024xf32> to vector<1x96x1024xf32>
    tpu.vector_store %arg5[%swap3A_314, %swap3A_315, %swap3A_316], %swap3A_319 {strides = array<i32>} : memref<8x96x1024xf32, #tpu.memory_space<vmem>>, vector<1x96x1024xf32>,
    %get3A_320 = arith.constant 2 : index
    %get3A_321 = arith.constant 0 : index
    %get3A_322 = arith.constant 0 : index
    %get3A_323 = vector.load %arg1[%get3A_320, %get3A_321, %get3A_322] : memref<4x96x1024xf32, #tpu.memory_space<vmem>>, vector<1x96x1024xf32>
    %get3A_324 = vector.shape_cast %get3A_323 : vector<1x96x1024xf32> to vector<96x1024xf32>
    %mul3A_325 = vector.broadcast %mul3A_172 : vector<96x1xf32> to vector<96x1024xf32>
    %mul3A_326 = arith.mulf %get3A_324, %mul3A_325 : vector<96x1024xf32>
    %add3A_327 = vector.broadcast %sub3A_177 : vector<96x1xf32> to vector<96x1024xf32>
    %add3A_328 = arith.addf %mul3A_326, %add3A_327 : vector<96x1024xf32>
    %get3A_329 = arith.constant 6 : index
    %get3A_330 = arith.constant 0 : index
    %get3A_331 = arith.constant 0 : index
    %get3A_332 = vector.load %arg2[%get3A_329, %get3A_330, %get3A_331] : memref<8x96x1024xf32, #tpu.memory_space<vmem>>, vector<1x96x1024xf32>
    %get3A_333 = vector.shape_cast %get3A_332 : vector<1x96x1024xf32> to vector<96x1024xf32>
    %add3A_334 = arith.addf %add3A_328, %get3A_333 : vector<96x1024xf32>
    %max3A_335 = arith.constant 0.000000e+00 : f32
    %max3A_336 = vector.broadcast %max3A_335 : f32 to vector<96x1024xf32>
    %max3A_337 = arith.maximumf %add3A_334, %max3A_336 : vector<96x1024xf32>
    %swap3A_338 = arith.constant 6 : index
    %swap3A_339 = arith.constant 0 : index
    %swap3A_340 = arith.constant 0 : index
    %swap3A_341 = vector.load %arg5[%swap3A_338, %swap3A_339, %swap3A_340] : memref<8x96x1024xf32, #tpu.memory_space<vmem>>, vector<1x96x1024xf32>
    %swap3A_342 = vector.shape_cast %swap3A_341 : vector<1x96x1024xf32> to vector<96x1024xf32>
    %swap3A_343 = vector.shape_cast %max3A_337 : vector<96x1024xf32> to vector<1x96x1024xf32>
    tpu.vector_store %arg5[%swap3A_338, %swap3A_339, %swap3A_340], %swap3A_343 {strides = array<i32>} : memref<8x96x1024xf32, #tpu.memory_space<vmem>>, vector<1x96x1024xf32>,
    %get3A_344 = arith.constant 3 : index
    %get3A_345 = arith.constant 0 : index
    %get3A_346 = arith.constant 0 : index
    %get3A_347 = vector.load %arg1[%get3A_344, %get3A_345, %get3A_346] : memref<4x96x1024xf32, #tpu.memory_space<vmem>>, vector<1x96x1024xf32>
    %get3A_348 = vector.shape_cast %get3A_347 : vector<1x96x1024xf32> to vector<96x1024xf32>
    %mul3A_349 = vector.broadcast %mul3A_172 : vector<96x1xf32> to vector<96x1024xf32>
    %mul3A_350 = arith.mulf %get3A_348, %mul3A_349 : vector<96x1024xf32>
    %add3A_351 = vector.broadcast %sub3A_177 : vector<96x1xf32> to vector<96x1024xf32>
    %add3A_352 = arith.addf %mul3A_350, %add3A_351 : vector<96x1024xf32>
    %get3A_353 = arith.constant 7 : index
    %get3A_354 = arith.constant 0 : index
    %get3A_355 = arith.constant 0 : index
    %get3A_356 = vector.load %arg2[%get3A_353, %get3A_354, %get3A_355] : memref<8x96x1024xf32, #tpu.memory_space<vmem>>, vector<1x96x1024xf32>
    %get3A_357 = vector.shape_cast %get3A_356 : vector<1x96x1024xf32> to vector<96x1024xf32>
    %add3A_358 = arith.addf %add3A_352, %get3A_357 : vector<96x1024xf32>
    %max3A_359 = arith.constant 0.000000e+00 : f32
    %max3A_360 = vector.broadcast %max3A_359 : f32 to vector<96x1024xf32>
    %max3A_361 = arith.maximumf %add3A_358, %max3A_360 : vector<96x1024xf32>
    %swap3A_362 = arith.constant 7 : index
    %swap3A_363 = arith.constant 0 : index
    %swap3A_364 = arith.constant 0 : index
    %swap3A_365 = vector.load %arg5[%swap3A_362, %swap3A_363, %swap3A_364] : memref<8x96x1024xf32, #tpu.memory_space<vmem>>, vector<1x96x1024xf32>
    %swap3A_366 = vector.shape_cast %swap3A_365 : vector<1x96x1024xf32> to vector<96x1024xf32>
    %swap3A_367 = vector.shape_cast %max3A_361 : vector<96x1024xf32> to vector<1x96x1024xf32>
    tpu.vector_store %arg5[%swap3A_362, %swap3A_363, %swap3A_364], %swap3A_367 {strides = array<i32>} : memref<8x96x1024xf32, #tpu.memory_space<vmem>>, vector<1x96x1024xf32>,
    return
  }
}

</mosaic_0001>

<sc_bundles>
// kernel: kernel.12.cloned.1.call-start
scs
__scs_entry_jumppad:
0x0: {  	(pc) =	sbr.rel $0x88, $3  }
0x1: {  	(tag) =	ssettag $0x0;
	lr =	simm.s32 $0x1  }
0x2: {  	[smem:$0x3F9A] =	sst lr;
	_ =	strace $0xD0000000  }
0x3: {  	_ = 	snop  }
0x4: {  	_ = 	snop  }
0x5: {  	_ = 	snop  }
0x6: {  	_ = 	snop  }
0x7: {  	_ = 	snop  }
__scs_overlays_trampoline_lowered:
0x8: {  	[smem:$0x3FA9] =	sst s0  }
0x9: {  	[smem:$0x3FAA] =	sst s1  }
0xa: {  	[smem:$0x3FAB] =	sst s2  }
0xb: {  	[smem:$0x3FAC] =	sst s3  }
0xc: {  	[smem:$0x3FAD] =	sst s4  }
0xd: {  	[smem:$0x3FAE] =	sst s5  }
0xe: {  	[smem:$0x3FAF] =	sst s6  }
0xf: {  	[smem:$0x3FB0] =	sst s7  }
0x10: {  	[smem:$0x3FB1] =	sst s8  }
0x11: {  	[smem:$0x3FB2] =	sst s9;
	s0 =	simm.s32 @!p0 $0x0  }
0x12: {  	s1 =	sld [smem:$0x3F98];
	s0 =	simm.s32 @p0 $0x1  }
0x13: {  	[smem:$0x3FB3] =	sst s0;
	s0 =	simm.s32 @!p1 $0x0  }
0x14: {  	s2 =	sld [smem:$0x3F97];
	s0 =	simm.s32 @p1 $0x1  }
0x15: {  	[smem:$0x3FB4] =	sst s0;
	s0 =	simm.s32 @!p2 $0x0  }
0x16: {  	s3 =	sld [smem:$0x3FDB];
	s0 =	simm.s32 @p2 $0x1  }
0x17: {  	s4 =	simm.s32 $0x1BF5;
	[smem:$0x3FB6] =	sst s0  }
0x18: {  	s0 =	sld [smem:$0x3F99];
	_ =	swait.ge [sflag:s4], $0x0  }
0x19: {  	s7 =	sld [smem:$0x3F9A]  }
0x1a: {  	s8 =	sadd.s32 $0xFFFFE003, lr  }
0x1b: {  	s9 =	sadd.s32 $0xFFFFFEF7, lr;
	s5 =	simm.s32 $0xFFFFFFFF;
	p2 =	slt.u32 s8, $0xFFFFF086  }
0x1c: {  	p1 =	slt.u32 s9, $0xF7A;
	s5 =	simm.s32 @!p2 $0x0  }
0x1d: {  	s5 =	simm.s32 @p1 $0x1;
	p0 =	seq.s32 s7, s2  }
0x1e: {  	s7 =	smul.u32 @!p0 $0xF7A, s2;
	p2 =	seq.s32 @!p0 s5, $0x0  }
0x1f: {  	s9 =	smul.u32 $0xF7A, s1;
	s8 =	simm.s32 @!p0 $0x1BF5;
	p2 =	por !p2, p0  }
0x20: {  	[sflag:s8] =	ssyncset.s32 @!p0 $0xFFFFF086;
	s6 =	sadd.s32 @!p0 s3, s7;
	s7 =	simm.s32 @!p0 $0x108  }
0x21: {  	s3 =	sadd.s32 s3, s9;
	s6 =	sadd.s32 @!p0 $0x88, s6;
	s7 =	simm.s32 @p2 $0x1082  }
0x22: {  	[simem:s7], [sflag:s8] =	dma.local @!p0 [hbm:s6], $0xF7A  }
0x23: {  	s9 =	sor.u32 $0xD0000000, s2;
	s6 =	simm.s32 $0x108;
	_ =	swait.ge @!p0 [sflag:s8], $0x0  }
0x24: {  	s3 =	sadd.s32 $0x88, s3;
	s6 =	simm.s32 @!p1 $0x1082;
	[sflag:s4] =	ssyncset.s32 $0xFFFFF086  }
0x25: {  	[simem:s6], [sflag:s4] =	dma.local [hbm:s3], $0xF7A  }
0x26: {  	[smem:$0x3F9A] =	sst s1;
	(tag) =	ssettag s2;
	_ =	strace s9  }
0x27: {  	s1 =	sld [smem:$0x3FAA]  }
0x28: {  	s2 =	sld [smem:$0x3FAB]  }
0x29: {  	s4 =	sld [smem:$0x3FAD]  }
0x2a: {  	p0 =	seq.s32 s5, $0x0;
	s5 =	sld [smem:$0x3FAE]  }
0x2b: {  	s6 =	sld [smem:$0x3FAF]  }
0x2c: {  	s7 =	sld [smem:$0x3FB0]  }
0x2d: {  	s3 =	simm.s32 $0x108;
	s8 =	sld [smem:$0x3FB1]  }
0x2e: {  	s3 =	simm.s32 @!p0 $0x1082;
	s9 =	sld [smem:$0x3FB2]  }
0x2f: {  	lr =	sadd.s32 s0, s3;
	s0 =	sld [smem:$0x3FA9]  }
0x30: {  	s3 =	sld [smem:$0x3FAC]  }
0x31: {  	[smem:$0x3FB5] =	sst s10  }
0x32: {  	s10 =	sld [smem:$0x3FB3];
	_ =	sdelay $0x3  }
0x33: {  	p0 =	seq.s32 s10, $0x1;
	s10 =	sld [smem:$0x3FB5];
	_ =	sdelay $0x3  }
0x34: {  	[smem:$0x3FB5] =	sst s10  }
0x35: {  	s10 =	sld [smem:$0x3FB4];
	_ =	sdelay $0x3  }
0x36: {  	p1 =	seq.s32 s10, $0x1;
	s10 =	sld [smem:$0x3FB5];
	_ =	sdelay $0x3  }
0x37: {  	[smem:$0x3FB5] =	sst s10  }
0x38: {  	s10 =	sld [smem:$0x3FB6]  }
0x39: {  	_ = 	snop;
	(pc) =	sbr.ind lr, $3  }
0x3a: {  	_ = 	snop  }
0x3b: {  	_ = 	snop  }
0x3c: {  	p2 =	seq.s32 s10, $0x1;
	s10 =	sld [smem:$0x3FB5]  }
0x3d: {  	_ =	shalt  }
0x3e: {  	_ =	shalt  }
0x3f: {  	_ =	shalt  }
0x40: {  	_ =	shalt  }
0x41: {  	_ =	shalt  }
0x42: {  	_ =	shalt  }
0x43: {  	_ =	shalt  }
0x44: {  	_ =	shalt  }
0x45: {  	_ =	shalt  }
0x46: {  	_ =	shalt  }
0x47: {  	_ =	shalt  }
0x48: {  	_ =	shalt  }
0x49: {  	_ =	shalt  }
0x4a: {  	_ =	shalt  }
0x4b: {  	_ =	shalt  }
0x4c: {  	_ =	shalt  }
0x4d: {  	_ =	shalt  }
0x4e: {  	_ =	shalt  }
0x4f: {  	_ =	shalt  }
0x50: {  	_ =	shalt  }
0x51: {  	_ =	shalt  }
0x52: {  	_ =	shalt  }
0x53: {  	_ =	shalt  }
0x54: {  	_ =	shalt  }
0x55: {  	_ =	shalt  }
0x56: {  	_ =	shalt  }
0x57: {  	_ =	shalt  }
0x58: {  	_ =	shalt  }
0x59: {  	_ =	shalt  }
0x5a: {  	_ =	shalt  }
0x5b: {  	_ =	shalt  }
0x5c: {  	_ =	shalt  }
0x5d: {  	_ =	shalt  }
0x5e: {  	_ =	shalt  }
0x5f: {  	_ =	shalt  }
0x60: {  	_ =	shalt  }
0x61: {  	_ =	shalt  }
0x62: {  	_ =	shalt  }
0x63: {  	_ =	shalt  }
0x64: {  	_ =	shalt  }
0x65: {  	_ =	shalt  }
0x66: {  	_ =	shalt  }
0x67: {  	_ =	shalt  }
0x68: {  	_ =	shalt  }
0x69: {  	_ =	shalt  }
0x6a: {  	_ =	shalt  }
0x6b: {  	_ =	shalt  }
0x6c: {  	_ =	shalt  }
0x6d: {  	_ =	shalt  }
0x6e: {  	_ =	shalt  }
0x6f: {  	_ =	shalt  }
0x70: {  	_ =	shalt  }
0x71: {  	_ =	shalt  }
0x72: {  	_ =	shalt  }
0x73: {  	_ =	shalt  }
0x74: {  	_ =	shalt  }
0x75: {  	_ =	shalt  }
0x76: {  	_ =	shalt  }
0x77: {  	_ =	shalt  }
0x78: {  	_ =	shalt  }
0x79: {  	_ =	shalt  }
0x7a: {  	_ =	shalt  }
0x7b: {  	_ =	shalt  }
0x7c: {  	_ =	shalt  }
0x7d: {  	_ =	shalt  }
0x7e: {  	_ =	shalt  }
0x7f: {  	_ =	shalt  }
0x80: {  	_ =	shalt  }
0x81: {  	_ =	shalt  }
0x82: {  	_ =	shalt  }
0x83: {  	_ =	shalt  }
0x84: {  	_ =	shalt  }
0x85: {  	_ =	shalt  }
0x86: {  	_ =	shalt  }
0x87: {  	_ =	shalt  }
.Lfunc_end0:
.L_simem_size_0:
called_computation.1_lowered:
.L_overlay_start_0:
0x88: {  	s2 =	sld [smem:$0x3FD9]  }
0x89: {  	s3 =	sld [smem:$0x3FFE];
	_ =	sdelay $0x1  }
0x8a: {  	s1 =	srdreg.scid  }
0x8b: {  	s0 =	sand.u32 $0x1, s1  }
0x8c: {  	s16 =	sshll.u32 s0, $0xA;
	s2 =	sadd.s32 s3, s2  }
0x8d: {  	s2 =	sadd.s32 s2, s16  }
0x8e: {  	[smem:$0x3FC1] =	sst s2  }
0x8f: {  	_ = 	snop  }
0x90: {  	(tm) =	ssettm $0x1  }
0x91: {  	s17 =	sld [smem:$0x3FFB];
	_ =	sdelay $0x3  }
0x92: {  	_ =	strace s17  }
0x93: {  	s2 =	sld [smem:$0x3FFC];
	_ =	sdelay $0x3  }
0x94: {  	_ =	strace s2  }
0x95: {  	s2 =	sld [smem:$0x3FFD];
	_ =	sdelay $0x3  }
0x96: {  	_ =	strace s2  }
0x97: {  	_ =	strace $0x8FFFFFFF  }
0x98: {  	s18 =	sld [smem:$0x3FDB];
	_ =	sdelay $0x1  }
0x99: {  	s19 =	simm.s32 $_scs_section_size  }
0x9a: {  	s4 =	simm.s32 $_size__tile_overlayer_lowered;
	s5 =	simm.s32 $_tile_overlayer_lowered  }
0x9b: {  	s22 =	simm.s32 $0x1BFF;
	s21 =	sshll.u32 s5, $0x1;
	s2 =	sadd.s32 s19, s18  }
0x9c: {  	s6 =	simm.s32 $0x0;
	s20 =	sshll.u32 s4, $0x1;
	s4 =	sadd.s32 s21, s2  }
0x9d: {  	[timem:s6], [sflag:s22] =	dma.local [hbm:s4], s20  }
0x9e: {  	_ =	swait.ge [sflag:s22], s20  }
0x9f: {  	s3 =	ssub.s32 $0x0, s20;
	[sflag:s22] =	ssyncset.done $0x0  }
0xa0: {  	[sflag:s22] =	ssyncadd.s32 s3;
	_ =	sdelay $0x1  }
0xa1: {  	s23 =	simm.s32 $0x1B8B  }
0xa2: {  	_ =	swait.ge [sflag:s23], $0x1  }
0xa3: {  	[sflag:s23] =	ssyncset.done $0x0  }
0xa4: {  	s25 =	simm.s32 $0x1B8E;
	s24 =	sld [smem:$0x3FFE];
	[sflag:s23] =	ssyncadd.s32 $0xFFFFFFFF  }
0xa5: {  	s26 =	simm.s32 $execute0_lowered;
	[smem:$0x3FD2] =	sst s25  }
0xa6: {  	s4 =	sshll.u32 s26, $0x1;
	_ =	strace $0x80000046;
	[dreg:$0x1] =	wrdreg $0xFFFFFFFF  }
0xa7: {  	s28 =	simm.s32 $_size_execute0_lowered;
	s2 =	sadd.s32 s2, s4;
	[dreg:$0x0] =	wrdreg $0x0  }
0xa8: {  	s4 =	sshll.u32 s28, $0x1;
	[dreg:$0x2] =	wrdreg s2  }
0xa9: {  	[dreg:$0x3] =	wrdreg s4  }
0xaa: {  	[dreg:$0x4] =	wrdreg $0xC0  }
0xab: {  	_ =	task [dreg:s6], $0x5FFFF  }
0xac: {  	[dreg:$0x1] =	wrdreg $0xFFFFFFFF  }
0xad: {  	[dreg:$0x0] =	wrdreg $0x60  }
0xae: {  	[dreg:$0x2] =	wrdreg s24  }
0xaf: {  	[dreg:$0x3] =	wrdreg $0xA  }
0xb0: {  	_ =	task.clear_ibuf [dreg:s6], $0x4FFFF;
	_ =	strace $0x90000046  }
0xb1: {  	s29 =	simm.s32 $0xA;
	_ =	strace $0x80000048  }
0xb2: {  	_ =	swait.ge [sflag:s29], $0x1  }
0xb3: {  	[sflag:s29] =	ssyncadd.s32 $0xFFFFFFFF  }
0xb4: {  	_ =	strace $0x90000048  }
0xb5: {  	_ =	sfence  }
0xb6: {  	s30 =	sld [smem:$0x0];
	_ =	sdelay $0x2  }
0xb7: {  	s31 =	sshll.u32 s1, $0xD;
	s1 =	sshrl.u32 s1, $0x2  }
0xb8: {  	s3 =	sand.u32 $0x4000, s31;
	s1 =	sadd.s32 s1, s30  }
0xb9: {  	s0 =	sor.u32 s3, s0;
	s1 =	sshll.u32 s1, $0x11  }
0xba: {  	s0 =	sor.u32 s1, s0  }
0xbb: {  	s0 =	sadd.s32 $0x8F2B, s0  }
0xbc: {  	[sflag:s0] =	ssyncadd.remote.s32 $0x1  }
0xbd: {  	_ =	sfence.sel $0xFFFF  }
0xbe: {  	[dreg:$0x0] =	wrdreg $0xFFFFFFFF;
	(pc) =	sbr.abs _section_cstart, $3  }
0xbf: {  	[dreg:$0x1] =	wrdreg $0xFFFFFFFF  }
0xc0: {  	_ =	task.clear_ibuf [dreg:s6], $0x2FFFF;
	_ =	strace $0x9FFFFFFF  }
0xc1: {  	(tm) =	ssettm $0x7FFFFFFF  }
tec
execute0_lowered:
.L_overlay_start_1:
0x0: {  	(tag) =	ssettag $0x1  }
0x1: {  	s0 =	srdreg.scid  }
0x2: {  	s1 =	stileid.u32;
	s2 =	rddreg [dreg:$0x0]  }
0x3: {  	s18 =	simm.s32 $0x0;
	s31 =	simm.s32 $0x4;
	s21 =	simm.s32 $0x480  }
0x4: {  	s26 =	simm.s32 $0x100;
	s6 =	simm.s32 $0x4900;
	s7 =	simm.s32 $0x8900  }
0x5: {  	s8 =	simm.s32 $0x1;
	s25 =	simm.s32 $0x500;
	s28 =	simm.s32 $0x180  }
0x6: {  	s15 =	simm.s32 $0xC900;
	s29 =	simm.s32 $0x200;
	s19 =	simm.s32 $0x10900  }
0x7: {  	s30 =	simm.s32 $0x280;
	s20 =	simm.s32 $0x14900;
	s22 =	simm.s32 $0x600  }
0x8: {  	s23 =	simm.s32 $0x680;
	s24 =	simm.s32 $0x700;
	s9 =	simm.s32 $0x2  }
0x9: {  	s14 =	simm.s32 $0x300;
	s0 =	sand.u32 $0x1, s0;
	s1 =	sshll.u32 s1, $0x1  }
0xa: {  	p0 =	por $0x0, $0x0;
	s1 =	sor.u32 s0, s1;
	s0 =	ssub.s32 $0x2, s0  }
0xb: {  	s16 =	simm.s32 $0x380;
	s17 =	simm.s32 $0x400;
	s5 =	sshrl.u32 s0, $0x1  }
0xc: {  	s11 =	simm.s32 $0x780;
	s12 =	simm.s32 $0x800;
	s0 =	ssub.s32 s0, s5  }
0xd: {  	s13 =	simm.s32 $0x880;
	s1 =	smul.u32 $0x90, s1;
	s0 =	smax.u32 s0, $0x1  }
0xe: {  	s10 =	simm.s32 $0x3;
	[smem:$0x7FF] =	sst s18;
	p1 =	sne.s32 s0, $0x1  }
.Ltmp0:
0xf: {  	s3 =	sadd.s32 $0x2400, s2;
	s1 =	sadd.s32 s1, s2;
	(pc) =	sbr.rel @!p1 .LBB2_3-.Ltmp0, $4  }
0x10: {  	_ =	strace $0x80000047;
	[dreg:$0x4] =	wrdreg s26;
	s4 =	sadd.s32 $0x12400, s1  }
0x11: {  	s26 =	simm.s32 $0x580;
	s1 =	sadd.s32 $0x14800, s1;
	[dreg:$0x2] =	wrdreg s4  }
0x12: {  	s5 =	simm.s32 $0x900;
	s2 =	sadd.s32 $0x15A00, s2;
	[dreg:$0x3] =	wrdreg s1  }
0x13: {  	s4 =	simm.s32 $0x80;
	s1 =	sadd.s32 $0xFFFFFFFF, s0;
	s0 =	rddreg [dreg:$0x2]  }
0x14: {  	[tilespmem:s18], [sflag:$0x4] =	stream.linear.gather [hbm4b:s0+s18], $0x480, $0x38;
	[tilespmem:$0x18900] =	vst v63  }
0x15: {  	_ =	swait.ge [sflag:s31], $0x480  }
0x16: {  	[sflag:s31] =	ssyncset.done $0x0  }
0x17: {  	s0 =	rddreg [dreg:$0x3];
	[sflag:s31] =	ssyncadd.s32 $0xFFFFFB80  }
0x18: {  	[tilespmem:s21], [sflag:$0x4] =	stream.linear.gather [hbm4b:s0+s18], $0x480, $0x38;
	[tilespmem:$0x18900] =	vst v63  }
0x19: {  	_ =	swait.ge [sflag:s31], $0x480  }
0x1a: {  	[sflag:s31] =	ssyncset.done $0x0  }
0x1b: {  	[sflag:s31] =	ssyncadd.s32 $0xFFFFFB80  }
0x1c: {  	[tilespmem:s5], [sflag:$0x1] =	stream.indirect.gather [hbm4b:s3+s4], $0x80, s18, s4, $0xb8;
	[tilespmem:$0x18900] =	vst v63  }
0x1d: {  	_ = 	snop  }
0x1e: {  	[tilespmem:s6], [sflag:$0x1] =	stream.indirect.gather [hbm4b:s3+s4], $0x80, s4, s4, $0xb8;
	[tilespmem:$0x18900] =	vst v63  }
0x1f: {  	s0 =	rddreg [dreg:$0x4]  }
0x20: {  	[tilespmem:s7], [sflag:$0x1] =	stream.indirect.gather [hbm4b:s3+s4], $0x80, s0, s4, $0xb8;
	[tilespmem:$0x18900] =	vst v63  }
0x21: {  	_ =	swait.ge [sflag:s8], $0x4000  }
0x22: {  	[sflag:s8] =	ssyncset.done $0x0  }
0x23: {  	[sflag:s8] =	ssyncadd.s32 $0xFFFFC000  }
0x24: {  	_ =	swait.ge [sflag:s8], $0x4000  }
0x25: {  	[sflag:s8] =	ssyncset.done $0x0  }
0x26: {  	[sflag:s8] =	ssyncadd.s32 $0xFFFFC000  }
0x27: {  	_ =	swait.ge [sflag:s8], $0x4000  }
0x28: {  	[sflag:s8] =	ssyncset.done $0x0  }
0x29: {  	[sflag:s8] =	ssyncadd.s32 $0xFFFFC000  }
0x2a: {  	[hbm4b:s2+s4] =	stream.indirect.scatter [tilespmem:s5], [sflag:$0x2], $0x80, s21, s4, $0xb8;
	[tilespmem:$0x18900] =	vst v63  }
0x2b: {  	_ = 	snop  }
0x2c: {  	[hbm4b:s2+s4] =	stream.indirect.scatter [tilespmem:s6], [sflag:$0x2], $0x80, s25, s4, $0xb8;
	[tilespmem:$0x18900] =	vst v63  }
0x2d: {  	_ = 	snop  }
0x2e: {  	[hbm4b:s2+s4] =	stream.indirect.scatter [tilespmem:s7], [sflag:$0x2], $0x80, s26, s4, $0xb8;
	[tilespmem:$0x18900] =	vst v63  }
0x2f: {  	_ = 	snop  }
0x30: {  	[tilespmem:s15], [sflag:$0x1] =	stream.indirect.gather [hbm4b:s3+s4], $0x80, s28, s4, $0xb8;
	[tilespmem:$0x18900] =	vst v63  }
0x31: {  	_ = 	snop  }
0x32: {  	[tilespmem:s19], [sflag:$0x1] =	stream.indirect.gather [hbm4b:s3+s4], $0x80, s29, s4, $0xb8;
	[tilespmem:$0x18900] =	vst v63  }
0x33: {  	_ = 	snop  }
0x34: {  	[tilespmem:s20], [sflag:$0x1] =	stream.indirect.gather [hbm4b:s3+s4], $0x80, s30, s4, $0xb8;
	[tilespmem:$0x18900] =	vst v63  }
0x35: {  	_ =	swait.ge [sflag:s8], $0x4000  }
0x36: {  	[sflag:s8] =	ssyncset.done $0x0  }
0x37: {  	[sflag:s8] =	ssyncadd.s32 $0xFFFFC000  }
0x38: {  	_ =	swait.ge [sflag:s8], $0x4000  }
0x39: {  	[sflag:s8] =	ssyncset.done $0x0  }
0x3a: {  	[sflag:s8] =	ssyncadd.s32 $0xFFFFC000  }
0x3b: {  	_ =	swait.ge [sflag:s8], $0x4000  }
0x3c: {  	[sflag:s8] =	ssyncset.done $0x0  }
0x3d: {  	[sflag:s8] =	ssyncadd.s32 $0xFFFFC000  }
0x3e: {  	[hbm4b:s2+s4] =	stream.indirect.scatter [tilespmem:s15], [sflag:$0x3], $0x80, s22, s4, $0xb8;
	[tilespmem:$0x18900] =	vst v63  }
0x3f: {  	_ = 	snop  }
0x40: {  	[hbm4b:s2+s4] =	stream.indirect.scatter [tilespmem:s19], [sflag:$0x3], $0x80, s23, s4, $0xb8;
	[tilespmem:$0x18900] =	vst v63  }
0x41: {  	_ = 	snop  }
0x42: {  	[hbm4b:s2+s4] =	stream.indirect.scatter [tilespmem:s20], [sflag:$0x3], $0x80, s24, s4, $0xb8;
	[tilespmem:$0x18900] =	vst v63  }
0x43: {  	_ =	swait.ge [sflag:s9], $0x4000  }
0x44: {  	[sflag:s9] =	ssyncset.done $0x0  }
0x45: {  	[sflag:s9] =	ssyncadd.s32 $0xFFFFC000  }
0x46: {  	_ =	swait.ge [sflag:s9], $0x4000  }
0x47: {  	[sflag:s9] =	ssyncset.done $0x0  }
0x48: {  	[sflag:s9] =	ssyncadd.s32 $0xFFFFC000  }
0x49: {  	_ =	swait.ge [sflag:s9], $0x4000  }
0x4a: {  	[sflag:s9] =	ssyncset.done $0x0  }
0x4b: {  	[sflag:s9] =	ssyncadd.s32 $0xFFFFC000  }
0x4c: {  	[tilespmem:s5], [sflag:$0x1] =	stream.indirect.gather [hbm4b:s3+s4], $0x80, s14, s4, $0xb8;
	[tilespmem:$0x18900] =	vst v63  }
0x4d: {  	_ = 	snop  }
0x4e: {  	[tilespmem:s6], [sflag:$0x1] =	stream.indirect.gather [hbm4b:s3+s4], $0x80, s16, s4, $0xb8;
	[tilespmem:$0x18900] =	vst v63  }
0x4f: {  	_ = 	snop  }
0x50: {  	[tilespmem:s7], [sflag:$0x1] =	stream.indirect.gather [hbm4b:s3+s4], $0x80, s17, s4, $0xb8;
	[tilespmem:$0x18900] =	vst v63  }
0x51: {  	_ =	swait.ge [sflag:s8], $0x4000  }
0x52: {  	[sflag:s8] =	ssyncset.done $0x0  }
0x53: {  	[sflag:s8] =	ssyncadd.s32 $0xFFFFC000  }
0x54: {  	_ =	swait.ge [sflag:s8], $0x4000  }
0x55: {  	[sflag:s8] =	ssyncset.done $0x0  }
0x56: {  	[sflag:s8] =	ssyncadd.s32 $0xFFFFC000  }
0x57: {  	_ =	swait.ge [sflag:s8], $0x4000  }
0x58: {  	[sflag:s8] =	ssyncset.done $0x0  }
0x59: {  	[sflag:s8] =	ssyncadd.s32 $0xFFFFC000  }
0x5a: {  	[hbm4b:s2+s4] =	stream.indirect.scatter [tilespmem:s5], [sflag:$0x2], $0x80, s11, s4, $0xb8;
	[tilespmem:$0x18900] =	vst v63  }
0x5b: {  	_ = 	snop  }
0x5c: {  	[hbm4b:s2+s4] =	stream.indirect.scatter [tilespmem:s6], [sflag:$0x2], $0x80, s12, s4, $0xb8;
	[tilespmem:$0x18900] =	vst v63  }
0x5d: {  	_ = 	snop  }
0x5e: {  	[hbm4b:s2+s4] =	stream.indirect.scatter [tilespmem:s7], [sflag:$0x2], $0x80, s13, s4, $0xb8;
	[tilespmem:$0x18900] =	vst v63  }
0x5f: {  	_ =	swait.ge [sflag:s9], $0x4000  }
0x60: {  	[sflag:s9] =	ssyncset.done $0x0  }
0x61: {  	[sflag:s9] =	ssyncadd.s32 $0xFFFFC000  }
0x62: {  	_ =	swait.ge [sflag:s9], $0x4000  }
0x63: {  	[sflag:s9] =	ssyncset.done $0x0  }
0x64: {  	[sflag:s9] =	ssyncadd.s32 $0xFFFFC000  }
0x65: {  	_ =	swait.ge [sflag:s9], $0x4000  }
0x66: {  	[sflag:s9] =	ssyncset.done $0x0  }
0x67: {  	[sflag:s9] =	ssyncadd.s32 $0xFFFFC000  }
0x68: {  	_ =	swait.ge [sflag:s10], $0x4000  }
0x69: {  	[sflag:s10] =	ssyncset.done $0x0  }
0x6a: {  	p1 =	sne.s32 s1, $0x1;
	[sflag:s10] =	ssyncadd.s32 $0xFFFFC000  }
.Ltmp1:
0x6b: {  	_ =	swait.ge [sflag:s10], $0x4000;
	(pc) =	sbr.rel @!p1 .LBB2_3-.Ltmp1, $4  }
0x6c: {  	[sflag:s10] =	ssyncset.done $0x0  }
0x6d: {  	[sflag:s10] =	ssyncadd.s32 $0xFFFFC000  }
0x6e: {  	s1 =	sadd.s32 $0xFFFFFFFF, s1;
	_ =	swait.ge [sflag:s10], $0x4000  }
0x6f: {  	p0 =	por $0x1, $0x1;
	s0 =	rddreg [dreg:$0x2];
	[sflag:s10] =	ssyncset.done $0x0  }
.LBB2_2:
0x70: {  	[sflag:s10] =	ssyncadd.s32 $0xFFFFC000  }
0x71: {  	[tilespmem:s18], [sflag:$0x4] =	stream.linear.gather [hbm4b:s0+s18], $0x480, $0x38;
	[tilespmem:$0x18900] =	vst v63  }
0x72: {  	_ =	swait.ge [sflag:s31], $0x480  }
0x73: {  	[sflag:s31] =	ssyncset.done $0x0  }
0x74: {  	s0 =	rddreg [dreg:$0x3];
	[sflag:s31] =	ssyncadd.s32 $0xFFFFFB80  }
0x75: {  	[tilespmem:s21], [sflag:$0x4] =	stream.linear.gather [hbm4b:s0+s18], $0x480, $0x38;
	[tilespmem:$0x18900] =	vst v63  }
0x76: {  	_ =	swait.ge [sflag:s31], $0x480  }
0x77: {  	[sflag:s31] =	ssyncset.done $0x0  }
0x78: {  	[sflag:s31] =	ssyncadd.s32 $0xFFFFFB80  }
0x79: {  	[tilespmem:s5], [sflag:$0x1] =	stream.indirect.gather [hbm4b:s3+s4], $0x80, s18, s4, $0xb8;
	[tilespmem:$0x18900] =	vst v63  }
0x7a: {  	_ = 	snop  }
0x7b: {  	[tilespmem:s6], [sflag:$0x1] =	stream.indirect.gather [hbm4b:s3+s4], $0x80, s4, s4, $0xb8;
	[tilespmem:$0x18900] =	vst v63  }
0x7c: {  	s0 =	rddreg [dreg:$0x4]  }
0x7d: {  	[tilespmem:s7], [sflag:$0x1] =	stream.indirect.gather [hbm4b:s3+s4], $0x80, s0, s4, $0xb8;
	[tilespmem:$0x18900] =	vst v63  }
0x7e: {  	_ =	swait.ge [sflag:s8], $0x4000  }
0x7f: {  	[sflag:s8] =	ssyncset.done $0x0  }
0x80: {  	[sflag:s8] =	ssyncadd.s32 $0xFFFFC000  }
0x81: {  	_ =	swait.ge [sflag:s8], $0x4000  }
0x82: {  	[sflag:s8] =	ssyncset.done $0x0  }
0x83: {  	[sflag:s8] =	ssyncadd.s32 $0xFFFFC000  }
0x84: {  	_ =	swait.ge [sflag:s8], $0x4000  }
0x85: {  	[sflag:s8] =	ssyncset.done $0x0  }
0x86: {  	[sflag:s8] =	ssyncadd.s32 $0xFFFFC000  }
0x87: {  	[hbm4b:s2+s4] =	stream.indirect.scatter [tilespmem:s5], [sflag:$0x2], $0x80, s21, s4, $0xb8;
	[tilespmem:$0x18900] =	vst v63  }
0x88: {  	_ = 	snop  }
0x89: {  	[hbm4b:s2+s4] =	stream.indirect.scatter [tilespmem:s6], [sflag:$0x2], $0x80, s25, s4, $0xb8;
	[tilespmem:$0x18900] =	vst v63  }
0x8a: {  	_ = 	snop  }
0x8b: {  	[hbm4b:s2+s4] =	stream.indirect.scatter [tilespmem:s7], [sflag:$0x2], $0x80, s26, s4, $0xb8;
	[tilespmem:$0x18900] =	vst v63  }
0x8c: {  	_ = 	snop  }
0x8d: {  	[tilespmem:s15], [sflag:$0x1] =	stream.indirect.gather [hbm4b:s3+s4], $0x80, s28, s4, $0xb8;
	[tilespmem:$0x18900] =	vst v63  }
0x8e: {  	_ = 	snop  }
0x8f: {  	[tilespmem:s19], [sflag:$0x1] =	stream.indirect.gather [hbm4b:s3+s4], $0x80, s29, s4, $0xb8;
	[tilespmem:$0x18900] =	vst v63  }
0x90: {  	_ = 	snop  }
0x91: {  	[tilespmem:s20], [sflag:$0x1] =	stream.indirect.gather [hbm4b:s3+s4], $0x80, s30, s4, $0xb8;
	[tilespmem:$0x18900] =	vst v63  }
0x92: {  	_ =	swait.ge [sflag:s8], $0x4000  }
0x93: {  	[sflag:s8] =	ssyncset.done $0x0  }
0x94: {  	[sflag:s8] =	ssyncadd.s32 $0xFFFFC000  }
0x95: {  	_ =	swait.ge [sflag:s8], $0x4000  }
0x96: {  	[sflag:s8] =	ssyncset.done $0x0  }
0x97: {  	[sflag:s8] =	ssyncadd.s32 $0xFFFFC000  }
0x98: {  	_ =	swait.ge [sflag:s8], $0x4000  }
0x99: {  	[sflag:s8] =	ssyncset.done $0x0  }
0x9a: {  	[sflag:s8] =	ssyncadd.s32 $0xFFFFC000  }
0x9b: {  	[hbm4b:s2+s4] =	stream.indirect.scatter [tilespmem:s15], [sflag:$0x3], $0x80, s22, s4, $0xb8;
	[tilespmem:$0x18900] =	vst v63  }
0x9c: {  	_ = 	snop  }
0x9d: {  	[hbm4b:s2+s4] =	stream.indirect.scatter [tilespmem:s19], [sflag:$0x3], $0x80, s23, s4, $0xb8;
	[tilespmem:$0x18900] =	vst v63  }
0x9e: {  	_ = 	snop  }
0x9f: {  	[hbm4b:s2+s4] =	stream.indirect.scatter [tilespmem:s20], [sflag:$0x3], $0x80, s24, s4, $0xb8;
	[tilespmem:$0x18900] =	vst v63  }
0xa0: {  	_ =	swait.ge [sflag:s9], $0x4000  }
0xa1: {  	[sflag:s9] =	ssyncset.done $0x0  }
0xa2: {  	[sflag:s9] =	ssyncadd.s32 $0xFFFFC000  }
0xa3: {  	_ =	swait.ge [sflag:s9], $0x4000  }
0xa4: {  	[sflag:s9] =	ssyncset.done $0x0  }
0xa5: {  	[sflag:s9] =	ssyncadd.s32 $0xFFFFC000  }
0xa6: {  	_ =	swait.ge [sflag:s9], $0x4000  }
0xa7: {  	[sflag:s9] =	ssyncset.done $0x0  }
0xa8: {  	[sflag:s9] =	ssyncadd.s32 $0xFFFFC000  }
0xa9: {  	[tilespmem:s5], [sflag:$0x1] =	stream.indirect.gather [hbm4b:s3+s4], $0x80, s14, s4, $0xb8;
	[tilespmem:$0x18900] =	vst v63  }
0xaa: {  	_ = 	snop  }
0xab: {  	[tilespmem:s6], [sflag:$0x1] =	stream.indirect.gather [hbm4b:s3+s4], $0x80, s16, s4, $0xb8;
	[tilespmem:$0x18900] =	vst v63  }
0xac: {  	_ = 	snop  }
0xad: {  	[tilespmem:s7], [sflag:$0x1] =	stream.indirect.gather [hbm4b:s3+s4], $0x80, s17, s4, $0xb8;
	[tilespmem:$0x18900] =	vst v63  }
0xae: {  	_ =	swait.ge [sflag:s8], $0x4000  }
0xaf: {  	[sflag:s8] =	ssyncset.done $0x0  }
0xb0: {  	[sflag:s8] =	ssyncadd.s32 $0xFFFFC000  }
0xb1: {  	_ =	swait.ge [sflag:s8], $0x4000  }
0xb2: {  	[sflag:s8] =	ssyncset.done $0x0  }
0xb3: {  	[sflag:s8] =	ssyncadd.s32 $0xFFFFC000  }
0xb4: {  	_ =	swait.ge [sflag:s8], $0x4000  }
0xb5: {  	[sflag:s8] =	ssyncset.done $0x0  }
0xb6: {  	[sflag:s8] =	ssyncadd.s32 $0xFFFFC000  }
0xb7: {  	[hbm4b:s2+s4] =	stream.indirect.scatter [tilespmem:s5], [sflag:$0x2], $0x80, s11, s4, $0xb8;
	[tilespmem:$0x18900] =	vst v63  }
0xb8: {  	_ = 	snop  }
0xb9: {  	[hbm4b:s2+s4] =	stream.indirect.scatter [tilespmem:s6], [sflag:$0x2], $0x80, s12, s4, $0xb8;
	[tilespmem:$0x18900] =	vst v63  }
0xba: {  	_ = 	snop  }
0xbb: {  	[hbm4b:s2+s4] =	stream.indirect.scatter [tilespmem:s7], [sflag:$0x2], $0x80, s13, s4, $0xb8;
	[tilespmem:$0x18900] =	vst v63  }
0xbc: {  	_ =	swait.ge [sflag:s9], $0x4000  }
0xbd: {  	[sflag:s9] =	ssyncset.done $0x0  }
0xbe: {  	[sflag:s9] =	ssyncadd.s32 $0xFFFFC000  }
0xbf: {  	_ =	swait.ge [sflag:s9], $0x4000  }
0xc0: {  	[sflag:s9] =	ssyncset.done $0x0  }
0xc1: {  	[sflag:s9] =	ssyncadd.s32 $0xFFFFC000  }
0xc2: {  	_ =	swait.ge [sflag:s9], $0x4000  }
0xc3: {  	[sflag:s9] =	ssyncset.done $0x0  }
0xc4: {  	[sflag:s9] =	ssyncadd.s32 $0xFFFFC000  }
0xc5: {  	_ =	swait.ge [sflag:s10], $0x4000  }
0xc6: {  	[sflag:s10] =	ssyncset.done $0x0  }
0xc7: {  	p1 =	sne.s32 s1, $0x1;
	[sflag:s10] =	ssyncadd.s32 $0xFFFFC000  }
.Ltmp2:
0xc8: {  	_ =	swait.ge [sflag:s10], $0x4000;
	(pc) =	sbr.rel @p1 .LBB2_2-.Ltmp2, $4  }
0xc9: {  	[sflag:s10] =	ssyncset.done $0x0  }
0xca: {  	[sflag:s10] =	ssyncadd.s32 $0xFFFFC000  }
0xcb: {  	_ =	swait.ge [sflag:s10], $0x4000  }
0xcc: {  	s1 =	sadd.s32 $0xFFFFFFFF, s1;
	s0 =	rddreg [dreg:$0x2];
	[sflag:s10] =	ssyncset.done $0x0  }
.LBB2_3:
0xcd: {  	[sflag:s10] =	ssyncadd.s32 @p0 $0xFFFFC000  }
0xce: {  	[tilespmem:s18], [sflag:$0x4] =	stream.linear.gather [hbm4b:s0+s18], $0x480, $0x38;
	[tilespmem:$0x18900] =	vst v63  }
0xcf: {  	_ =	swait.ge [sflag:s31], $0x480  }
0xd0: {  	[sflag:s31] =	ssyncset.done $0x0  }
0xd1: {  	s1 =	rddreg [dreg:$0x3];
	[sflag:s31] =	ssyncadd.s32 $0xFFFFFB80  }
0xd2: {  	[tilespmem:s21], [sflag:$0x4] =	stream.linear.gather [hbm4b:s1+s18], $0x480, $0x38;
	[tilespmem:$0x18900] =	vst v63  }
0xd3: {  	_ =	swait.ge [sflag:s31], $0x480  }
0xd4: {  	[sflag:s31] =	ssyncset.done $0x0  }
0xd5: {  	[sflag:s31] =	ssyncadd.s32 $0xFFFFFB80  }
0xd6: {  	[tilespmem:s5], [sflag:$0x1] =	stream.indirect.gather [hbm4b:s3+s4], $0x80, s18, s4, $0xb8;
	[tilespmem:$0x18900] =	vst v63  }
0xd7: {  	_ = 	snop  }
0xd8: {  	[tilespmem:s6], [sflag:$0x1] =	stream.indirect.gather [hbm4b:s3+s4], $0x80, s4, s4, $0xb8;
	[tilespmem:$0x18900] =	vst v63  }
0xd9: {  	s18 =	rddreg [dreg:$0x4]  }
0xda: {  	[tilespmem:s7], [sflag:$0x1] =	stream.indirect.gather [hbm4b:s3+s4], $0x80, s18, s4, $0xb8;
	[tilespmem:$0x18900] =	vst v63  }
0xdb: {  	_ =	swait.ge [sflag:s8], $0x4000  }
0xdc: {  	[sflag:s8] =	ssyncset.done $0x0  }
0xdd: {  	[sflag:s8] =	ssyncadd.s32 $0xFFFFC000  }
0xde: {  	_ =	swait.ge [sflag:s8], $0x4000  }
0xdf: {  	[sflag:s8] =	ssyncset.done $0x0  }
0xe0: {  	[sflag:s8] =	ssyncadd.s32 $0xFFFFC000  }
0xe1: {  	_ =	swait.ge [sflag:s8], $0x4000  }
0xe2: {  	[sflag:s8] =	ssyncset.done $0x0  }
0xe3: {  	[sflag:s8] =	ssyncadd.s32 $0xFFFFC000  }
0xe4: {  	[hbm4b:s2+s4] =	stream.indirect.scatter [tilespmem:s5], [sflag:$0x2], $0x80, s21, s4, $0xb8;
	[tilespmem:$0x18900] =	vst v63  }
0xe5: {  	_ = 	snop  }
0xe6: {  	[hbm4b:s2+s4] =	stream.indirect.scatter [tilespmem:s6], [sflag:$0x2], $0x80, s25, s4, $0xb8;
	[tilespmem:$0x18900] =	vst v63  }
0xe7: {  	_ = 	snop  }
0xe8: {  	[hbm4b:s2+s4] =	stream.indirect.scatter [tilespmem:s7], [sflag:$0x2], $0x80, s26, s4, $0xb8;
	[tilespmem:$0x18900] =	vst v63  }
0xe9: {  	_ = 	snop  }
0xea: {  	[tilespmem:s15], [sflag:$0x1] =	stream.indirect.gather [hbm4b:s3+s4], $0x80, s28, s4, $0xb8;
	[tilespmem:$0x18900] =	vst v63  }
0xeb: {  	_ = 	snop  }
0xec: {  	[tilespmem:s19], [sflag:$0x1] =	stream.indirect.gather [hbm4b:s3+s4], $0x80, s29, s4, $0xb8;
	[tilespmem:$0x18900] =	vst v63  }
0xed: {  	_ = 	snop  }
0xee: {  	[tilespmem:s20], [sflag:$0x1] =	stream.indirect.gather [hbm4b:s3+s4], $0x80, s30, s4, $0xb8;
	[tilespmem:$0x18900] =	vst v63  }
0xef: {  	_ =	swait.ge [sflag:s8], $0x4000  }
0xf0: {  	[sflag:s8] =	ssyncset.done $0x0  }
0xf1: {  	[sflag:s8] =	ssyncadd.s32 $0xFFFFC000  }
0xf2: {  	_ =	swait.ge [sflag:s8], $0x4000  }
0xf3: {  	[sflag:s8] =	ssyncset.done $0x0  }
0xf4: {  	[sflag:s8] =	ssyncadd.s32 $0xFFFFC000  }
0xf5: {  	_ =	swait.ge [sflag:s8], $0x4000  }
0xf6: {  	[sflag:s8] =	ssyncset.done $0x0  }
0xf7: {  	[sflag:s8] =	ssyncadd.s32 $0xFFFFC000  }
0xf8: {  	[hbm4b:s2+s4] =	stream.indirect.scatter [tilespmem:s15], [sflag:$0x3], $0x80, s22, s4, $0xb8;
	[tilespmem:$0x18900] =	vst v63  }
0xf9: {  	_ = 	snop  }
0xfa: {  	[hbm4b:s2+s4] =	stream.indirect.scatter [tilespmem:s19], [sflag:$0x3], $0x80, s23, s4, $0xb8;
	[tilespmem:$0x18900] =	vst v63  }
0xfb: {  	_ = 	snop  }
0xfc: {  	[hbm4b:s2+s4] =	stream.indirect.scatter [tilespmem:s20], [sflag:$0x3], $0x80, s24, s4, $0xb8;
	[tilespmem:$0x18900] =	vst v63  }
0xfd: {  	_ =	swait.ge [sflag:s9], $0x4000  }
0xfe: {  	[sflag:s9] =	ssyncset.done $0x0  }
0xff: {  	[sflag:s9] =	ssyncadd.s32 $0xFFFFC000  }
0x100: {  	_ =	swait.ge [sflag:s9], $0x4000  }
0x101: {  	[sflag:s9] =	ssyncset.done $0x0  }
0x102: {  	[sflag:s9] =	ssyncadd.s32 $0xFFFFC000  }
0x103: {  	_ =	swait.ge [sflag:s9], $0x4000  }
0x104: {  	[sflag:s9] =	ssyncset.done $0x0  }
0x105: {  	[sflag:s9] =	ssyncadd.s32 $0xFFFFC000  }
0x106: {  	[tilespmem:s5], [sflag:$0x1] =	stream.indirect.gather [hbm4b:s3+s4], $0x80, s14, s4, $0xb8;
	[tilespmem:$0x18900] =	vst v63  }
0x107: {  	_ = 	snop  }
0x108: {  	[tilespmem:s6], [sflag:$0x1] =	stream.indirect.gather [hbm4b:s3+s4], $0x80, s16, s4, $0xb8;
	[tilespmem:$0x18900] =	vst v63  }
0x109: {  	_ = 	snop  }
0x10a: {  	[tilespmem:s7], [sflag:$0x1] =	stream.indirect.gather [hbm4b:s3+s4], $0x80, s17, s4, $0xb8;
	[tilespmem:$0x18900] =	vst v63  }
0x10b: {  	_ =	swait.ge [sflag:s8], $0x4000  }
0x10c: {  	[sflag:s8] =	ssyncset.done $0x0  }
0x10d: {  	[sflag:s8] =	ssyncadd.s32 $0xFFFFC000  }
0x10e: {  	_ =	swait.ge [sflag:s8], $0x4000  }
0x10f: {  	[sflag:s8] =	ssyncset.done $0x0  }
0x110: {  	[sflag:s8] =	ssyncadd.s32 $0xFFFFC000  }
0x111: {  	_ =	swait.ge [sflag:s8], $0x4000  }
0x112: {  	[sflag:s8] =	ssyncset.done $0x0  }
0x113: {  	[sflag:s8] =	ssyncadd.s32 $0xFFFFC000  }
0x114: {  	[hbm4b:s2+s4] =	stream.indirect.scatter [tilespmem:s5], [sflag:$0x2], $0x80, s11, s4, $0xb8;
	[tilespmem:$0x18900] =	vst v63  }
0x115: {  	_ = 	snop  }
0x116: {  	[hbm4b:s2+s4] =	stream.indirect.scatter [tilespmem:s6], [sflag:$0x2], $0x80, s12, s4, $0xb8;
	[tilespmem:$0x18900] =	vst v63  }
0x117: {  	_ = 	snop  }
0x118: {  	[hbm4b:s2+s4] =	stream.indirect.scatter [tilespmem:s7], [sflag:$0x2], $0x80, s13, s4, $0xb8;
	[tilespmem:$0x18900] =	vst v63  }
0x119: {  	_ =	swait.ge [sflag:s9], $0x4000  }
0x11a: {  	[sflag:s9] =	ssyncset.done $0x0  }
0x11b: {  	[sflag:s9] =	ssyncadd.s32 $0xFFFFC000  }
0x11c: {  	_ =	swait.ge [sflag:s9], $0x4000  }
0x11d: {  	[sflag:s9] =	ssyncset.done $0x0  }
0x11e: {  	[sflag:s9] =	ssyncadd.s32 $0xFFFFC000  }
0x11f: {  	_ =	swait.ge [sflag:s9], $0x4000  }
0x120: {  	[sflag:s9] =	ssyncset.done $0x0  }
0x121: {  	[sflag:s9] =	ssyncadd.s32 $0xFFFFC000  }
0x122: {  	_ =	swait.ge [sflag:s10], $0x4000  }
0x123: {  	[sflag:s10] =	ssyncset.done $0x0  }
0x124: {  	[sflag:s10] =	ssyncadd.s32 $0xFFFFC000  }
0x125: {  	_ =	swait.ge [sflag:s10], $0x4000  }
0x126: {  	[sflag:s10] =	ssyncset.done $0x0  }
0x127: {  	[sflag:s10] =	ssyncadd.s32 $0xFFFFC000  }
0x128: {  	_ =	swait.ge [sflag:s10], $0x4000  }
0x129: {  	[sflag:s10] =	ssyncset.done $0x0  }
0x12a: {  	[sflag:s10] =	ssyncadd.s32 $0xFFFFC000  }
0x12b: {  	_ =	sfence.sel $0x180000  }
0x12c: {  	[bflag:$0x0] =	sbarrier.arrive $0xFFFF  }
0x12d: {  	_ =	strace $0x90000047  }
0x12e: {  	s31 =	stileid.u32;
	[bflag:$0x2] =	sbarrier.arrive $0xFFFF  }
0x12f: {  	p0 =	sne.s32 s31, $0x0;
	s0 =	rddreg [dreg:$0x1]  }
0x130: {  	s0 =	sadd.s32 @!p0 $0x100000, s0  }
0x131: {  	[sflag:s0] =	ssyncadd.tile.s32 @!p0 $0x1;
	_ =	shalt  }
.Lfunc_end2:
_tile_overlayer_lowered:
.L_overlay_start_2:
0x132: {  	(tag) =	ssettag $0x2  }
0x133: {  	s0 =	rddreg [dreg:$0x0];
	s2 =	stileid.u32  }
0x134: {  	s1 =	rddreg [dreg:$0x1];
	p0 =	sne.s32 s2, $0x0  }
0x135: {  	s3 =	rddreg [dreg:$0x2];
	[bflag:$0x3] =	sbarrier.arrive $0xFFFF;
	s2 =	simm.s32 @!p0 $0x1C04  }
0x136: {  	[timem:s3], [sflag:s2] =	dma.local @!p0 [hbm:s0], s1  }
0x137: {  	s0 =	simm.s32 @!p0 $0x4  }
0x138: {  	_ =	swait.ge @!p0 [sflag:s0], s1  }
0x139: {  	s1 =	ssub.s32 @!p0 $0x0, s1;
	[sflag:s0] =	ssyncset.done @!p0 $0x0  }
0x13a: {  	[sflag:s0] =	ssyncadd.s32 @!p0 s1  }
0x13b: {  	[bflag:$0x3] =	sbarrier.arrive $0xFFFF  }
0x13c: {  	_ =	shalt  }

// kernel: kernel.9.cloned.1.call-start
scs
__scs_entry_jumppad:
0x0: {  	(pc) =	sbr.rel $0x88, $3  }
0x1: {  	(tag) =	ssettag $0x0;
	lr =	simm.s32 $0x1  }
0x2: {  	[smem:$0x3F9A] =	sst lr;
	_ =	strace $0xD0000000  }
0x3: {  	_ = 	snop  }
0x4: {  	_ = 	snop  }
0x5: {  	_ = 	snop  }
0x6: {  	_ = 	snop  }
0x7: {  	_ = 	snop  }
__scs_overlays_trampoline_lowered:
0x8: {  	[smem:$0x3FA9] =	sst s0  }
0x9: {  	[smem:$0x3FAA] =	sst s1  }
0xa: {  	[smem:$0x3FAB] =	sst s2  }
0xb: {  	[smem:$0x3FAC] =	sst s3  }
0xc: {  	[smem:$0x3FAD] =	sst s4  }
0xd: {  	[smem:$0x3FAE] =	sst s5  }
0xe: {  	[smem:$0x3FAF] =	sst s6  }
0xf: {  	[smem:$0x3FB0] =	sst s7  }
0x10: {  	[smem:$0x3FB1] =	sst s8  }
0x11: {  	[smem:$0x3FB2] =	sst s9;
	s0 =	simm.s32 @!p0 $0x0  }
0x12: {  	s1 =	sld [smem:$0x3F98];
	s0 =	simm.s32 @p0 $0x1  }
0x13: {  	[smem:$0x3FB3] =	sst s0;
	s0 =	simm.s32 @!p1 $0x0  }
0x14: {  	s2 =	sld [smem:$0x3F97];
	s0 =	simm.s32 @p1 $0x1  }
0x15: {  	[smem:$0x3FB4] =	sst s0;
	s0 =	simm.s32 @!p2 $0x0  }
0x16: {  	s3 =	sld [smem:$0x3FDB];
	s0 =	simm.s32 @p2 $0x1  }
0x17: {  	s4 =	simm.s32 $0x1BF5;
	[smem:$0x3FB6] =	sst s0  }
0x18: {  	s0 =	sld [smem:$0x3F99];
	_ =	swait.ge [sflag:s4], $0x0  }
0x19: {  	s7 =	sld [smem:$0x3F9A]  }
0x1a: {  	s8 =	sadd.s32 $0xFFFFE003, lr  }
0x1b: {  	s9 =	sadd.s32 $0xFFFFFEF7, lr;
	s5 =	simm.s32 $0xFFFFFFFF;
	p2 =	slt.u32 s8, $0xFFFFF086  }
0x1c: {  	p1 =	slt.u32 s9, $0xF7A;
	s5 =	simm.s32 @!p2 $0x0  }
0x1d: {  	s5 =	simm.s32 @p1 $0x1;
	p0 =	seq.s32 s7, s2  }
0x1e: {  	s7 =	smul.u32 @!p0 $0xF7A, s2;
	p2 =	seq.s32 @!p0 s5, $0x0  }
0x1f: {  	s9 =	smul.u32 $0xF7A, s1;
	s8 =	simm.s32 @!p0 $0x1BF5;
	p2 =	por !p2, p0  }
0x20: {  	[sflag:s8] =	ssyncset.s32 @!p0 $0xFFFFF086;
	s6 =	sadd.s32 @!p0 s3, s7;
	s7 =	simm.s32 @!p0 $0x108  }
0x21: {  	s3 =	sadd.s32 s3, s9;
	s6 =	sadd.s32 @!p0 $0x88, s6;
	s7 =	simm.s32 @p2 $0x1082  }
0x22: {  	[simem:s7], [sflag:s8] =	dma.local @!p0 [hbm:s6], $0xF7A  }
0x23: {  	s9 =	sor.u32 $0xD0000000, s2;
	s6 =	simm.s32 $0x108;
	_ =	swait.ge @!p0 [sflag:s8], $0x0  }
0x24: {  	s3 =	sadd.s32 $0x88, s3;
	s6 =	simm.s32 @!p1 $0x1082;
	[sflag:s4] =	ssyncset.s32 $0xFFFFF086  }
0x25: {  	[simem:s6], [sflag:s4] =	dma.local [hbm:s3], $0xF7A  }
0x26: {  	[smem:$0x3F9A] =	sst s1;
	(tag) =	ssettag s2;
	_ =	strace s9  }
0x27: {  	s1 =	sld [smem:$0x3FAA]  }
0x28: {  	s2 =	sld [smem:$0x3FAB]  }
0x29: {  	s4 =	sld [smem:$0x3FAD]  }
0x2a: {  	p0 =	seq.s32 s5, $0x0;
	s5 =	sld [smem:$0x3FAE]  }
0x2b: {  	s6 =	sld [smem:$0x3FAF]  }
0x2c: {  	s7 =	sld [smem:$0x3FB0]  }
0x2d: {  	s3 =	simm.s32 $0x108;
	s8 =	sld [smem:$0x3FB1]  }
0x2e: {  	s3 =	simm.s32 @!p0 $0x1082;
	s9 =	sld [smem:$0x3FB2]  }
0x2f: {  	lr =	sadd.s32 s0, s3;
	s0 =	sld [smem:$0x3FA9]  }
0x30: {  	s3 =	sld [smem:$0x3FAC]  }
0x31: {  	[smem:$0x3FB5] =	sst s10  }
0x32: {  	s10 =	sld [smem:$0x3FB3];
	_ =	sdelay $0x3  }
0x33: {  	p0 =	seq.s32 s10, $0x1;
	s10 =	sld [smem:$0x3FB5];
	_ =	sdelay $0x3  }
0x34: {  	[smem:$0x3FB5] =	sst s10  }
0x35: {  	s10 =	sld [smem:$0x3FB4];
	_ =	sdelay $0x3  }
0x36: {  	p1 =	seq.s32 s10, $0x1;
	s10 =	sld [smem:$0x3FB5];
	_ =	sdelay $0x3  }
0x37: {  	[smem:$0x3FB5] =	sst s10  }
0x38: {  	s10 =	sld [smem:$0x3FB6]  }
0x39: {  	_ = 	snop;
	(pc) =	sbr.ind lr, $3  }
0x3a: {  	_ = 	snop  }
0x3b: {  	_ = 	snop  }
0x3c: {  	p2 =	seq.s32 s10, $0x1;
	s10 =	sld [smem:$0x3FB5]  }
0x3d: {  	_ =	shalt  }
0x3e: {  	_ =	shalt  }
0x3f: {  	_ =	shalt  }
0x40: {  	_ =	shalt  }
0x41: {  	_ =	shalt  }
0x42: {  	_ =	shalt  }
0x43: {  	_ =	shalt  }
0x44: {  	_ =	shalt  }
0x45: {  	_ =	shalt  }
0x46: {  	_ =	shalt  }
0x47: {  	_ =	shalt  }
0x48: {  	_ =	shalt  }
0x49: {  	_ =	shalt  }
0x4a: {  	_ =	shalt  }
0x4b: {  	_ =	shalt  }
0x4c: {  	_ =	shalt  }
0x4d: {  	_ =	shalt  }
0x4e: {  	_ =	shalt  }
0x4f: {  	_ =	shalt  }
0x50: {  	_ =	shalt  }
0x51: {  	_ =	shalt  }
0x52: {  	_ =	shalt  }
0x53: {  	_ =	shalt  }
0x54: {  	_ =	shalt  }
0x55: {  	_ =	shalt  }
0x56: {  	_ =	shalt  }
0x57: {  	_ =	shalt  }
0x58: {  	_ =	shalt  }
0x59: {  	_ =	shalt  }
0x5a: {  	_ =	shalt  }
0x5b: {  	_ =	shalt  }
0x5c: {  	_ =	shalt  }
0x5d: {  	_ =	shalt  }
0x5e: {  	_ =	shalt  }
0x5f: {  	_ =	shalt  }
0x60: {  	_ =	shalt  }
0x61: {  	_ =	shalt  }
0x62: {  	_ =	shalt  }
0x63: {  	_ =	shalt  }
0x64: {  	_ =	shalt  }
0x65: {  	_ =	shalt  }
0x66: {  	_ =	shalt  }
0x67: {  	_ =	shalt  }
0x68: {  	_ =	shalt  }
0x69: {  	_ =	shalt  }
0x6a: {  	_ =	shalt  }
0x6b: {  	_ =	shalt  }
0x6c: {  	_ =	shalt  }
0x6d: {  	_ =	shalt  }
0x6e: {  	_ =	shalt  }
0x6f: {  	_ =	shalt  }
0x70: {  	_ =	shalt  }
0x71: {  	_ =	shalt  }
0x72: {  	_ =	shalt  }
0x73: {  	_ =	shalt  }
0x74: {  	_ =	shalt  }
0x75: {  	_ =	shalt  }
0x76: {  	_ =	shalt  }
0x77: {  	_ =	shalt  }
0x78: {  	_ =	shalt  }
0x79: {  	_ =	shalt  }
0x7a: {  	_ =	shalt  }
0x7b: {  	_ =	shalt  }
0x7c: {  	_ =	shalt  }
0x7d: {  	_ =	shalt  }
0x7e: {  	_ =	shalt  }
0x7f: {  	_ =	shalt  }
0x80: {  	_ =	shalt  }
0x81: {  	_ =	shalt  }
0x82: {  	_ =	shalt  }
0x83: {  	_ =	shalt  }
0x84: {  	_ =	shalt  }
0x85: {  	_ =	shalt  }
0x86: {  	_ =	shalt  }
0x87: {  	_ =	shalt  }
.Lfunc_end0:
.L_simem_size_0:
called_computation_lowered:
.L_overlay_start_0:
0x88: {  	s2 =	sld [smem:$0x3FD9]  }
0x89: {  	s3 =	sld [smem:$0x3FFE];
	_ =	sdelay $0x1  }
0x8a: {  	s1 =	srdreg.scid  }
0x8b: {  	s0 =	sand.u32 $0x1, s1  }
0x8c: {  	s17 =	sshll.u32 s0, $0xA;
	s2 =	sadd.s32 s3, s2  }
0x8d: {  	s2 =	sadd.s32 s2, s17  }
0x8e: {  	[smem:$0x3FC1] =	sst s2  }
0x8f: {  	_ = 	snop  }
0x90: {  	s18 =	sld [smem:$0x3FD0];
	(tm) =	ssettm $0x1  }
0x91: {  	s19 =	sld [smem:$0x3FFB];
	_ =	sdelay $0x3  }
0x92: {  	_ =	strace s19  }
0x93: {  	s2 =	sld [smem:$0x3FFC];
	_ =	sdelay $0x3  }
0x94: {  	_ =	strace s2  }
0x95: {  	s2 =	sld [smem:$0x3FFD];
	_ =	sdelay $0x3  }
0x96: {  	_ =	strace s2  }
0x97: {  	_ =	strace $0x8FFFFFFF  }
0x98: {  	s20 =	sld [smem:$0x3FDB];
	_ =	sdelay $0x1  }
0x99: {  	s4 =	simm.s32 $_scs_section_size  }
0x9a: {  	s5 =	simm.s32 $_size__tile_overlayer_lowered;
	s6 =	simm.s32 $_tile_overlayer_lowered  }
0x9b: {  	s7 =	simm.s32 $0x1BFF;
	s21 =	sshll.u32 s6, $0x1;
	s4 =	sadd.s32 s4, s20  }
0x9c: {  	s22 =	simm.s32 $0x0;
	s5 =	sshll.u32 s5, $0x1;
	s6 =	sadd.s32 s21, s4  }
0x9d: {  	[timem:s22], [sflag:s7] =	dma.local [hbm:s6], s5  }
0x9e: {  	_ =	swait.ge [sflag:s7], s5  }
0x9f: {  	s5 =	ssub.s32 $0x0, s5;
	[sflag:s7] =	ssyncset.done $0x0  }
0xa0: {  	[sflag:s7] =	ssyncadd.s32 s5;
	_ =	sdelay $0x1  }
0xa1: {  	s23 =	simm.s32 $0x1B8B  }
0xa2: {  	_ =	swait.ge [sflag:s23], $0x1  }
0xa3: {  	[sflag:s23] =	ssyncset.done $0x0  }
0xa4: {  	[sflag:s23] =	ssyncadd.s32 $0xFFFFFFFF  }
0xa5: {  	s5 =	sld [smem:$0x0]  }
0xa6: {  	s6 =	sand.u32 $0xFFFFFFFE, s1  }
0xa7: {  	p0 =	sne.s32 s1, s6  }
0xa8: {  	s6 =	sshll.u32 @p0 s6, $0xE  }
0xa9: {  	s6 =	sadd.s32 @p0 $0x11B8D, s6;
	s7 =	sshll.u32 @p0 s5, $0x11  }
0xaa: {  	s6 =	sor.u32 @p0 s7, s6  }
0xab: {  	[sflag:s6] =	ssyncadd.remote.s32 @p0 $0x1;
	_ =	sdelay $0x1  }
0xac: {  	s6 =	simm.s32 @p0 $0x1B8D  }
0xad: {  	_ =	swait.eq @p0 [sflag:s6], $0x1  }
0xae: {  	[sflag:s6] =	ssyncadd.s32 @p0 $0xFFFFFFFF  }
0xaf: {  	s7 =	sshll.u32 @!p0 s1, $0xE  }
0xb0: {  	s7 =	sor.u32 @!p0 $0x4000, s7;
	s6 =	simm.s32 @!p0 $0x1B8D  }
0xb1: {  	s5 =	sshll.u32 @!p0 s5, $0x11;
	s7 =	sadd.s32 @!p0 $0x11B8D, s7;
	_ =	swait.eq @!p0 [sflag:s6], $0x1  }
0xb2: {  	s5 =	sor.u32 @!p0 s5, s7;
	[sflag:s6] =	ssyncadd.s32 @!p0 $0xFFFFFFFF  }
0xb3: {  	s25 =	simm.s32 $0x1B8E;
	s24 =	sld [smem:$0x3FFE];
	[sflag:s5] =	ssyncadd.remote.s32 @!p0 $0x1  }
0xb4: {  	s26 =	simm.s32 $execute0_lowered;
	[smem:$0x3FD2] =	sst s25  }
0xb5: {  	s6 =	sshll.u32 s26, $0x1;
	_ =	strace $0x80000049;
	[dreg:$0x1] =	wrdreg $0xFFFFFFFF  }
0xb6: {  	s28 =	simm.s32 $_size_execute0_lowered;
	s4 =	sadd.s32 s4, s6;
	[dreg:$0x0] =	wrdreg $0x0  }
0xb7: {  	s6 =	sshll.u32 s28, $0x1;
	[dreg:$0x2] =	wrdreg s4  }
0xb8: {  	[dreg:$0x3] =	wrdreg s6  }
0xb9: {  	[dreg:$0x4] =	wrdreg $0xC0  }
0xba: {  	_ =	task [dreg:s22], $0x5FFFF  }
0xbb: {  	[dreg:$0x1] =	wrdreg $0xFFFFFFFF  }
0xbc: {  	[dreg:$0x0] =	wrdreg $0x60  }
0xbd: {  	[dreg:$0x2] =	wrdreg s18  }
0xbe: {  	[dreg:$0x3] =	wrdreg s24  }
0xbf: {  	[dreg:$0x4] =	wrdreg $0x9  }
0xc0: {  	_ =	task.clear_ibuf [dreg:s22], $0x5FFFF;
	_ =	strace $0x90000049  }
0xc1: {  	s29 =	simm.s32 $0x9;
	_ =	strace $0x8000004B  }
0xc2: {  	_ =	swait.ge [sflag:s29], $0x1  }
0xc3: {  	[sflag:s29] =	ssyncadd.s32 $0xFFFFFFFF  }
0xc4: {  	_ =	strace $0x9000004B  }
0xc5: {  	_ =	sfence  }
0xc6: {  	s30 =	sld [smem:$0x0];
	_ =	sdelay $0x2  }
0xc7: {  	s31 =	sshll.u32 s1, $0xD;
	s1 =	sshrl.u32 s1, $0x2  }
0xc8: {  	s4 =	sand.u32 $0x4000, s31;
	s1 =	sadd.s32 s1, s30  }
0xc9: {  	s0 =	sor.u32 s4, s0;
	s1 =	sshll.u32 s1, $0x11  }
0xca: {  	s0 =	sor.u32 s1, s0  }
0xcb: {  	s0 =	sadd.s32 $0x8F2B, s0  }
0xcc: {  	[sflag:s0] =	ssyncadd.remote.s32 $0x1  }
0xcd: {  	_ =	sfence.sel $0xFFFF  }
0xce: {  	[dreg:$0x0] =	wrdreg $0xFFFFFFFF;
	(pc) =	sbr.abs _section_cstart, $3  }
0xcf: {  	[dreg:$0x1] =	wrdreg $0xFFFFFFFF  }
0xd0: {  	_ =	task.clear_ibuf [dreg:s22], $0x2FFFF;
	_ =	strace $0x9FFFFFFF  }
0xd1: {  	(tm) =	ssettm $0x7FFFFFFF  }
tec
execute0_lowered:
.L_overlay_start_1:
0x0: {  	(tag) =	ssettag $0x1  }
0x1: {  	s0 =	srdreg.scid  }
0x2: {  	s1 =	stileid.u32;
	s2 =	rddreg [dreg:$0x0]  }
0x3: {  	s3 =	rddreg [dreg:$0x1];
	s20 =	simm.s32 $0x0;
	s31 =	simm.s32 $0x4  }
0x4: {  	s21 =	simm.s32 $0x480;
	s26 =	simm.s32 $0x100;
	s6 =	simm.s32 $0x4900  }
0x5: {  	s7 =	simm.s32 $0x8900;
	s8 =	simm.s32 $0x1;
	s25 =	simm.s32 $0x500  }
0x6: {  	s28 =	simm.s32 $0x180;
	s15 =	simm.s32 $0xC900;
	s29 =	simm.s32 $0x200  }
0x7: {  	s18 =	simm.s32 $0x10900;
	s30 =	simm.s32 $0x280;
	s19 =	simm.s32 $0x14900  }
0x8: {  	s22 =	simm.s32 $0x600;
	s23 =	simm.s32 $0x680;
	s24 =	simm.s32 $0x700  }
0x9: {  	s9 =	simm.s32 $0x2;
	s0 =	sand.u32 $0x1, s0;
	s1 =	sshll.u32 s1, $0x1  }
0xa: {  	s14 =	simm.s32 $0x300;
	s1 =	sor.u32 s0, s1;
	s0 =	ssub.s32 $0x2, s0  }
0xb: {  	p0 =	por $0x0, $0x0;
	s16 =	simm.s32 $0x380;
	s5 =	sshrl.u32 s0, $0x1  }
0xc: {  	s17 =	simm.s32 $0x400;
	s11 =	simm.s32 $0x780;
	s0 =	ssub.s32 s0, s5  }
0xd: {  	s12 =	simm.s32 $0x800;
	s1 =	smul.u32 $0x90, s1;
	s0 =	smax.u32 s0, $0x1  }
0xe: {  	s13 =	simm.s32 $0x880;
	s10 =	simm.s32 $0x3;
	p1 =	sne.s32 s0, $0x1  }
.Ltmp0:
0xf: {  	[smem:$0x7FF] =	sst s20;
	s1 =	sadd.s32 s1, s3;
	(pc) =	sbr.rel @!p1 .LBB2_3-.Ltmp0, $4  }
0x10: {  	_ =	strace $0x8000004A;
	[dreg:$0x5] =	wrdreg s26;
	s4 =	sadd.s32 $0xA5A00, s1  }
0x11: {  	s26 =	simm.s32 $0x580;
	s1 =	sadd.s32 $0x13600, s1;
	[dreg:$0x3] =	wrdreg s4  }
0x12: {  	s5 =	simm.s32 $0x900;
	s3 =	sadd.s32 $0xA6C00, s3;
	[dreg:$0x4] =	wrdreg s1  }
0x13: {  	s4 =	simm.s32 $0x80;
	s1 =	sadd.s32 $0xFFFFFFFF, s0;
	s0 =	rddreg [dreg:$0x3]  }
0x14: {  	[tilespmem:s20], [sflag:$0x4] =	stream.linear.gather [hbm4b:s0+s20], $0x480, $0x38;
	[tilespmem:$0x18900] =	vst v63  }
0x15: {  	_ =	swait.ge [sflag:s31], $0x480  }
0x16: {  	[sflag:s31] =	ssyncset.done $0x0  }
0x17: {  	s0 =	rddreg [dreg:$0x4];
	[sflag:s31] =	ssyncadd.s32 $0xFFFFFB80  }
0x18: {  	[tilespmem:s21], [sflag:$0x4] =	stream.linear.gather [hbm4b:s0+s20], $0x480, $0x38;
	[tilespmem:$0x18900] =	vst v63  }
0x19: {  	_ =	swait.ge [sflag:s31], $0x480  }
0x1a: {  	[sflag:s31] =	ssyncset.done $0x0  }
0x1b: {  	[sflag:s31] =	ssyncadd.s32 $0xFFFFFB80  }
0x1c: {  	[tilespmem:s5], [sflag:$0x1] =	stream.indirect.gather [hbm4b:s2+s4], $0x80, s20, s4, $0xb8;
	[tilespmem:$0x18900] =	vst v63  }
0x1d: {  	_ = 	snop  }
0x1e: {  	[tilespmem:s6], [sflag:$0x1] =	stream.indirect.gather [hbm4b:s2+s4], $0x80, s4, s4, $0xb8;
	[tilespmem:$0x18900] =	vst v63  }
0x1f: {  	s0 =	rddreg [dreg:$0x5]  }
0x20: {  	[tilespmem:s7], [sflag:$0x1] =	stream.indirect.gather [hbm4b:s2+s4], $0x80, s0, s4, $0xb8;
	[tilespmem:$0x18900] =	vst v63  }
0x21: {  	_ =	swait.ge [sflag:s8], $0x4000  }
0x22: {  	[sflag:s8] =	ssyncset.done $0x0  }
0x23: {  	[sflag:s8] =	ssyncadd.s32 $0xFFFFC000  }
0x24: {  	_ =	swait.ge [sflag:s8], $0x4000  }
0x25: {  	[sflag:s8] =	ssyncset.done $0x0  }
0x26: {  	[sflag:s8] =	ssyncadd.s32 $0xFFFFC000  }
0x27: {  	_ =	swait.ge [sflag:s8], $0x4000  }
0x28: {  	[sflag:s8] =	ssyncset.done $0x0  }
0x29: {  	[sflag:s8] =	ssyncadd.s32 $0xFFFFC000  }
0x2a: {  	[hbm4b:s3+s4] =	stream.indirect.scatter [tilespmem:s5], [sflag:$0x2], $0x80, s21, s4, $0xb8;
	[tilespmem:$0x18900] =	vst v63  }
0x2b: {  	_ = 	snop  }
0x2c: {  	[hbm4b:s3+s4] =	stream.indirect.scatter [tilespmem:s6], [sflag:$0x2], $0x80, s25, s4, $0xb8;
	[tilespmem:$0x18900] =	vst v63  }
0x2d: {  	_ = 	snop  }
0x2e: {  	[hbm4b:s3+s4] =	stream.indirect.scatter [tilespmem:s7], [sflag:$0x2], $0x80, s26, s4, $0xb8;
	[tilespmem:$0x18900] =	vst v63  }
0x2f: {  	_ = 	snop  }
0x30: {  	[tilespmem:s15], [sflag:$0x1] =	stream.indirect.gather [hbm4b:s2+s4], $0x80, s28, s4, $0xb8;
	[tilespmem:$0x18900] =	vst v63  }
0x31: {  	_ = 	snop  }
0x32: {  	[tilespmem:s18], [sflag:$0x1] =	stream.indirect.gather [hbm4b:s2+s4], $0x80, s29, s4, $0xb8;
	[tilespmem:$0x18900] =	vst v63  }
0x33: {  	_ = 	snop  }
0x34: {  	[tilespmem:s19], [sflag:$0x1] =	stream.indirect.gather [hbm4b:s2+s4], $0x80, s30, s4, $0xb8;
	[tilespmem:$0x18900] =	vst v63  }
0x35: {  	_ =	swait.ge [sflag:s8], $0x4000  }
0x36: {  	[sflag:s8] =	ssyncset.done $0x0  }
0x37: {  	[sflag:s8] =	ssyncadd.s32 $0xFFFFC000  }
0x38: {  	_ =	swait.ge [sflag:s8], $0x4000  }
0x39: {  	[sflag:s8] =	ssyncset.done $0x0  }
0x3a: {  	[sflag:s8] =	ssyncadd.s32 $0xFFFFC000  }
0x3b: {  	_ =	swait.ge [sflag:s8], $0x4000  }
0x3c: {  	[sflag:s8] =	ssyncset.done $0x0  }
0x3d: {  	[sflag:s8] =	ssyncadd.s32 $0xFFFFC000  }
0x3e: {  	[hbm4b:s3+s4] =	stream.indirect.scatter [tilespmem:s15], [sflag:$0x3], $0x80, s22, s4, $0xb8;
	[tilespmem:$0x18900] =	vst v63  }
0x3f: {  	_ = 	snop  }
0x40: {  	[hbm4b:s3+s4] =	stream.indirect.scatter [tilespmem:s18], [sflag:$0x3], $0x80, s23, s4, $0xb8;
	[tilespmem:$0x18900] =	vst v63  }
0x41: {  	_ = 	snop  }
0x42: {  	[hbm4b:s3+s4] =	stream.indirect.scatter [tilespmem:s19], [sflag:$0x3], $0x80, s24, s4, $0xb8;
	[tilespmem:$0x18900] =	vst v63  }
0x43: {  	_ =	swait.ge [sflag:s9], $0x4000  }
0x44: {  	[sflag:s9] =	ssyncset.done $0x0  }
0x45: {  	[sflag:s9] =	ssyncadd.s32 $0xFFFFC000  }
0x46: {  	_ =	swait.ge [sflag:s9], $0x4000  }
0x47: {  	[sflag:s9] =	ssyncset.done $0x0  }
0x48: {  	[sflag:s9] =	ssyncadd.s32 $0xFFFFC000  }
0x49: {  	_ =	swait.ge [sflag:s9], $0x4000  }
0x4a: {  	[sflag:s9] =	ssyncset.done $0x0  }
0x4b: {  	[sflag:s9] =	ssyncadd.s32 $0xFFFFC000  }
0x4c: {  	[tilespmem:s5], [sflag:$0x1] =	stream.indirect.gather [hbm4b:s2+s4], $0x80, s14, s4, $0xb8;
	[tilespmem:$0x18900] =	vst v63  }
0x4d: {  	_ = 	snop  }
0x4e: {  	[tilespmem:s6], [sflag:$0x1] =	stream.indirect.gather [hbm4b:s2+s4], $0x80, s16, s4, $0xb8;
	[tilespmem:$0x18900] =	vst v63  }
0x4f: {  	_ = 	snop  }
0x50: {  	[tilespmem:s7], [sflag:$0x1] =	stream.indirect.gather [hbm4b:s2+s4], $0x80, s17, s4, $0xb8;
	[tilespmem:$0x18900] =	vst v63  }
0x51: {  	_ =	swait.ge [sflag:s8], $0x4000  }
0x52: {  	[sflag:s8] =	ssyncset.done $0x0  }
0x53: {  	[sflag:s8] =	ssyncadd.s32 $0xFFFFC000  }
0x54: {  	_ =	swait.ge [sflag:s8], $0x4000  }
0x55: {  	[sflag:s8] =	ssyncset.done $0x0  }
0x56: {  	[sflag:s8] =	ssyncadd.s32 $0xFFFFC000  }
0x57: {  	_ =	swait.ge [sflag:s8], $0x4000  }
0x58: {  	[sflag:s8] =	ssyncset.done $0x0  }
0x59: {  	[sflag:s8] =	ssyncadd.s32 $0xFFFFC000  }
0x5a: {  	[hbm4b:s3+s4] =	stream.indirect.scatter [tilespmem:s5], [sflag:$0x2], $0x80, s11, s4, $0xb8;
	[tilespmem:$0x18900] =	vst v63  }
0x5b: {  	_ = 	snop  }
0x5c: {  	[hbm4b:s3+s4] =	stream.indirect.scatter [tilespmem:s6], [sflag:$0x2], $0x80, s12, s4, $0xb8;
	[tilespmem:$0x18900] =	vst v63  }
0x5d: {  	_ = 	snop  }
0x5e: {  	[hbm4b:s3+s4] =	stream.indirect.scatter [tilespmem:s7], [sflag:$0x2], $0x80, s13, s4, $0xb8;
	[tilespmem:$0x18900] =	vst v63  }
0x5f: {  	_ =	swait.ge [sflag:s9], $0x4000  }
0x60: {  	[sflag:s9] =	ssyncset.done $0x0  }
0x61: {  	[sflag:s9] =	ssyncadd.s32 $0xFFFFC000  }
0x62: {  	_ =	swait.ge [sflag:s9], $0x4000  }
0x63: {  	[sflag:s9] =	ssyncset.done $0x0  }
0x64: {  	[sflag:s9] =	ssyncadd.s32 $0xFFFFC000  }
0x65: {  	_ =	swait.ge [sflag:s9], $0x4000  }
0x66: {  	[sflag:s9] =	ssyncset.done $0x0  }
0x67: {  	[sflag:s9] =	ssyncadd.s32 $0xFFFFC000  }
0x68: {  	_ =	swait.ge [sflag:s10], $0x4000  }
0x69: {  	[sflag:s10] =	ssyncset.done $0x0  }
0x6a: {  	p1 =	sne.s32 s1, $0x1;
	[sflag:s10] =	ssyncadd.s32 $0xFFFFC000  }
.Ltmp1:
0x6b: {  	_ =	swait.ge [sflag:s10], $0x4000;
	(pc) =	sbr.rel @!p1 .LBB2_3-.Ltmp1, $4  }
0x6c: {  	[sflag:s10] =	ssyncset.done $0x0  }
0x6d: {  	[sflag:s10] =	ssyncadd.s32 $0xFFFFC000  }
0x6e: {  	s1 =	sadd.s32 $0xFFFFFFFF, s1;
	_ =	swait.ge [sflag:s10], $0x4000  }
0x6f: {  	p0 =	por $0x1, $0x1;
	s0 =	rddreg [dreg:$0x3];
	[sflag:s10] =	ssyncset.done $0x0  }
.LBB2_2:
0x70: {  	[sflag:s10] =	ssyncadd.s32 $0xFFFFC000  }
0x71: {  	[tilespmem:s20], [sflag:$0x4] =	stream.linear.gather [hbm4b:s0+s20], $0x480, $0x38;
	[tilespmem:$0x18900] =	vst v63  }
0x72: {  	_ =	swait.ge [sflag:s31], $0x480  }
0x73: {  	[sflag:s31] =	ssyncset.done $0x0  }
0x74: {  	s0 =	rddreg [dreg:$0x4];
	[sflag:s31] =	ssyncadd.s32 $0xFFFFFB80  }
0x75: {  	[tilespmem:s21], [sflag:$0x4] =	stream.linear.gather [hbm4b:s0+s20], $0x480, $0x38;
	[tilespmem:$0x18900] =	vst v63  }
0x76: {  	_ =	swait.ge [sflag:s31], $0x480  }
0x77: {  	[sflag:s31] =	ssyncset.done $0x0  }
0x78: {  	[sflag:s31] =	ssyncadd.s32 $0xFFFFFB80  }
0x79: {  	[tilespmem:s5], [sflag:$0x1] =	stream.indirect.gather [hbm4b:s2+s4], $0x80, s20, s4, $0xb8;
	[tilespmem:$0x18900] =	vst v63  }
0x7a: {  	_ = 	snop  }
0x7b: {  	[tilespmem:s6], [sflag:$0x1] =	stream.indirect.gather [hbm4b:s2+s4], $0x80, s4, s4, $0xb8;
	[tilespmem:$0x18900] =	vst v63  }
0x7c: {  	s0 =	rddreg [dreg:$0x5]  }
0x7d: {  	[tilespmem:s7], [sflag:$0x1] =	stream.indirect.gather [hbm4b:s2+s4], $0x80, s0, s4, $0xb8;
	[tilespmem:$0x18900] =	vst v63  }
0x7e: {  	_ =	swait.ge [sflag:s8], $0x4000  }
0x7f: {  	[sflag:s8] =	ssyncset.done $0x0  }
0x80: {  	[sflag:s8] =	ssyncadd.s32 $0xFFFFC000  }
0x81: {  	_ =	swait.ge [sflag:s8], $0x4000  }
0x82: {  	[sflag:s8] =	ssyncset.done $0x0  }
0x83: {  	[sflag:s8] =	ssyncadd.s32 $0xFFFFC000  }
0x84: {  	_ =	swait.ge [sflag:s8], $0x4000  }
0x85: {  	[sflag:s8] =	ssyncset.done $0x0  }
0x86: {  	[sflag:s8] =	ssyncadd.s32 $0xFFFFC000  }
0x87: {  	[hbm4b:s3+s4] =	stream.indirect.scatter [tilespmem:s5], [sflag:$0x2], $0x80, s21, s4, $0xb8;
	[tilespmem:$0x18900] =	vst v63  }
0x88: {  	_ = 	snop  }
0x89: {  	[hbm4b:s3+s4] =	stream.indirect.scatter [tilespmem:s6], [sflag:$0x2], $0x80, s25, s4, $0xb8;
	[tilespmem:$0x18900] =	vst v63  }
0x8a: {  	_ = 	snop  }
0x8b: {  	[hbm4b:s3+s4] =	stream.indirect.scatter [tilespmem:s7], [sflag:$0x2], $0x80, s26, s4, $0xb8;
	[tilespmem:$0x18900] =	vst v63  }
0x8c: {  	_ = 	snop  }
0x8d: {  	[tilespmem:s15], [sflag:$0x1] =	stream.indirect.gather [hbm4b:s2+s4], $0x80, s28, s4, $0xb8;
	[tilespmem:$0x18900] =	vst v63  }
0x8e: {  	_ = 	snop  }
0x8f: {  	[tilespmem:s18], [sflag:$0x1] =	stream.indirect.gather [hbm4b:s2+s4], $0x80, s29, s4, $0xb8;
	[tilespmem:$0x18900] =	vst v63  }
0x90: {  	_ = 	snop  }
0x91: {  	[tilespmem:s19], [sflag:$0x1] =	stream.indirect.gather [hbm4b:s2+s4], $0x80, s30, s4, $0xb8;
	[tilespmem:$0x18900] =	vst v63  }
0x92: {  	_ =	swait.ge [sflag:s8], $0x4000  }
0x93: {  	[sflag:s8] =	ssyncset.done $0x0  }
0x94: {  	[sflag:s8] =	ssyncadd.s32 $0xFFFFC000  }
0x95: {  	_ =	swait.ge [sflag:s8], $0x4000  }
0x96: {  	[sflag:s8] =	ssyncset.done $0x0  }
0x97: {  	[sflag:s8] =	ssyncadd.s32 $0xFFFFC000  }
0x98: {  	_ =	swait.ge [sflag:s8], $0x4000  }
0x99: {  	[sflag:s8] =	ssyncset.done $0x0  }
0x9a: {  	[sflag:s8] =	ssyncadd.s32 $0xFFFFC000  }
0x9b: {  	[hbm4b:s3+s4] =	stream.indirect.scatter [tilespmem:s15], [sflag:$0x3], $0x80, s22, s4, $0xb8;
	[tilespmem:$0x18900] =	vst v63  }
0x9c: {  	_ = 	snop  }
0x9d: {  	[hbm4b:s3+s4] =	stream.indirect.scatter [tilespmem:s18], [sflag:$0x3], $0x80, s23, s4, $0xb8;
	[tilespmem:$0x18900] =	vst v63  }
0x9e: {  	_ = 	snop  }
0x9f: {  	[hbm4b:s3+s4] =	stream.indirect.scatter [tilespmem:s19], [sflag:$0x3], $0x80, s24, s4, $0xb8;
	[tilespmem:$0x18900] =	vst v63  }
0xa0: {  	_ =	swait.ge [sflag:s9], $0x4000  }
0xa1: {  	[sflag:s9] =	ssyncset.done $0x0  }
0xa2: {  	[sflag:s9] =	ssyncadd.s32 $0xFFFFC000  }
0xa3: {  	_ =	swait.ge [sflag:s9], $0x4000  }
0xa4: {  	[sflag:s9] =	ssyncset.done $0x0  }
0xa5: {  	[sflag:s9] =	ssyncadd.s32 $0xFFFFC000  }
0xa6: {  	_ =	swait.ge [sflag:s9], $0x4000  }
0xa7: {  	[sflag:s9] =	ssyncset.done $0x0  }
0xa8: {  	[sflag:s9] =	ssyncadd.s32 $0xFFFFC000  }
0xa9: {  	[tilespmem:s5], [sflag:$0x1] =	stream.indirect.gather [hbm4b:s2+s4], $0x80, s14, s4, $0xb8;
	[tilespmem:$0x18900] =	vst v63  }
0xaa: {  	_ = 	snop  }
0xab: {  	[tilespmem:s6], [sflag:$0x1] =	stream.indirect.gather [hbm4b:s2+s4], $0x80, s16, s4, $0xb8;
	[tilespmem:$0x18900] =	vst v63  }
0xac: {  	_ = 	snop  }
0xad: {  	[tilespmem:s7], [sflag:$0x1] =	stream.indirect.gather [hbm4b:s2+s4], $0x80, s17, s4, $0xb8;
	[tilespmem:$0x18900] =	vst v63  }
0xae: {  	_ =	swait.ge [sflag:s8], $0x4000  }
0xaf: {  	[sflag:s8] =	ssyncset.done $0x0  }
0xb0: {  	[sflag:s8] =	ssyncadd.s32 $0xFFFFC000  }
0xb1: {  	_ =	swait.ge [sflag:s8], $0x4000  }
0xb2: {  	[sflag:s8] =	ssyncset.done $0x0  }
0xb3: {  	[sflag:s8] =	ssyncadd.s32 $0xFFFFC000  }
0xb4: {  	_ =	swait.ge [sflag:s8], $0x4000  }
0xb5: {  	[sflag:s8] =	ssyncset.done $0x0  }
0xb6: {  	[sflag:s8] =	ssyncadd.s32 $0xFFFFC000  }
0xb7: {  	[hbm4b:s3+s4] =	stream.indirect.scatter [tilespmem:s5], [sflag:$0x2], $0x80, s11, s4, $0xb8;
	[tilespmem:$0x18900] =	vst v63  }
0xb8: {  	_ = 	snop  }
0xb9: {  	[hbm4b:s3+s4] =	stream.indirect.scatter [tilespmem:s6], [sflag:$0x2], $0x80, s12, s4, $0xb8;
	[tilespmem:$0x18900] =	vst v63  }
0xba: {  	_ = 	snop  }
0xbb: {  	[hbm4b:s3+s4] =	stream.indirect.scatter [tilespmem:s7], [sflag:$0x2], $0x80, s13, s4, $0xb8;
	[tilespmem:$0x18900] =	vst v63  }
0xbc: {  	_ =	swait.ge [sflag:s9], $0x4000  }
0xbd: {  	[sflag:s9] =	ssyncset.done $0x0  }
0xbe: {  	[sflag:s9] =	ssyncadd.s32 $0xFFFFC000  }
0xbf: {  	_ =	swait.ge [sflag:s9], $0x4000  }
0xc0: {  	[sflag:s9] =	ssyncset.done $0x0  }
0xc1: {  	[sflag:s9] =	ssyncadd.s32 $0xFFFFC000  }
0xc2: {  	_ =	swait.ge [sflag:s9], $0x4000  }
0xc3: {  	[sflag:s9] =	ssyncset.done $0x0  }
0xc4: {  	[sflag:s9] =	ssyncadd.s32 $0xFFFFC000  }
0xc5: {  	_ =	swait.ge [sflag:s10], $0x4000  }
0xc6: {  	[sflag:s10] =	ssyncset.done $0x0  }
0xc7: {  	p1 =	sne.s32 s1, $0x1;
	[sflag:s10] =	ssyncadd.s32 $0xFFFFC000  }
.Ltmp2:
0xc8: {  	_ =	swait.ge [sflag:s10], $0x4000;
	(pc) =	sbr.rel @p1 .LBB2_2-.Ltmp2, $4  }
0xc9: {  	[sflag:s10] =	ssyncset.done $0x0  }
0xca: {  	[sflag:s10] =	ssyncadd.s32 $0xFFFFC000  }
0xcb: {  	_ =	swait.ge [sflag:s10], $0x4000  }
0xcc: {  	s1 =	sadd.s32 $0xFFFFFFFF, s1;
	s0 =	rddreg [dreg:$0x3];
	[sflag:s10] =	ssyncset.done $0x0  }
.LBB2_3:
0xcd: {  	[sflag:s10] =	ssyncadd.s32 @p0 $0xFFFFC000  }
0xce: {  	[tilespmem:s20], [sflag:$0x4] =	stream.linear.gather [hbm4b:s0+s20], $0x480, $0x38;
	[tilespmem:$0x18900] =	vst v63  }
0xcf: {  	_ =	swait.ge [sflag:s31], $0x480  }
0xd0: {  	[sflag:s31] =	ssyncset.done $0x0  }
0xd1: {  	s1 =	rddreg [dreg:$0x4];
	[sflag:s31] =	ssyncadd.s32 $0xFFFFFB80  }
0xd2: {  	[tilespmem:s21], [sflag:$0x4] =	stream.linear.gather [hbm4b:s1+s20], $0x480, $0x38;
	[tilespmem:$0x18900] =	vst v63  }
0xd3: {  	_ =	swait.ge [sflag:s31], $0x480  }
0xd4: {  	[sflag:s31] =	ssyncset.done $0x0  }
0xd5: {  	[sflag:s31] =	ssyncadd.s32 $0xFFFFFB80  }
0xd6: {  	[tilespmem:s5], [sflag:$0x1] =	stream.indirect.gather [hbm4b:s2+s4], $0x80, s20, s4, $0xb8;
	[tilespmem:$0x18900] =	vst v63  }
0xd7: {  	_ = 	snop  }
0xd8: {  	[tilespmem:s6], [sflag:$0x1] =	stream.indirect.gather [hbm4b:s2+s4], $0x80, s4, s4, $0xb8;
	[tilespmem:$0x18900] =	vst v63  }
0xd9: {  	s20 =	rddreg [dreg:$0x5]  }
0xda: {  	[tilespmem:s7], [sflag:$0x1] =	stream.indirect.gather [hbm4b:s2+s4], $0x80, s20, s4, $0xb8;
	[tilespmem:$0x18900] =	vst v63  }
0xdb: {  	_ =	swait.ge [sflag:s8], $0x4000  }
0xdc: {  	[sflag:s8] =	ssyncset.done $0x0  }
0xdd: {  	[sflag:s8] =	ssyncadd.s32 $0xFFFFC000  }
0xde: {  	_ =	swait.ge [sflag:s8], $0x4000  }
0xdf: {  	[sflag:s8] =	ssyncset.done $0x0  }
0xe0: {  	[sflag:s8] =	ssyncadd.s32 $0xFFFFC000  }
0xe1: {  	_ =	swait.ge [sflag:s8], $0x4000  }
0xe2: {  	[sflag:s8] =	ssyncset.done $0x0  }
0xe3: {  	[sflag:s8] =	ssyncadd.s32 $0xFFFFC000  }
0xe4: {  	[hbm4b:s3+s4] =	stream.indirect.scatter [tilespmem:s5], [sflag:$0x2], $0x80, s21, s4, $0xb8;
	[tilespmem:$0x18900] =	vst v63  }
0xe5: {  	_ = 	snop  }
0xe6: {  	[hbm4b:s3+s4] =	stream.indirect.scatter [tilespmem:s6], [sflag:$0x2], $0x80, s25, s4, $0xb8;
	[tilespmem:$0x18900] =	vst v63  }
0xe7: {  	_ = 	snop  }
0xe8: {  	[hbm4b:s3+s4] =	stream.indirect.scatter [tilespmem:s7], [sflag:$0x2], $0x80, s26, s4, $0xb8;
	[tilespmem:$0x18900] =	vst v63  }
0xe9: {  	_ = 	snop  }
0xea: {  	[tilespmem:s15], [sflag:$0x1] =	stream.indirect.gather [hbm4b:s2+s4], $0x80, s28, s4, $0xb8;
	[tilespmem:$0x18900] =	vst v63  }
0xeb: {  	_ = 	snop  }
0xec: {  	[tilespmem:s18], [sflag:$0x1] =	stream.indirect.gather [hbm4b:s2+s4], $0x80, s29, s4, $0xb8;
	[tilespmem:$0x18900] =	vst v63  }
0xed: {  	_ = 	snop  }
0xee: {  	[tilespmem:s19], [sflag:$0x1] =	stream.indirect.gather [hbm4b:s2+s4], $0x80, s30, s4, $0xb8;
	[tilespmem:$0x18900] =	vst v63  }
0xef: {  	_ =	swait.ge [sflag:s8], $0x4000  }
0xf0: {  	[sflag:s8] =	ssyncset.done $0x0  }
0xf1: {  	[sflag:s8] =	ssyncadd.s32 $0xFFFFC000  }
0xf2: {  	_ =	swait.ge [sflag:s8], $0x4000  }
0xf3: {  	[sflag:s8] =	ssyncset.done $0x0  }
0xf4: {  	[sflag:s8] =	ssyncadd.s32 $0xFFFFC000  }
0xf5: {  	_ =	swait.ge [sflag:s8], $0x4000  }
0xf6: {  	[sflag:s8] =	ssyncset.done $0x0  }
0xf7: {  	[sflag:s8] =	ssyncadd.s32 $0xFFFFC000  }
0xf8: {  	[hbm4b:s3+s4] =	stream.indirect.scatter [tilespmem:s15], [sflag:$0x3], $0x80, s22, s4, $0xb8;
	[tilespmem:$0x18900] =	vst v63  }
0xf9: {  	_ = 	snop  }
0xfa: {  	[hbm4b:s3+s4] =	stream.indirect.scatter [tilespmem:s18], [sflag:$0x3], $0x80, s23, s4, $0xb8;
	[tilespmem:$0x18900] =	vst v63  }
0xfb: {  	_ = 	snop  }
0xfc: {  	[hbm4b:s3+s4] =	stream.indirect.scatter [tilespmem:s19], [sflag:$0x3], $0x80, s24, s4, $0xb8;
	[tilespmem:$0x18900] =	vst v63  }
0xfd: {  	_ =	swait.ge [sflag:s9], $0x4000  }
0xfe: {  	[sflag:s9] =	ssyncset.done $0x0  }
0xff: {  	[sflag:s9] =	ssyncadd.s32 $0xFFFFC000  }
0x100: {  	_ =	swait.ge [sflag:s9], $0x4000  }
0x101: {  	[sflag:s9] =	ssyncset.done $0x0  }
0x102: {  	[sflag:s9] =	ssyncadd.s32 $0xFFFFC000  }
0x103: {  	_ =	swait.ge [sflag:s9], $0x4000  }
0x104: {  	[sflag:s9] =	ssyncset.done $0x0  }
0x105: {  	[sflag:s9] =	ssyncadd.s32 $0xFFFFC000  }
0x106: {  	[tilespmem:s5], [sflag:$0x1] =	stream.indirect.gather [hbm4b:s2+s4], $0x80, s14, s4, $0xb8;
	[tilespmem:$0x18900] =	vst v63  }
0x107: {  	_ = 	snop  }
0x108: {  	[tilespmem:s6], [sflag:$0x1] =	stream.indirect.gather [hbm4b:s2+s4], $0x80, s16, s4, $0xb8;
	[tilespmem:$0x18900] =	vst v63  }
0x109: {  	_ = 	snop  }
0x10a: {  	[tilespmem:s7], [sflag:$0x1] =	stream.indirect.gather [hbm4b:s2+s4], $0x80, s17, s4, $0xb8;
	[tilespmem:$0x18900] =	vst v63  }
0x10b: {  	_ =	swait.ge [sflag:s8], $0x4000  }
0x10c: {  	[sflag:s8] =	ssyncset.done $0x0  }
0x10d: {  	[sflag:s8] =	ssyncadd.s32 $0xFFFFC000  }
0x10e: {  	_ =	swait.ge [sflag:s8], $0x4000  }
0x10f: {  	[sflag:s8] =	ssyncset.done $0x0  }
0x110: {  	[sflag:s8] =	ssyncadd.s32 $0xFFFFC000  }
0x111: {  	_ =	swait.ge [sflag:s8], $0x4000  }
0x112: {  	[sflag:s8] =	ssyncset.done $0x0  }
0x113: {  	[sflag:s8] =	ssyncadd.s32 $0xFFFFC000  }
0x114: {  	[hbm4b:s3+s4] =	stream.indirect.scatter [tilespmem:s5], [sflag:$0x2], $0x80, s11, s4, $0xb8;
	[tilespmem:$0x18900] =	vst v63  }
0x115: {  	_ = 	snop  }
0x116: {  	[hbm4b:s3+s4] =	stream.indirect.scatter [tilespmem:s6], [sflag:$0x2], $0x80, s12, s4, $0xb8;
	[tilespmem:$0x18900] =	vst v63  }
0x117: {  	_ = 	snop  }
0x118: {  	[hbm4b:s3+s4] =	stream.indirect.scatter [tilespmem:s7], [sflag:$0x2], $0x80, s13, s4, $0xb8;
	[tilespmem:$0x18900] =	vst v63  }
0x119: {  	_ =	swait.ge [sflag:s9], $0x4000  }
0x11a: {  	[sflag:s9] =	ssyncset.done $0x0  }
0x11b: {  	[sflag:s9] =	ssyncadd.s32 $0xFFFFC000  }
0x11c: {  	_ =	swait.ge [sflag:s9], $0x4000  }
0x11d: {  	[sflag:s9] =	ssyncset.done $0x0  }
0x11e: {  	[sflag:s9] =	ssyncadd.s32 $0xFFFFC000  }
0x11f: {  	_ =	swait.ge [sflag:s9], $0x4000  }
0x120: {  	[sflag:s9] =	ssyncset.done $0x0  }
0x121: {  	[sflag:s9] =	ssyncadd.s32 $0xFFFFC000  }
0x122: {  	_ =	swait.ge [sflag:s10], $0x4000  }
0x123: {  	[sflag:s10] =	ssyncset.done $0x0  }
0x124: {  	[sflag:s10] =	ssyncadd.s32 $0xFFFFC000  }
0x125: {  	_ =	swait.ge [sflag:s10], $0x4000  }
0x126: {  	[sflag:s10] =	ssyncset.done $0x0  }
0x127: {  	[sflag:s10] =	ssyncadd.s32 $0xFFFFC000  }
0x128: {  	_ =	swait.ge [sflag:s10], $0x4000  }
0x129: {  	[sflag:s10] =	ssyncset.done $0x0  }
0x12a: {  	[sflag:s10] =	ssyncadd.s32 $0xFFFFC000  }
0x12b: {  	_ =	sfence.sel $0x180000  }
0x12c: {  	[bflag:$0x0] =	sbarrier.arrive $0xFFFF  }
0x12d: {  	_ =	strace $0x9000004A  }
0x12e: {  	s31 =	stileid.u32;
	[bflag:$0x2] =	sbarrier.arrive $0xFFFF  }
0x12f: {  	p0 =	sne.s32 s31, $0x0;
	s0 =	rddreg [dreg:$0x2]  }
0x130: {  	s0 =	sadd.s32 @!p0 $0x100000, s0  }
0x131: {  	[sflag:s0] =	ssyncadd.tile.s32 @!p0 $0x1;
	_ =	shalt  }
.Lfunc_end2:
_tile_overlayer_lowered:
.L_overlay_start_2:
0x132: {  	(tag) =	ssettag $0x2  }
0x133: {  	s0 =	rddreg [dreg:$0x0];
	s2 =	stileid.u32  }
0x134: {  	s1 =	rddreg [dreg:$0x1];
	p0 =	sne.s32 s2, $0x0  }
0x135: {  	s3 =	rddreg [dreg:$0x2];
	[bflag:$0x3] =	sbarrier.arrive $0xFFFF;
	s2 =	simm.s32 @!p0 $0x1C04  }
0x136: {  	[timem:s3], [sflag:s2] =	dma.local @!p0 [hbm:s0], s1  }
0x137: {  	s0 =	simm.s32 @!p0 $0x4  }
0x138: {  	_ =	swait.ge @!p0 [sflag:s0], s1  }
0x139: {  	s1 =	ssub.s32 @!p0 $0x0, s1;
	[sflag:s0] =	ssyncset.done @!p0 $0x0  }
0x13a: {  	[sflag:s0] =	ssyncadd.s32 @!p0 s1  }
0x13b: {  	[bflag:$0x3] =	sbarrier.arrive $0xFFFF  }
0x13c: {  	_ =	shalt  }

</sc_bundles>
